<compile_context>
chip_gen: v7x
topology: tpu7x:2x2x1
jax: 0.10.2.dev20260603
libtpu: 0.0.44.dev20260713+nightly
codegen_flags: <defaults>
</compile_context>

<pallas_src>
import jax
import jax.numpy as jnp
from jax import lax
from jax.experimental import pallas as pl
from jax.experimental.pallas import tpu as pltpu
from jax.experimental.pallas import tpu_sc as plsc

N = 10000
E = 320000
IN_C = 128
HID = 16
OUT_C = 128

NC = 2
NS = 16
NW = NC * NS
CH = 128
TOTCH = E // CH
NCH = 78
XTRA = TOTCH - NW * NCH
NBUF = 6
NPAD = 10240
RPT = NPAD // NS
PK = NPAD // 8
PKN = N // 8

_MESH = plsc.VectorSubcoreMesh(
    core_axis_name="c", subcore_axis_name="s", num_cores=NC, num_subcores=NS)

_SC_PARAMS = pltpu.CompilerParams(use_tc_tiling_on_sc=False)


def _zero_stage(stage_v, nrows):
    z = jnp.zeros((16,), jnp.float32)

    @pl.loop(0, nrows)
    def _(i):
        stage_v[i, :] = z


def _deg_body(dst_hbm, ones_hbm, out_hbm, dstv, ones_v, stage_v, acc, sem):
    cid = lax.axis_index("c")
    sid = lax.axis_index("s")
    tid = cid * NS + sid
    base = tid * NCH + jnp.minimum(tid, XTRA)

    @pl.when(tid < XTRA)
    def _():
        pltpu.sync_copy(dst_hbm.at[pl.ds(base, NCH + 1)], dstv)

    @pl.when(tid >= XTRA)
    def _():
        pltpu.sync_copy(dst_hbm.at[pl.ds(base, NCH)], dstv.at[pl.ds(0, NCH)])

    pltpu.sync_copy(ones_hbm, ones_v)
    _zero_stage(stage_v, RPT)
    pltpu.sync_copy(stage_v, acc.at[pl.ds(sid * RPT, RPT)])
    plsc.subcore_barrier()

    @pl.loop(0, NCH // NBUF)
    def _(i):
        for b in range(NBUF):
            pltpu.async_copy(ones_v, acc.at[dstv.at[i * NBUF + b]], sem,
                             add=True)
        for b in range(NBUF):
            pltpu.make_async_copy(
                ones_v, acc.at[dstv.at[i * NBUF + b]], sem).wait()

    @pl.when(tid < XTRA)
    def _():
        pltpu.sync_copy(ones_v, acc.at[dstv.at[NCH]], add=True)

    plsc.subcore_barrier()
    pltpu.sync_copy(acc.at[pl.ds(sid * RPT, RPT)],
                    out_hbm.at[cid, pl.ds(sid * RPT, RPT)])


_deg_call = pl.kernel(
    _deg_body,
    out_type=jax.ShapeDtypeStruct((NC, NPAD, HID), jnp.float32),
    mesh=_MESH,
    scratch_types=[
        pltpu.VMEM((NCH + 1, CH), jnp.int32),
        pltpu.VMEM((CH, HID), jnp.float32),
        pltpu.VMEM((RPT, HID), jnp.float32),
        pltpu.VMEM_SHARED((NPAD, HID), jnp.float32),
        pltpu.SemaphoreType.DMA,
    ],
    compiler_params=_SC_PARAMS,
)


def _agg_body(g_hbm, src_hbm, dst_hbm, out_hbm,
              srcv, dstv, rows, tail_v, stage_v, acc, *sems):
    gsems = sems[:NBUF]
    ssems = sems[NBUF:2 * NBUF]
    tsem = sems[2 * NBUF]
    cid = lax.axis_index("c")
    sid = lax.axis_index("s")
    tid = cid * NS + sid
    base = tid * NCH + jnp.minimum(tid, XTRA)
    has_xtra = tid < XTRA

    @pl.when(has_xtra)
    def _():
        pltpu.sync_copy(src_hbm.at[pl.ds(base, NCH + 1)], srcv)
        pltpu.sync_copy(dst_hbm.at[pl.ds(base, NCH + 1)], dstv)

    @pl.when(tid >= XTRA)
    def _():
        pltpu.sync_copy(src_hbm.at[pl.ds(base, NCH)], srcv.at[pl.ds(0, NCH)])
        pltpu.sync_copy(dst_hbm.at[pl.ds(base, NCH)], dstv.at[pl.ds(0, NCH)])

    _zero_stage(stage_v, RPT)
    pltpu.sync_copy(stage_v, acc.at[pl.ds(sid * RPT, RPT)])
    plsc.subcore_barrier()

    @pl.when(has_xtra)
    def _():
        pltpu.async_copy(g_hbm.at[srcv.at[NCH]], tail_v, tsem)

    for b in range(NBUF):
        pltpu.async_copy(g_hbm.at[srcv.at[b]], rows.at[b], gsems[b])

    @pl.when(has_xtra)
    def _():
        pltpu.make_async_copy(g_hbm.at[srcv.at[NCH]], tail_v, tsem).wait()
        pltpu.async_copy(tail_v, acc.at[dstv.at[NCH]], tsem, add=True)

    niter = NCH // NBUF

    @pl.loop(0, niter)
    def _(i):
        not_last = i + 1 < niter
        for b in range(NBUF):
            c = i * NBUF + b
            pltpu.make_async_copy(
                g_hbm.at[srcv.at[c]], rows.at[b], gsems[b]).wait()
            pltpu.async_copy(rows.at[b], acc.at[dstv.at[c]], ssems[b],
                             add=True)
        for b in range(NBUF):
            c = i * NBUF + b
            pltpu.make_async_copy(
                rows.at[b], acc.at[dstv.at[c]], ssems[b]).wait()

            @pl.when(not_last)
            def _():
                pltpu.async_copy(
                    g_hbm.at[srcv.at[c + NBUF]], rows.at[b], gsems[b])

    @pl.when(has_xtra)
    def _():
        pltpu.make_async_copy(tail_v, acc.at[dstv.at[NCH]], tsem).wait()

    plsc.subcore_barrier()
    pltpu.sync_copy(acc.at[pl.ds(sid * RPT, RPT)],
                    out_hbm.at[cid, pl.ds(sid * RPT, RPT)])


_agg_call = pl.kernel(
    _agg_body,
    out_type=jax.ShapeDtypeStruct((NC, NPAD, HID), jnp.float32),
    mesh=_MESH,
    scratch_types=[
        pltpu.VMEM((NCH + 1, CH), jnp.int32),
        pltpu.VMEM((NCH + 1, CH), jnp.int32),
        pltpu.VMEM((NBUF, CH, HID), jnp.float32),
        pltpu.VMEM((CH, HID), jnp.float32),
        pltpu.VMEM((RPT, HID), jnp.float32),
        pltpu.VMEM_SHARED((NPAD, HID), jnp.float32),
    ] + [pltpu.SemaphoreType.DMA] * (2 * NBUF + 1),
    compiler_params=_SC_PARAMS,
)


def _tc0_body(xr_ref, w1e_ref, hp_ref):
    hp = jnp.dot(xr_ref[:, 0, :], w1e_ref[0],
                 preferred_element_type=jnp.float32)
    for a in range(1, 8):
        hp = hp + jnp.dot(xr_ref[:, a, :], w1e_ref[a],
                          preferred_element_type=jnp.float32)
    hp_ref[...] = jnp.concatenate(
        [hp, jnp.zeros((PK - PKN, 128), jnp.float32)], axis=0)


def _tc1_body(hp_ref, degp_ref, g1_ref, dinv_ref):
    deg = degp_ref[0] + degp_ref[1] + 1.0
    dinv = lax.rsqrt(deg)
    g1_ref[...] = hp_ref[...] * dinv
    dinv_ref[...] = dinv


def _tc2_body(g1_ref, p_ref, dinv_ref, b1_ref, g2_ref):
    s = g1_ref[...] + p_ref[0] + p_ref[1]
    h1 = jnp.maximum(s * dinv_ref[...] + b1_ref[...], 0.0)
    g2_ref[...] = h1 * dinv_ref[...]


def _tc3_body(g2_ref, q_ref, dinv_ref, w2e_ref, b2_ref, out_ref):
    s = (g2_ref[...] + q_ref[0] + q_ref[1]) * dinv_ref[...]
    sp = s[:PKN, :]
    for a in range(8):
        out_ref[:, a, :] = (
            jnp.dot(sp, w2e_ref[a], preferred_element_type=jnp.float32)
            + b2_ref[...])


_tc0_call = pl.pallas_call(
    _tc0_body,
    out_shape=jax.ShapeDtypeStruct((PK, 128), jnp.float32),
)

_tc1_call = pl.pallas_call(
    _tc1_body,
    out_shape=(jax.ShapeDtypeStruct((PK, 128), jnp.float32),
               jax.ShapeDtypeStruct((PK, 128), jnp.float32)),
)

_tc2_call = pl.pallas_call(
    _tc2_body,
    out_shape=jax.ShapeDtypeStruct((PK, 128), jnp.float32),
)

_tc3_call = pl.pallas_call(
    _tc3_body,
    out_shape=jax.ShapeDtypeStruct((PKN, 8, OUT_C), jnp.float32),
)


def kernel(x, A, W1, b1, W2, b2):
    src = A[0].astype(jnp.int32).reshape(TOTCH, CH)
    dst = A[1].astype(jnp.int32).reshape(TOTCH, CH)
    ones_rows = jnp.ones((CH, HID), jnp.float32)
    b1p = jnp.tile(b1, 8).reshape(1, 128)

    blk = jnp.arange(8 * HID, dtype=jnp.int32) // HID
    a_ids = jnp.arange(8, dtype=jnp.int32)
    onehot = (blk[None, :] == a_ids[:, None]).astype(jnp.float32)
    w1e = onehot[:, None, :] * jnp.tile(W1, (1, 8))[None]
    w2e = onehot[:, :, None] * jnp.tile(W2, (8, 1))[None]

    xr = x.reshape(PKN, 8, IN_C)
    hp = _tc0_call(xr, w1e)
    degp = _deg_call(dst, ones_rows)

    g1, dinv = _tc1_call(hp, degp.reshape(NC, PK, 128))
    p = _agg_call(g1.reshape(NPAD, HID), src, dst)
    g2 = _tc2_call(g1, p.reshape(NC, PK, 128), dinv, b1p)
    q = _agg_call(g2.reshape(NPAD, HID), src, dst)
    out = _tc3_call(g2, q.reshape(NC, PK, 128), dinv, w2e,
                    b2.reshape(1, OUT_C))
    return out.reshape(N, OUT_C)

# --- scband reference (transcript-rebuilt; emitter-appended) ---
"""Pipeline reference for scband-graph-encoder-67207648248060 (READ-ONLY COPY).

The authoritative reference and input builder live on the scoring server;
editing this copy changes nothing except your own understanding.
"""

import jax, jax.numpy as jnp
import numpy as np

N_NODES = 10000
N_EDGES = 320000
IN_C = 128
HID = 16
OUT_C = 128


def _gcn_conv(x, edge_index, W, b):
    n = x.shape[0]
    src = edge_index[0]
    dst = edge_index[1]
    # add self loops
    sl = jnp.arange(n, dtype=src.dtype)
    src = jnp.concatenate([src, sl])
    dst = jnp.concatenate([dst, sl])
    # linear transform first (PyG GCNConv: lin then propagate)
    h = x @ W
    # symmetric normalization D^{-1/2} (A+I) D^{-1/2}
    ones = jnp.ones(src.shape[0], dtype=x.dtype)
    deg = jnp.zeros(n, dtype=x.dtype).at[dst].add(ones)
    deg_inv_sqrt = jnp.where(deg > 0, jax.lax.rsqrt(deg), 0.0)
    norm = deg_inv_sqrt[src] * deg_inv_sqrt[dst]
    msg = h[src] * norm[:, None]
    out = jnp.zeros((n, h.shape[1]), dtype=x.dtype).at[dst].add(msg)
    return out + b


def setup_inputs(seed: int = 0) -> dict:
    key = jax.random.key(seed)
    k1, k2, k3, k4, k5 = jax.random.split(key, 5)
    x = jax.random.normal(k1, (N_NODES, IN_C), dtype=jnp.float32)
    A = jax.random.randint(k2, (2, N_EDGES), 0, N_NODES, dtype=jnp.int64)
    # GCNConv weights (glorot-style init)
    W1 = jax.random.normal(k3, (IN_C, HID), dtype=jnp.float32) * (1.0 / np.sqrt(IN_C))
    b1 = jnp.zeros((HID,), dtype=jnp.float32)
    W2 = jax.random.normal(k4, (HID, OUT_C), dtype=jnp.float32) * (1.0 / np.sqrt(HID))
    b2 = jnp.zeros((OUT_C,), dtype=jnp.float32)
    return {"x": x, "A": A, "W1": W1, "b1": b1, "W2": W2, "b2": b2}


def reference(x, A, W1, b1, W2, b2):
    h = _gcn_conv(x, A, W1, b1)
    h = jax.nn.relu(h)
    out = _gcn_conv(h, A, W2, b2)
    return out

if __name__ == "__main__":
    import jax
    _d = setup_inputs()
    print(jax.jit(kernel)(*tuple(_d.values())))

</pallas_src>

<mosaic_0001>
#map = affine_map<(d0, d1) -> (0, 0)>
#map1 = affine_map<(d0, d1) -> (0, 0, 0)>
module attributes {stable_mosaic.version = 14 : i64} {
  func.func @_agg_body(%arg0: i32, %arg1: i32, %arg2: memref<10240x16xf32, #tpu.memory_space<hbm>>, %arg3: memref<2500x128xi32, #tpu.memory_space<hbm>>, %arg4: memref<2500x128xi32, #tpu.memory_space<hbm>>, %arg5: memref<2x10240x16xf32, #tpu.memory_space<hbm>>, %arg6: memref<79x128xi32, #tpu.memory_space<vmem>>, %arg7: memref<79x128xi32, #tpu.memory_space<vmem>>, %arg8: memref<6x128x16xf32, #tpu.memory_space<vmem>>, %arg9: memref<128x16xf32, #tpu.memory_space<vmem>>, %arg10: memref<640x16xf32, #tpu.memory_space<vmem>>, %arg11: memref<10240x16xf32, #tpu.memory_space<vmem_shared>>, %arg12: memref<!tpu.dma_semaphore, #tpu.memory_space<semaphore_mem>>, %arg13: memref<!tpu.dma_semaphore, #tpu.memory_space<semaphore_mem>>, %arg14: memref<!tpu.dma_semaphore, #tpu.memory_space<semaphore_mem>>, %arg15: memref<!tpu.dma_semaphore, #tpu.memory_space<semaphore_mem>>, %arg16: memref<!tpu.dma_semaphore, #tpu.memory_space<semaphore_mem>>, %arg17: memref<!tpu.dma_semaphore, #tpu.memory_space<semaphore_mem>>, %arg18: memref<!tpu.dma_semaphore, #tpu.memory_space<semaphore_mem>>, %arg19: memref<!tpu.dma_semaphore, #tpu.memory_space<semaphore_mem>>, %arg20: memref<!tpu.dma_semaphore, #tpu.memory_space<semaphore_mem>>, %arg21: memref<!tpu.dma_semaphore, #tpu.memory_space<semaphore_mem>>, %arg22: memref<!tpu.dma_semaphore, #tpu.memory_space<semaphore_mem>>, %arg23: memref<!tpu.dma_semaphore, #tpu.memory_space<semaphore_mem>>, %arg24: memref<!tpu.dma_semaphore, #tpu.memory_space<semaphore_mem>>) attributes {dimension_semantics = [#tpu.dimension_semantics<core_parallel>, #tpu.dimension_semantics<subcore_parallel>], iteration_bounds = array<i64: 2, 16>, scalar_prefetch = 0 : i64, scratch_operands = 19 : i64, tpu.core_type = #tpu.core_type<sc_vector_subcore>, window_params = [{transform_indices = #map}, {transform_indices = #map}, {transform_indices = #map}, {transform_indices = #map1}]} {
    %mul3A = arith.constant 16 : i32
    %mul3A_0 = arith.muli %arg0, %mul3A : i32
    %add3A = arith.addi %mul3A_0, %arg1 : i32
    %mul3A_1 = arith.constant 78 : i32
    %mul3A_2 = arith.muli %add3A, %mul3A_1 : i32
    %min3A = arith.constant 4 : i32
    %min3A_3 = arith.minsi %add3A, %min3A : i32
    %add3A_4 = arith.addi %mul3A_2, %min3A_3 : i32
    %lt3A = arith.constant 4 : i32
    %lt3A_5 = arith.cmpi slt, %add3A, %lt3A : i32
    %convert_element_type3A = arith.extui %lt3A_5 : i1 to i32
    %cond3A = arith.constant 0 : i32
    %cond3A_6 = arith.cmpi ne, %convert_element_type3A, %cond3A : i32
    scf.if %cond3A_6 {
      "tpu.region"() ({
        %run_scoped3A = tpu.sem_alloc : memref<!tpu.dma_semaphore, #tpu.memory_space<semaphore_mem>>
        %dma_start3A_108 = arith.constant 0 : i32
        %dma_start3A_109 = tpu.memref_slice %arg3[%add3A_4, %dma_start3A_108] : memref<2500x128xi32, #tpu.memory_space<hbm>> -> memref<79x128xi32, #tpu.memory_space<hbm>>
        %dma_start3A_110 = arith.constant 0 : i32
        %dma_start3A_111 = tpu.memref_slice %arg3[%add3A_4, %dma_start3A_110] : memref<2500x128xi32, #tpu.memory_space<hbm>> -> memref<79x128xi32, #tpu.memory_space<hbm>>
        tpu.enqueue_dma source(%dma_start3A_111 : memref<79x128xi32, #tpu.memory_space<hbm>>) target(%arg6 : memref<79x128xi32, #tpu.memory_space<vmem>>) target_semaphore(%run_scoped3A : memref<!tpu.dma_semaphore, #tpu.memory_space<semaphore_mem>>)
        %dma_wait3A = arith.constant 0 : i32
        %dma_wait3A_112 = tpu.memref_slice %arg3[%add3A_4, %dma_wait3A] : memref<2500x128xi32, #tpu.memory_space<hbm>> -> memref<79x128xi32, #tpu.memory_space<hbm>>
        %dma_wait3A_113 = arith.constant 0 : i32
        %dma_wait3A_114 = tpu.memref_slice %arg3[%add3A_4, %dma_wait3A_113] : memref<2500x128xi32, #tpu.memory_space<hbm>> -> memref<79x128xi32, #tpu.memory_space<hbm>>
        tpu.wait_dma2 semaphore(%run_scoped3A : memref<!tpu.dma_semaphore, #tpu.memory_space<semaphore_mem>>) src(%dma_wait3A_114 : memref<79x128xi32, #tpu.memory_space<hbm>>) dst(%arg6 : memref<79x128xi32, #tpu.memory_space<vmem>>)
        tpu.yield
      }) : () -> ()
      "tpu.region"() ({
        %run_scoped3A = tpu.sem_alloc : memref<!tpu.dma_semaphore, #tpu.memory_space<semaphore_mem>>
        %dma_start3A_108 = arith.constant 0 : i32
        %dma_start3A_109 = tpu.memref_slice %arg4[%add3A_4, %dma_start3A_108] : memref<2500x128xi32, #tpu.memory_space<hbm>> -> memref<79x128xi32, #tpu.memory_space<hbm>>
        %dma_start3A_110 = arith.constant 0 : i32
        %dma_start3A_111 = tpu.memref_slice %arg4[%add3A_4, %dma_start3A_110] : memref<2500x128xi32, #tpu.memory_space<hbm>> -> memref<79x128xi32, #tpu.memory_space<hbm>>
        tpu.enqueue_dma source(%dma_start3A_111 : memref<79x128xi32, #tpu.memory_space<hbm>>) target(%arg7 : memref<79x128xi32, #tpu.memory_space<vmem>>) target_semaphore(%run_scoped3A : memref<!tpu.dma_semaphore, #tpu.memory_space<semaphore_mem>>)
        %dma_wait3A = arith.constant 0 : i32
        %dma_wait3A_112 = tpu.memref_slice %arg4[%add3A_4, %dma_wait3A] : memref<2500x128xi32, #tpu.memory_space<hbm>> -> memref<79x128xi32, #tpu.memory_space<hbm>>
        %dma_wait3A_113 = arith.constant 0 : i32
        %dma_wait3A_114 = tpu.memref_slice %arg4[%add3A_4, %dma_wait3A_113] : memref<2500x128xi32, #tpu.memory_space<hbm>> -> memref<79x128xi32, #tpu.memory_space<hbm>>
        tpu.wait_dma2 semaphore(%run_scoped3A : memref<!tpu.dma_semaphore, #tpu.memory_space<semaphore_mem>>) src(%dma_wait3A_114 : memref<79x128xi32, #tpu.memory_space<hbm>>) dst(%arg7 : memref<79x128xi32, #tpu.memory_space<vmem>>)
        tpu.yield
      }) : () -> ()
    } else {
    }
    %ge3A = arith.constant 4 : i32
    %ge3A_7 = arith.cmpi sge, %add3A, %ge3A : i32
    %convert_element_type3A_8 = arith.extui %ge3A_7 : i1 to i32
    %cond3A_9 = arith.constant 0 : i32
    %cond3A_10 = arith.cmpi ne, %convert_element_type3A_8, %cond3A_9 : i32
    scf.if %cond3A_10 {
      "tpu.region"() ({
        %run_scoped3A = tpu.sem_alloc : memref<!tpu.dma_semaphore, #tpu.memory_space<semaphore_mem>>
        %dma_start3A_108 = arith.constant 0 : i32
        %dma_start3A_109 = arith.constant 0 : i32
        %dma_start3A_110 = tpu.memref_slice %arg6[%dma_start3A_108, %dma_start3A_109] : memref<79x128xi32, #tpu.memory_space<vmem>> -> memref<78x128xi32, #tpu.memory_space<vmem>>
        %dma_start3A_111 = arith.constant 0 : i32
        %dma_start3A_112 = tpu.memref_slice %arg3[%add3A_4, %dma_start3A_111] : memref<2500x128xi32, #tpu.memory_space<hbm>> -> memref<78x128xi32, #tpu.memory_space<hbm>>
        %dma_start3A_113 = arith.constant 0 : i32
        %dma_start3A_114 = arith.constant 0 : i32
        %dma_start3A_115 = tpu.memref_slice %arg6[%dma_start3A_113, %dma_start3A_114] : memref<79x128xi32, #tpu.memory_space<vmem>> -> memref<78x128xi32, #tpu.memory_space<vmem>>
        %dma_start3A_116 = arith.constant 0 : i32
        %dma_start3A_117 = tpu.memref_slice %arg3[%add3A_4, %dma_start3A_116] : memref<2500x128xi32, #tpu.memory_space<hbm>> -> memref<78x128xi32, #tpu.memory_space<hbm>>
        tpu.enqueue_dma source(%dma_start3A_117 : memref<78x128xi32, #tpu.memory_space<hbm>>) target(%dma_start3A_115 : memref<78x128xi32, #tpu.memory_space<vmem>>) target_semaphore(%run_scoped3A : memref<!tpu.dma_semaphore, #tpu.memory_space<semaphore_mem>>)
        %dma_wait3A = arith.constant 0 : i32
        %dma_wait3A_118 = arith.constant 0 : i32
        %dma_wait3A_119 = tpu.memref_slice %arg6[%dma_wait3A, %dma_wait3A_118] : memref<79x128xi32, #tpu.memory_space<vmem>> -> memref<78x128xi32, #tpu.memory_space<vmem>>
        %dma_wait3A_120 = arith.constant 0 : i32
        %dma_wait3A_121 = tpu.memref_slice %arg3[%add3A_4, %dma_wait3A_120] : memref<2500x128xi32, #tpu.memory_space<hbm>> -> memref<78x128xi32, #tpu.memory_space<hbm>>
        %dma_wait3A_122 = arith.constant 0 : i32
        %dma_wait3A_123 = arith.constant 0 : i32
        %dma_wait3A_124 = tpu.memref_slice %arg6[%dma_wait3A_122, %dma_wait3A_123] : memref<79x128xi32, #tpu.memory_space<vmem>> -> memref<78x128xi32, #tpu.memory_space<vmem>>
        %dma_wait3A_125 = arith.constant 0 : i32
        %dma_wait3A_126 = tpu.memref_slice %arg3[%add3A_4, %dma_wait3A_125] : memref<2500x128xi32, #tpu.memory_space<hbm>> -> memref<78x128xi32, #tpu.memory_space<hbm>>
        tpu.wait_dma2 semaphore(%run_scoped3A : memref<!tpu.dma_semaphore, #tpu.memory_space<semaphore_mem>>) src(%dma_wait3A_126 : memref<78x128xi32, #tpu.memory_space<hbm>>) dst(%dma_wait3A_124 : memref<78x128xi32, #tpu.memory_space<vmem>>)
        tpu.yield
      }) : () -> ()
      "tpu.region"() ({
        %run_scoped3A = tpu.sem_alloc : memref<!tpu.dma_semaphore, #tpu.memory_space<semaphore_mem>>
        %dma_start3A_108 = arith.constant 0 : i32
        %dma_start3A_109 = arith.constant 0 : i32
        %dma_start3A_110 = tpu.memref_slice %arg7[%dma_start3A_108, %dma_start3A_109] : memref<79x128xi32, #tpu.memory_space<vmem>> -> memref<78x128xi32, #tpu.memory_space<vmem>>
        %dma_start3A_111 = arith.constant 0 : i32
        %dma_start3A_112 = tpu.memref_slice %arg4[%add3A_4, %dma_start3A_111] : memref<2500x128xi32, #tpu.memory_space<hbm>> -> memref<78x128xi32, #tpu.memory_space<hbm>>
        %dma_start3A_113 = arith.constant 0 : i32
        %dma_start3A_114 = arith.constant 0 : i32
        %dma_start3A_115 = tpu.memref_slice %arg7[%dma_start3A_113, %dma_start3A_114] : memref<79x128xi32, #tpu.memory_space<vmem>> -> memref<78x128xi32, #tpu.memory_space<vmem>>
        %dma_start3A_116 = arith.constant 0 : i32
        %dma_start3A_117 = tpu.memref_slice %arg4[%add3A_4, %dma_start3A_116] : memref<2500x128xi32, #tpu.memory_space<hbm>> -> memref<78x128xi32, #tpu.memory_space<hbm>>
        tpu.enqueue_dma source(%dma_start3A_117 : memref<78x128xi32, #tpu.memory_space<hbm>>) target(%dma_start3A_115 : memref<78x128xi32, #tpu.memory_space<vmem>>) target_semaphore(%run_scoped3A : memref<!tpu.dma_semaphore, #tpu.memory_space<semaphore_mem>>)
        %dma_wait3A = arith.constant 0 : i32
        %dma_wait3A_118 = arith.constant 0 : i32
        %dma_wait3A_119 = tpu.memref_slice %arg7[%dma_wait3A, %dma_wait3A_118] : memref<79x128xi32, #tpu.memory_space<vmem>> -> memref<78x128xi32, #tpu.memory_space<vmem>>
        %dma_wait3A_120 = arith.constant 0 : i32
        %dma_wait3A_121 = tpu.memref_slice %arg4[%add3A_4, %dma_wait3A_120] : memref<2500x128xi32, #tpu.memory_space<hbm>> -> memref<78x128xi32, #tpu.memory_space<hbm>>
        %dma_wait3A_122 = arith.constant 0 : i32
        %dma_wait3A_123 = arith.constant 0 : i32
        %dma_wait3A_124 = tpu.memref_slice %arg7[%dma_wait3A_122, %dma_wait3A_123] : memref<79x128xi32, #tpu.memory_space<vmem>> -> memref<78x128xi32, #tpu.memory_space<vmem>>
        %dma_wait3A_125 = arith.constant 0 : i32
        %dma_wait3A_126 = tpu.memref_slice %arg4[%add3A_4, %dma_wait3A_125] : memref<2500x128xi32, #tpu.memory_space<hbm>> -> memref<78x128xi32, #tpu.memory_space<hbm>>
        tpu.wait_dma2 semaphore(%run_scoped3A : memref<!tpu.dma_semaphore, #tpu.memory_space<semaphore_mem>>) src(%dma_wait3A_126 : memref<78x128xi32, #tpu.memory_space<hbm>>) dst(%dma_wait3A_124 : memref<78x128xi32, #tpu.memory_space<vmem>>)
        tpu.yield
      }) : () -> ()
    } else {
    }
    %broadcast_in_dim3A = arith.constant 0.000000e+00 : f32
    %broadcast_in_dim3A_11 = vector.broadcast %broadcast_in_dim3A : f32 to vector<16xf32>
    %scan3A = arith.constant 0 : i32
    %scan3A_12 = arith.constant 640 : i32
    %scan3A_13 = arith.addi %scan3A, %scan3A_12 : i32
    %scan3A_14 = arith.constant 1 : i32
    scf.for %scan3A_108 = %scan3A to %scan3A_13 step %scan3A_14  : i32 {
      %mul3A_109 = arith.constant 1 : i32
      %mul3A_110 = arith.muli %scan3A_108, %mul3A_109 : i32
      %add3A_111 = arith.constant 0 : i32
      %add3A_112 = arith.addi %add3A_111, %mul3A_110 : i32
      %swap3A = arith.index_cast %add3A_112 : i32 to index
      %swap3A_113 = arith.constant 0 : index
      %swap3A_114 = tpu.vector_load %arg10[%swap3A, %swap3A_113] {strides = array<i32>} : memref<640x16xf32, #tpu.memory_space<vmem>>, vector<1x16xf32>,
      %swap3A_115 = vector.shape_cast %swap3A_114 : vector<1x16xf32> to vector<16xf32>
      %swap3A_116 = vector.shape_cast %broadcast_in_dim3A_11 : vector<16xf32> to vector<1x16xf32>
      tpu.vector_store %arg10[%swap3A, %swap3A_113], %swap3A_116 {strides = array<i32>} : memref<640x16xf32, #tpu.memory_space<vmem>>, vector<1x16xf32>,
    }
    %scan3A_15 = arith.constant 640 : i32
    %mul3A_16 = arith.constant 640 : i32
    %mul3A_17 = arith.muli %arg1, %mul3A_16 : i32
    "tpu.region"() ({
      %run_scoped3A = tpu.sem_alloc : memref<!tpu.dma_semaphore, #tpu.memory_space<semaphore_mem>>
      %dma_start3A_108 = arith.constant 0 : i32
      %dma_start3A_109 = tpu.memref_slice %arg11[%mul3A_17, %dma_start3A_108] : memref<10240x16xf32, #tpu.memory_space<vmem_shared>> -> memref<640x16xf32, #tpu.memory_space<vmem_shared>>
      %dma_start3A_110 = arith.constant 0 : i32
      %dma_start3A_111 = tpu.memref_slice %arg11[%mul3A_17, %dma_start3A_110] : memref<10240x16xf32, #tpu.memory_space<vmem_shared>> -> memref<640x16xf32, #tpu.memory_space<vmem_shared>>
      tpu.enqueue_dma source(%arg10 : memref<640x16xf32, #tpu.memory_space<vmem>>) target(%dma_start3A_111 : memref<640x16xf32, #tpu.memory_space<vmem_shared>>) target_semaphore(%run_scoped3A : memref<!tpu.dma_semaphore, #tpu.memory_space<semaphore_mem>>)
      %dma_wait3A = arith.constant 0 : i32
      %dma_wait3A_112 = tpu.memref_slice %arg11[%mul3A_17, %dma_wait3A] : memref<10240x16xf32, #tpu.memory_space<vmem_shared>> -> memref<640x16xf32, #tpu.memory_space<vmem_shared>>
      %dma_wait3A_113 = arith.constant 0 : i32
      %dma_wait3A_114 = tpu.memref_slice %arg11[%mul3A_17, %dma_wait3A_113] : memref<10240x16xf32, #tpu.memory_space<vmem_shared>> -> memref<640x16xf32, #tpu.memory_space<vmem_shared>>
      tpu.wait_dma2 semaphore(%run_scoped3A : memref<!tpu.dma_semaphore, #tpu.memory_space<semaphore_mem>>) src(%arg10 : memref<640x16xf32, #tpu.memory_space<vmem>>) dst(%dma_wait3A_114 : memref<640x16xf32, #tpu.memory_space<vmem_shared>>)
      tpu.yield
    }) : () -> ()
    %barrier3A = arith.constant 0 : index
    tpu.barrier barrier_id(%barrier3A)
    %convert_element_type3A_18 = arith.extui %lt3A_5 : i1 to i32
    %cond3A_19 = arith.constant 0 : i32
    %cond3A_20 = arith.cmpi ne, %convert_element_type3A_18, %cond3A_19 : i32
    scf.if %cond3A_20 {
      %dma_start3A_108 = arith.constant 78 : i32
      %dma_start3A_109 = arith.constant 0 : i32
      %dma_start3A_110 = tpu.memref_slice %arg6[%dma_start3A_108, %dma_start3A_109] : memref<79x128xi32, #tpu.memory_space<vmem>> -> memref<1x128xi32, #tpu.memory_space<vmem>>
      %dma_start3A_111 = tpu.memref_squeeze %dma_start3A_110 : memref<1x128xi32, #tpu.memory_space<vmem>> -> memref<128xi32, #tpu.memory_space<vmem>>
      %dma_start3A_112 = arith.constant 0 : i32
      %dma_start3A_113 = arith.constant 0 : i32
      %dma_start3A_114 = tpu.memref_slice %arg2[%dma_start3A_112, %dma_start3A_113] : memref<10240x16xf32, #tpu.memory_space<hbm>> -> memref<10240x16xf32, #tpu.memory_space<hbm>>
      tpu.enqueue_indirect_dma source(%dma_start3A_114 : memref<10240x16xf32, #tpu.memory_space<hbm>>) target(%arg9 : memref<128x16xf32, #tpu.memory_space<vmem>>) offsets(%dma_start3A_111 : memref<128xi32, #tpu.memory_space<vmem>>) semaphore(%arg24 : memref<!tpu.dma_semaphore, #tpu.memory_space<semaphore_mem>>)
    } else {
    }
    %dma_start3A = arith.constant 0 : i32
    %dma_start3A_21 = arith.constant 0 : i32
    %dma_start3A_22 = arith.constant 0 : i32
    %dma_start3A_23 = arith.constant 0 : i32
    %dma_start3A_24 = tpu.memref_slice %arg8[%dma_start3A_21, %dma_start3A_22, %dma_start3A_23] : memref<6x128x16xf32, #tpu.memory_space<vmem>> -> memref<1x128x16xf32, #tpu.memory_space<vmem>>
    %dma_start3A_25 = tpu.memref_squeeze %dma_start3A_24 : memref<1x128x16xf32, #tpu.memory_space<vmem>> -> memref<128x16xf32, #tpu.memory_space<vmem>>
    %dma_start3A_26 = arith.constant 0 : i32
    %dma_start3A_27 = tpu.memref_slice %arg6[%dma_start3A, %dma_start3A_26] : memref<79x128xi32, #tpu.memory_space<vmem>> -> memref<1x128xi32, #tpu.memory_space<vmem>>
    %dma_start3A_28 = tpu.memref_squeeze %dma_start3A_27 : memref<1x128xi32, #tpu.memory_space<vmem>> -> memref<128xi32, #tpu.memory_space<vmem>>
    %dma_start3A_29 = arith.constant 0 : i32
    %dma_start3A_30 = arith.constant 0 : i32
    %dma_start3A_31 = tpu.memref_slice %arg2[%dma_start3A_29, %dma_start3A_30] : memref<10240x16xf32, #tpu.memory_space<hbm>> -> memref<10240x16xf32, #tpu.memory_space<hbm>>
    tpu.enqueue_indirect_dma source(%dma_start3A_31 : memref<10240x16xf32, #tpu.memory_space<hbm>>) target(%dma_start3A_25 : memref<128x16xf32, #tpu.memory_space<vmem>>) offsets(%dma_start3A_28 : memref<128xi32, #tpu.memory_space<vmem>>) semaphore(%arg12 : memref<!tpu.dma_semaphore, #tpu.memory_space<semaphore_mem>>)
    %dma_start3A_32 = arith.constant 1 : i32
    %dma_start3A_33 = arith.constant 1 : i32
    %dma_start3A_34 = arith.constant 0 : i32
    %dma_start3A_35 = arith.constant 0 : i32
    %dma_start3A_36 = tpu.memref_slice %arg8[%dma_start3A_33, %dma_start3A_34, %dma_start3A_35] : memref<6x128x16xf32, #tpu.memory_space<vmem>> -> memref<1x128x16xf32, #tpu.memory_space<vmem>>
    %dma_start3A_37 = tpu.memref_squeeze %dma_start3A_36 : memref<1x128x16xf32, #tpu.memory_space<vmem>> -> memref<128x16xf32, #tpu.memory_space<vmem>>
    %dma_start3A_38 = arith.constant 0 : i32
    %dma_start3A_39 = tpu.memref_slice %arg6[%dma_start3A_32, %dma_start3A_38] : memref<79x128xi32, #tpu.memory_space<vmem>> -> memref<1x128xi32, #tpu.memory_space<vmem>>
    %dma_start3A_40 = tpu.memref_squeeze %dma_start3A_39 : memref<1x128xi32, #tpu.memory_space<vmem>> -> memref<128xi32, #tpu.memory_space<vmem>>
    %dma_start3A_41 = arith.constant 0 : i32
    %dma_start3A_42 = arith.constant 0 : i32
    %dma_start3A_43 = tpu.memref_slice %arg2[%dma_start3A_41, %dma_start3A_42] : memref<10240x16xf32, #tpu.memory_space<hbm>> -> memref<10240x16xf32, #tpu.memory_space<hbm>>
    tpu.enqueue_indirect_dma source(%dma_start3A_43 : memref<10240x16xf32, #tpu.memory_space<hbm>>) target(%dma_start3A_37 : memref<128x16xf32, #tpu.memory_space<vmem>>) offsets(%dma_start3A_40 : memref<128xi32, #tpu.memory_space<vmem>>) semaphore(%arg13 : memref<!tpu.dma_semaphore, #tpu.memory_space<semaphore_mem>>)
    %dma_start3A_44 = arith.constant 2 : i32
    %dma_start3A_45 = arith.constant 2 : i32
    %dma_start3A_46 = arith.constant 0 : i32
    %dma_start3A_47 = arith.constant 0 : i32
    %dma_start3A_48 = tpu.memref_slice %arg8[%dma_start3A_45, %dma_start3A_46, %dma_start3A_47] : memref<6x128x16xf32, #tpu.memory_space<vmem>> -> memref<1x128x16xf32, #tpu.memory_space<vmem>>
    %dma_start3A_49 = tpu.memref_squeeze %dma_start3A_48 : memref<1x128x16xf32, #tpu.memory_space<vmem>> -> memref<128x16xf32, #tpu.memory_space<vmem>>
    %dma_start3A_50 = arith.constant 0 : i32
    %dma_start3A_51 = tpu.memref_slice %arg6[%dma_start3A_44, %dma_start3A_50] : memref<79x128xi32, #tpu.memory_space<vmem>> -> memref<1x128xi32, #tpu.memory_space<vmem>>
    %dma_start3A_52 = tpu.memref_squeeze %dma_start3A_51 : memref<1x128xi32, #tpu.memory_space<vmem>> -> memref<128xi32, #tpu.memory_space<vmem>>
    %dma_start3A_53 = arith.constant 0 : i32
    %dma_start3A_54 = arith.constant 0 : i32
    %dma_start3A_55 = tpu.memref_slice %arg2[%dma_start3A_53, %dma_start3A_54] : memref<10240x16xf32, #tpu.memory_space<hbm>> -> memref<10240x16xf32, #tpu.memory_space<hbm>>
    tpu.enqueue_indirect_dma source(%dma_start3A_55 : memref<10240x16xf32, #tpu.memory_space<hbm>>) target(%dma_start3A_49 : memref<128x16xf32, #tpu.memory_space<vmem>>) offsets(%dma_start3A_52 : memref<128xi32, #tpu.memory_space<vmem>>) semaphore(%arg14 : memref<!tpu.dma_semaphore, #tpu.memory_space<semaphore_mem>>)
    %dma_start3A_56 = arith.constant 3 : i32
    %dma_start3A_57 = arith.constant 3 : i32
    %dma_start3A_58 = arith.constant 0 : i32
    %dma_start3A_59 = arith.constant 0 : i32
    %dma_start3A_60 = tpu.memref_slice %arg8[%dma_start3A_57, %dma_start3A_58, %dma_start3A_59] : memref<6x128x16xf32, #tpu.memory_space<vmem>> -> memref<1x128x16xf32, #tpu.memory_space<vmem>>
    %dma_start3A_61 = tpu.memref_squeeze %dma_start3A_60 : memref<1x128x16xf32, #tpu.memory_space<vmem>> -> memref<128x16xf32, #tpu.memory_space<vmem>>
    %dma_start3A_62 = arith.constant 0 : i32
    %dma_start3A_63 = tpu.memref_slice %arg6[%dma_start3A_56, %dma_start3A_62] : memref<79x128xi32, #tpu.memory_space<vmem>> -> memref<1x128xi32, #tpu.memory_space<vmem>>
    %dma_start3A_64 = tpu.memref_squeeze %dma_start3A_63 : memref<1x128xi32, #tpu.memory_space<vmem>> -> memref<128xi32, #tpu.memory_space<vmem>>
    %dma_start3A_65 = arith.constant 0 : i32
    %dma_start3A_66 = arith.constant 0 : i32
    %dma_start3A_67 = tpu.memref_slice %arg2[%dma_start3A_65, %dma_start3A_66] : memref<10240x16xf32, #tpu.memory_space<hbm>> -> memref<10240x16xf32, #tpu.memory_space<hbm>>
    tpu.enqueue_indirect_dma source(%dma_start3A_67 : memref<10240x16xf32, #tpu.memory_space<hbm>>) target(%dma_start3A_61 : memref<128x16xf32, #tpu.memory_space<vmem>>) offsets(%dma_start3A_64 : memref<128xi32, #tpu.memory_space<vmem>>) semaphore(%arg15 : memref<!tpu.dma_semaphore, #tpu.memory_space<semaphore_mem>>)
    %dma_start3A_68 = arith.constant 4 : i32
    %dma_start3A_69 = arith.constant 4 : i32
    %dma_start3A_70 = arith.constant 0 : i32
    %dma_start3A_71 = arith.constant 0 : i32
    %dma_start3A_72 = tpu.memref_slice %arg8[%dma_start3A_69, %dma_start3A_70, %dma_start3A_71] : memref<6x128x16xf32, #tpu.memory_space<vmem>> -> memref<1x128x16xf32, #tpu.memory_space<vmem>>
    %dma_start3A_73 = tpu.memref_squeeze %dma_start3A_72 : memref<1x128x16xf32, #tpu.memory_space<vmem>> -> memref<128x16xf32, #tpu.memory_space<vmem>>
    %dma_start3A_74 = arith.constant 0 : i32
    %dma_start3A_75 = tpu.memref_slice %arg6[%dma_start3A_68, %dma_start3A_74] : memref<79x128xi32, #tpu.memory_space<vmem>> -> memref<1x128xi32, #tpu.memory_space<vmem>>
    %dma_start3A_76 = tpu.memref_squeeze %dma_start3A_75 : memref<1x128xi32, #tpu.memory_space<vmem>> -> memref<128xi32, #tpu.memory_space<vmem>>
    %dma_start3A_77 = arith.constant 0 : i32
    %dma_start3A_78 = arith.constant 0 : i32
    %dma_start3A_79 = tpu.memref_slice %arg2[%dma_start3A_77, %dma_start3A_78] : memref<10240x16xf32, #tpu.memory_space<hbm>> -> memref<10240x16xf32, #tpu.memory_space<hbm>>
    tpu.enqueue_indirect_dma source(%dma_start3A_79 : memref<10240x16xf32, #tpu.memory_space<hbm>>) target(%dma_start3A_73 : memref<128x16xf32, #tpu.memory_space<vmem>>) offsets(%dma_start3A_76 : memref<128xi32, #tpu.memory_space<vmem>>) semaphore(%arg16 : memref<!tpu.dma_semaphore, #tpu.memory_space<semaphore_mem>>)
    %dma_start3A_80 = arith.constant 5 : i32
    %dma_start3A_81 = arith.constant 5 : i32
    %dma_start3A_82 = arith.constant 0 : i32
    %dma_start3A_83 = arith.constant 0 : i32
    %dma_start3A_84 = tpu.memref_slice %arg8[%dma_start3A_81, %dma_start3A_82, %dma_start3A_83] : memref<6x128x16xf32, #tpu.memory_space<vmem>> -> memref<1x128x16xf32, #tpu.memory_space<vmem>>
    %dma_start3A_85 = tpu.memref_squeeze %dma_start3A_84 : memref<1x128x16xf32, #tpu.memory_space<vmem>> -> memref<128x16xf32, #tpu.memory_space<vmem>>
    %dma_start3A_86 = arith.constant 0 : i32
    %dma_start3A_87 = tpu.memref_slice %arg6[%dma_start3A_80, %dma_start3A_86] : memref<79x128xi32, #tpu.memory_space<vmem>> -> memref<1x128xi32, #tpu.memory_space<vmem>>
    %dma_start3A_88 = tpu.memref_squeeze %dma_start3A_87 : memref<1x128xi32, #tpu.memory_space<vmem>> -> memref<128xi32, #tpu.memory_space<vmem>>
    %dma_start3A_89 = arith.constant 0 : i32
    %dma_start3A_90 = arith.constant 0 : i32
    %dma_start3A_91 = tpu.memref_slice %arg2[%dma_start3A_89, %dma_start3A_90] : memref<10240x16xf32, #tpu.memory_space<hbm>> -> memref<10240x16xf32, #tpu.memory_space<hbm>>
    tpu.enqueue_indirect_dma source(%dma_start3A_91 : memref<10240x16xf32, #tpu.memory_space<hbm>>) target(%dma_start3A_85 : memref<128x16xf32, #tpu.memory_space<vmem>>) offsets(%dma_start3A_88 : memref<128xi32, #tpu.memory_space<vmem>>) semaphore(%arg17 : memref<!tpu.dma_semaphore, #tpu.memory_space<semaphore_mem>>)
    %convert_element_type3A_92 = arith.extui %lt3A_5 : i1 to i32
    %cond3A_93 = arith.constant 0 : i32
    %cond3A_94 = arith.cmpi ne, %convert_element_type3A_92, %cond3A_93 : i32
    scf.if %cond3A_94 {
      %dma_wait3A = arith.constant 78 : i32
      %dma_wait3A_108 = arith.constant 0 : i32
      %dma_wait3A_109 = tpu.memref_slice %arg6[%dma_wait3A, %dma_wait3A_108] : memref<79x128xi32, #tpu.memory_space<vmem>> -> memref<1x128xi32, #tpu.memory_space<vmem>>
      %dma_wait3A_110 = tpu.memref_squeeze %dma_wait3A_109 : memref<1x128xi32, #tpu.memory_space<vmem>> -> memref<128xi32, #tpu.memory_space<vmem>>
      %dma_wait3A_111 = arith.constant 0 : i32
      %dma_wait3A_112 = arith.constant 0 : i32
      %dma_wait3A_113 = tpu.memref_slice %arg2[%dma_wait3A_111, %dma_wait3A_112] : memref<10240x16xf32, #tpu.memory_space<hbm>> -> memref<10240x16xf32, #tpu.memory_space<hbm>>
      tpu.wait_indirect_dma semaphore(%arg24 : memref<!tpu.dma_semaphore, #tpu.memory_space<semaphore_mem>>) src(%dma_wait3A_113 : memref<10240x16xf32, #tpu.memory_space<hbm>>) dst(%arg9 : memref<128x16xf32, #tpu.memory_space<vmem>>)
      %dma_start3A_114 = arith.constant 78 : i32
      %dma_start3A_115 = arith.constant 0 : i32
      %dma_start3A_116 = tpu.memref_slice %arg7[%dma_start3A_114, %dma_start3A_115] : memref<79x128xi32, #tpu.memory_space<vmem>> -> memref<1x128xi32, #tpu.memory_space<vmem>>
      %dma_start3A_117 = tpu.memref_squeeze %dma_start3A_116 : memref<1x128xi32, #tpu.memory_space<vmem>> -> memref<128xi32, #tpu.memory_space<vmem>>
      %dma_start3A_118 = arith.constant 0 : i32
      %dma_start3A_119 = arith.constant 0 : i32
      %dma_start3A_120 = tpu.memref_slice %arg11[%dma_start3A_118, %dma_start3A_119] : memref<10240x16xf32, #tpu.memory_space<vmem_shared>> -> memref<10240x16xf32, #tpu.memory_space<vmem_shared>>
      tpu.enqueue_indirect_dma source(%arg9 : memref<128x16xf32, #tpu.memory_space<vmem>>) target(%dma_start3A_120 : memref<10240x16xf32, #tpu.memory_space<vmem_shared>>) offsets(%dma_start3A_117 : memref<128xi32, #tpu.memory_space<vmem>>) semaphore(%arg24 : memref<!tpu.dma_semaphore, #tpu.memory_space<semaphore_mem>>) {add = true}
    } else {
    }
    %scan3A_95 = arith.constant 0 : i32
    %scan3A_96 = arith.constant 13 : i32
    %scan3A_97 = arith.addi %scan3A_95, %scan3A_96 : i32
    %scan3A_98 = arith.constant 1 : i32
    scf.for %scan3A_108 = %scan3A_95 to %scan3A_97 step %scan3A_98  : i32 {
      %mul3A_109 = arith.constant 1 : i32
      %mul3A_110 = arith.muli %scan3A_108, %mul3A_109 : i32
      %add3A_111 = arith.constant 0 : i32
      %add3A_112 = arith.addi %add3A_111, %mul3A_110 : i32
      %add3A_113 = arith.constant 1 : i32
      %add3A_114 = arith.addi %add3A_112, %add3A_113 : i32
      %lt3A_115 = arith.constant 13 : i32
      %lt3A_116 = arith.cmpi slt, %add3A_114, %lt3A_115 : i32
      %mul3A_117 = arith.constant 6 : i32
      %mul3A_118 = arith.muli %add3A_112, %mul3A_117 : i32
      %add3A_119 = arith.constant 0 : i32
      %add3A_120 = arith.addi %mul3A_118, %add3A_119 : i32
      %dma_wait3A = arith.constant 0 : i32
      %dma_wait3A_121 = arith.constant 0 : i32
      %dma_wait3A_122 = arith.constant 0 : i32
      %dma_wait3A_123 = tpu.memref_slice %arg8[%dma_wait3A, %dma_wait3A_121, %dma_wait3A_122] : memref<6x128x16xf32, #tpu.memory_space<vmem>> -> memref<1x128x16xf32, #tpu.memory_space<vmem>>
      %dma_wait3A_124 = tpu.memref_squeeze %dma_wait3A_123 : memref<1x128x16xf32, #tpu.memory_space<vmem>> -> memref<128x16xf32, #tpu.memory_space<vmem>>
      %dma_wait3A_125 = arith.constant 0 : i32
      %dma_wait3A_126 = tpu.memref_slice %arg6[%add3A_120, %dma_wait3A_125] : memref<79x128xi32, #tpu.memory_space<vmem>> -> memref<1x128xi32, #tpu.memory_space<vmem>>
      %dma_wait3A_127 = tpu.memref_squeeze %dma_wait3A_126 : memref<1x128xi32, #tpu.memory_space<vmem>> -> memref<128xi32, #tpu.memory_space<vmem>>
      %dma_wait3A_128 = arith.constant 0 : i32
      %dma_wait3A_129 = arith.constant 0 : i32
      %dma_wait3A_130 = tpu.memref_slice %arg2[%dma_wait3A_128, %dma_wait3A_129] : memref<10240x16xf32, #tpu.memory_space<hbm>> -> memref<10240x16xf32, #tpu.memory_space<hbm>>
      tpu.wait_indirect_dma semaphore(%arg12 : memref<!tpu.dma_semaphore, #tpu.memory_space<semaphore_mem>>) src(%dma_wait3A_130 : memref<10240x16xf32, #tpu.memory_space<hbm>>) dst(%dma_wait3A_124 : memref<128x16xf32, #tpu.memory_space<vmem>>)
      %dma_start3A_131 = arith.constant 0 : i32
      %dma_start3A_132 = arith.constant 0 : i32
      %dma_start3A_133 = arith.constant 0 : i32
      %dma_start3A_134 = tpu.memref_slice %arg8[%dma_start3A_131, %dma_start3A_132, %dma_start3A_133] : memref<6x128x16xf32, #tpu.memory_space<vmem>> -> memref<1x128x16xf32, #tpu.memory_space<vmem>>
      %dma_start3A_135 = tpu.memref_squeeze %dma_start3A_134 : memref<1x128x16xf32, #tpu.memory_space<vmem>> -> memref<128x16xf32, #tpu.memory_space<vmem>>
      %dma_start3A_136 = arith.constant 0 : i32
      %dma_start3A_137 = tpu.memref_slice %arg7[%add3A_120, %dma_start3A_136] : memref<79x128xi32, #tpu.memory_space<vmem>> -> memref<1x128xi32, #tpu.memory_space<vmem>>
      %dma_start3A_138 = tpu.memref_squeeze %dma_start3A_137 : memref<1x128xi32, #tpu.memory_space<vmem>> -> memref<128xi32, #tpu.memory_space<vmem>>
      %dma_start3A_139 = arith.constant 0 : i32
      %dma_start3A_140 = arith.constant 0 : i32
      %dma_start3A_141 = tpu.memref_slice %arg11[%dma_start3A_139, %dma_start3A_140] : memref<10240x16xf32, #tpu.memory_space<vmem_shared>> -> memref<10240x16xf32, #tpu.memory_space<vmem_shared>>
      tpu.enqueue_indirect_dma source(%dma_start3A_135 : memref<128x16xf32, #tpu.memory_space<vmem>>) target(%dma_start3A_141 : memref<10240x16xf32, #tpu.memory_space<vmem_shared>>) offsets(%dma_start3A_138 : memref<128xi32, #tpu.memory_space<vmem>>) semaphore(%arg18 : memref<!tpu.dma_semaphore, #tpu.memory_space<semaphore_mem>>) {add = true}
      %mul3A_142 = arith.constant 6 : i32
      %mul3A_143 = arith.muli %add3A_112, %mul3A_142 : i32
      %add3A_144 = arith.constant 1 : i32
      %add3A_145 = arith.addi %mul3A_143, %add3A_144 : i32
      %dma_wait3A_146 = arith.constant 1 : i32
      %dma_wait3A_147 = arith.constant 0 : i32
      %dma_wait3A_148 = arith.constant 0 : i32
      %dma_wait3A_149 = tpu.memref_slice %arg8[%dma_wait3A_146, %dma_wait3A_147, %dma_wait3A_148] : memref<6x128x16xf32, #tpu.memory_space<vmem>> -> memref<1x128x16xf32, #tpu.memory_space<vmem>>
      %dma_wait3A_150 = tpu.memref_squeeze %dma_wait3A_149 : memref<1x128x16xf32, #tpu.memory_space<vmem>> -> memref<128x16xf32, #tpu.memory_space<vmem>>
      %dma_wait3A_151 = arith.constant 0 : i32
      %dma_wait3A_152 = tpu.memref_slice %arg6[%add3A_145, %dma_wait3A_151] : memref<79x128xi32, #tpu.memory_space<vmem>> -> memref<1x128xi32, #tpu.memory_space<vmem>>
      %dma_wait3A_153 = tpu.memref_squeeze %dma_wait3A_152 : memref<1x128xi32, #tpu.memory_space<vmem>> -> memref<128xi32, #tpu.memory_space<vmem>>
      %dma_wait3A_154 = arith.constant 0 : i32
      %dma_wait3A_155 = arith.constant 0 : i32
      %dma_wait3A_156 = tpu.memref_slice %arg2[%dma_wait3A_154, %dma_wait3A_155] : memref<10240x16xf32, #tpu.memory_space<hbm>> -> memref<10240x16xf32, #tpu.memory_space<hbm>>
      tpu.wait_indirect_dma semaphore(%arg13 : memref<!tpu.dma_semaphore, #tpu.memory_space<semaphore_mem>>) src(%dma_wait3A_156 : memref<10240x16xf32, #tpu.memory_space<hbm>>) dst(%dma_wait3A_150 : memref<128x16xf32, #tpu.memory_space<vmem>>)
      %dma_start3A_157 = arith.constant 1 : i32
      %dma_start3A_158 = arith.constant 0 : i32
      %dma_start3A_159 = arith.constant 0 : i32
      %dma_start3A_160 = tpu.memref_slice %arg8[%dma_start3A_157, %dma_start3A_158, %dma_start3A_159] : memref<6x128x16xf32, #tpu.memory_space<vmem>> -> memref<1x128x16xf32, #tpu.memory_space<vmem>>
      %dma_start3A_161 = tpu.memref_squeeze %dma_start3A_160 : memref<1x128x16xf32, #tpu.memory_space<vmem>> -> memref<128x16xf32, #tpu.memory_space<vmem>>
      %dma_start3A_162 = arith.constant 0 : i32
      %dma_start3A_163 = tpu.memref_slice %arg7[%add3A_145, %dma_start3A_162] : memref<79x128xi32, #tpu.memory_space<vmem>> -> memref<1x128xi32, #tpu.memory_space<vmem>>
      %dma_start3A_164 = tpu.memref_squeeze %dma_start3A_163 : memref<1x128xi32, #tpu.memory_space<vmem>> -> memref<128xi32, #tpu.memory_space<vmem>>
      %dma_start3A_165 = arith.constant 0 : i32
      %dma_start3A_166 = arith.constant 0 : i32
      %dma_start3A_167 = tpu.memref_slice %arg11[%dma_start3A_165, %dma_start3A_166] : memref<10240x16xf32, #tpu.memory_space<vmem_shared>> -> memref<10240x16xf32, #tpu.memory_space<vmem_shared>>
      tpu.enqueue_indirect_dma source(%dma_start3A_161 : memref<128x16xf32, #tpu.memory_space<vmem>>) target(%dma_start3A_167 : memref<10240x16xf32, #tpu.memory_space<vmem_shared>>) offsets(%dma_start3A_164 : memref<128xi32, #tpu.memory_space<vmem>>) semaphore(%arg19 : memref<!tpu.dma_semaphore, #tpu.memory_space<semaphore_mem>>) {add = true}
      %mul3A_168 = arith.constant 6 : i32
      %mul3A_169 = arith.muli %add3A_112, %mul3A_168 : i32
      %add3A_170 = arith.constant 2 : i32
      %add3A_171 = arith.addi %mul3A_169, %add3A_170 : i32
      %dma_wait3A_172 = arith.constant 2 : i32
      %dma_wait3A_173 = arith.constant 0 : i32
      %dma_wait3A_174 = arith.constant 0 : i32
      %dma_wait3A_175 = tpu.memref_slice %arg8[%dma_wait3A_172, %dma_wait3A_173, %dma_wait3A_174] : memref<6x128x16xf32, #tpu.memory_space<vmem>> -> memref<1x128x16xf32, #tpu.memory_space<vmem>>
      %dma_wait3A_176 = tpu.memref_squeeze %dma_wait3A_175 : memref<1x128x16xf32, #tpu.memory_space<vmem>> -> memref<128x16xf32, #tpu.memory_space<vmem>>
      %dma_wait3A_177 = arith.constant 0 : i32
      %dma_wait3A_178 = tpu.memref_slice %arg6[%add3A_171, %dma_wait3A_177] : memref<79x128xi32, #tpu.memory_space<vmem>> -> memref<1x128xi32, #tpu.memory_space<vmem>>
      %dma_wait3A_179 = tpu.memref_squeeze %dma_wait3A_178 : memref<1x128xi32, #tpu.memory_space<vmem>> -> memref<128xi32, #tpu.memory_space<vmem>>
      %dma_wait3A_180 = arith.constant 0 : i32
      %dma_wait3A_181 = arith.constant 0 : i32
      %dma_wait3A_182 = tpu.memref_slice %arg2[%dma_wait3A_180, %dma_wait3A_181] : memref<10240x16xf32, #tpu.memory_space<hbm>> -> memref<10240x16xf32, #tpu.memory_space<hbm>>
      tpu.wait_indirect_dma semaphore(%arg14 : memref<!tpu.dma_semaphore, #tpu.memory_space<semaphore_mem>>) src(%dma_wait3A_182 : memref<10240x16xf32, #tpu.memory_space<hbm>>) dst(%dma_wait3A_176 : memref<128x16xf32, #tpu.memory_space<vmem>>)
      %dma_start3A_183 = arith.constant 2 : i32
      %dma_start3A_184 = arith.constant 0 : i32
      %dma_start3A_185 = arith.constant 0 : i32
      %dma_start3A_186 = tpu.memref_slice %arg8[%dma_start3A_183, %dma_start3A_184, %dma_start3A_185] : memref<6x128x16xf32, #tpu.memory_space<vmem>> -> memref<1x128x16xf32, #tpu.memory_space<vmem>>
      %dma_start3A_187 = tpu.memref_squeeze %dma_start3A_186 : memref<1x128x16xf32, #tpu.memory_space<vmem>> -> memref<128x16xf32, #tpu.memory_space<vmem>>
      %dma_start3A_188 = arith.constant 0 : i32
      %dma_start3A_189 = tpu.memref_slice %arg7[%add3A_171, %dma_start3A_188] : memref<79x128xi32, #tpu.memory_space<vmem>> -> memref<1x128xi32, #tpu.memory_space<vmem>>
      %dma_start3A_190 = tpu.memref_squeeze %dma_start3A_189 : memref<1x128xi32, #tpu.memory_space<vmem>> -> memref<128xi32, #tpu.memory_space<vmem>>
      %dma_start3A_191 = arith.constant 0 : i32
      %dma_start3A_192 = arith.constant 0 : i32
      %dma_start3A_193 = tpu.memref_slice %arg11[%dma_start3A_191, %dma_start3A_192] : memref<10240x16xf32, #tpu.memory_space<vmem_shared>> -> memref<10240x16xf32, #tpu.memory_space<vmem_shared>>
      tpu.enqueue_indirect_dma source(%dma_start3A_187 : memref<128x16xf32, #tpu.memory_space<vmem>>) target(%dma_start3A_193 : memref<10240x16xf32, #tpu.memory_space<vmem_shared>>) offsets(%dma_start3A_190 : memref<128xi32, #tpu.memory_space<vmem>>) semaphore(%arg20 : memref<!tpu.dma_semaphore, #tpu.memory_space<semaphore_mem>>) {add = true}
      %mul3A_194 = arith.constant 6 : i32
      %mul3A_195 = arith.muli %add3A_112, %mul3A_194 : i32
      %add3A_196 = arith.constant 3 : i32
      %add3A_197 = arith.addi %mul3A_195, %add3A_196 : i32
      %dma_wait3A_198 = arith.constant 3 : i32
      %dma_wait3A_199 = arith.constant 0 : i32
      %dma_wait3A_200 = arith.constant 0 : i32
      %dma_wait3A_201 = tpu.memref_slice %arg8[%dma_wait3A_198, %dma_wait3A_199, %dma_wait3A_200] : memref<6x128x16xf32, #tpu.memory_space<vmem>> -> memref<1x128x16xf32, #tpu.memory_space<vmem>>
      %dma_wait3A_202 = tpu.memref_squeeze %dma_wait3A_201 : memref<1x128x16xf32, #tpu.memory_space<vmem>> -> memref<128x16xf32, #tpu.memory_space<vmem>>
      %dma_wait3A_203 = arith.constant 0 : i32
      %dma_wait3A_204 = tpu.memref_slice %arg6[%add3A_197, %dma_wait3A_203] : memref<79x128xi32, #tpu.memory_space<vmem>> -> memref<1x128xi32, #tpu.memory_space<vmem>>
      %dma_wait3A_205 = tpu.memref_squeeze %dma_wait3A_204 : memref<1x128xi32, #tpu.memory_space<vmem>> -> memref<128xi32, #tpu.memory_space<vmem>>
      %dma_wait3A_206 = arith.constant 0 : i32
      %dma_wait3A_207 = arith.constant 0 : i32
      %dma_wait3A_208 = tpu.memref_slice %arg2[%dma_wait3A_206, %dma_wait3A_207] : memref<10240x16xf32, #tpu.memory_space<hbm>> -> memref<10240x16xf32, #tpu.memory_space<hbm>>
      tpu.wait_indirect_dma semaphore(%arg15 : memref<!tpu.dma_semaphore, #tpu.memory_space<semaphore_mem>>) src(%dma_wait3A_208 : memref<10240x16xf32, #tpu.memory_space<hbm>>) dst(%dma_wait3A_202 : memref<128x16xf32, #tpu.memory_space<vmem>>)
      %dma_start3A_209 = arith.constant 3 : i32
      %dma_start3A_210 = arith.constant 0 : i32
      %dma_start3A_211 = arith.constant 0 : i32
      %dma_start3A_212 = tpu.memref_slice %arg8[%dma_start3A_209, %dma_start3A_210, %dma_start3A_211] : memref<6x128x16xf32, #tpu.memory_space<vmem>> -> memref<1x128x16xf32, #tpu.memory_space<vmem>>
      %dma_start3A_213 = tpu.memref_squeeze %dma_start3A_212 : memref<1x128x16xf32, #tpu.memory_space<vmem>> -> memref<128x16xf32, #tpu.memory_space<vmem>>
      %dma_start3A_214 = arith.constant 0 : i32
      %dma_start3A_215 = tpu.memref_slice %arg7[%add3A_197, %dma_start3A_214] : memref<79x128xi32, #tpu.memory_space<vmem>> -> memref<1x128xi32, #tpu.memory_space<vmem>>
      %dma_start3A_216 = tpu.memref_squeeze %dma_start3A_215 : memref<1x128xi32, #tpu.memory_space<vmem>> -> memref<128xi32, #tpu.memory_space<vmem>>
      %dma_start3A_217 = arith.constant 0 : i32
      %dma_start3A_218 = arith.constant 0 : i32
      %dma_start3A_219 = tpu.memref_slice %arg11[%dma_start3A_217, %dma_start3A_218] : memref<10240x16xf32, #tpu.memory_space<vmem_shared>> -> memref<10240x16xf32, #tpu.memory_space<vmem_shared>>
      tpu.enqueue_indirect_dma source(%dma_start3A_213 : memref<128x16xf32, #tpu.memory_space<vmem>>) target(%dma_start3A_219 : memref<10240x16xf32, #tpu.memory_space<vmem_shared>>) offsets(%dma_start3A_216 : memref<128xi32, #tpu.memory_space<vmem>>) semaphore(%arg21 : memref<!tpu.dma_semaphore, #tpu.memory_space<semaphore_mem>>) {add = true}
      %mul3A_220 = arith.constant 6 : i32
      %mul3A_221 = arith.muli %add3A_112, %mul3A_220 : i32
      %add3A_222 = arith.constant 4 : i32
      %add3A_223 = arith.addi %mul3A_221, %add3A_222 : i32
      %dma_wait3A_224 = arith.constant 4 : i32
      %dma_wait3A_225 = arith.constant 0 : i32
      %dma_wait3A_226 = arith.constant 0 : i32
      %dma_wait3A_227 = tpu.memref_slice %arg8[%dma_wait3A_224, %dma_wait3A_225, %dma_wait3A_226] : memref<6x128x16xf32, #tpu.memory_space<vmem>> -> memref<1x128x16xf32, #tpu.memory_space<vmem>>
      %dma_wait3A_228 = tpu.memref_squeeze %dma_wait3A_227 : memref<1x128x16xf32, #tpu.memory_space<vmem>> -> memref<128x16xf32, #tpu.memory_space<vmem>>
      %dma_wait3A_229 = arith.constant 0 : i32
      %dma_wait3A_230 = tpu.memref_slice %arg6[%add3A_223, %dma_wait3A_229] : memref<79x128xi32, #tpu.memory_space<vmem>> -> memref<1x128xi32, #tpu.memory_space<vmem>>
      %dma_wait3A_231 = tpu.memref_squeeze %dma_wait3A_230 : memref<1x128xi32, #tpu.memory_space<vmem>> -> memref<128xi32, #tpu.memory_space<vmem>>
      %dma_wait3A_232 = arith.constant 0 : i32
      %dma_wait3A_233 = arith.constant 0 : i32
      %dma_wait3A_234 = tpu.memref_slice %arg2[%dma_wait3A_232, %dma_wait3A_233] : memref<10240x16xf32, #tpu.memory_space<hbm>> -> memref<10240x16xf32, #tpu.memory_space<hbm>>
      tpu.wait_indirect_dma semaphore(%arg16 : memref<!tpu.dma_semaphore, #tpu.memory_space<semaphore_mem>>) src(%dma_wait3A_234 : memref<10240x16xf32, #tpu.memory_space<hbm>>) dst(%dma_wait3A_228 : memref<128x16xf32, #tpu.memory_space<vmem>>)
      %dma_start3A_235 = arith.constant 4 : i32
      %dma_start3A_236 = arith.constant 0 : i32
      %dma_start3A_237 = arith.constant 0 : i32
      %dma_start3A_238 = tpu.memref_slice %arg8[%dma_start3A_235, %dma_start3A_236, %dma_start3A_237] : memref<6x128x16xf32, #tpu.memory_space<vmem>> -> memref<1x128x16xf32, #tpu.memory_space<vmem>>
      %dma_start3A_239 = tpu.memref_squeeze %dma_start3A_238 : memref<1x128x16xf32, #tpu.memory_space<vmem>> -> memref<128x16xf32, #tpu.memory_space<vmem>>
      %dma_start3A_240 = arith.constant 0 : i32
      %dma_start3A_241 = tpu.memref_slice %arg7[%add3A_223, %dma_start3A_240] : memref<79x128xi32, #tpu.memory_space<vmem>> -> memref<1x128xi32, #tpu.memory_space<vmem>>
      %dma_start3A_242 = tpu.memref_squeeze %dma_start3A_241 : memref<1x128xi32, #tpu.memory_space<vmem>> -> memref<128xi32, #tpu.memory_space<vmem>>
      %dma_start3A_243 = arith.constant 0 : i32
      %dma_start3A_244 = arith.constant 0 : i32
      %dma_start3A_245 = tpu.memref_slice %arg11[%dma_start3A_243, %dma_start3A_244] : memref<10240x16xf32, #tpu.memory_space<vmem_shared>> -> memref<10240x16xf32, #tpu.memory_space<vmem_shared>>
      tpu.enqueue_indirect_dma source(%dma_start3A_239 : memref<128x16xf32, #tpu.memory_space<vmem>>) target(%dma_start3A_245 : memref<10240x16xf32, #tpu.memory_space<vmem_shared>>) offsets(%dma_start3A_242 : memref<128xi32, #tpu.memory_space<vmem>>) semaphore(%arg22 : memref<!tpu.dma_semaphore, #tpu.memory_space<semaphore_mem>>) {add = true}
      %mul3A_246 = arith.constant 6 : i32
      %mul3A_247 = arith.muli %add3A_112, %mul3A_246 : i32
      %add3A_248 = arith.constant 5 : i32
      %add3A_249 = arith.addi %mul3A_247, %add3A_248 : i32
      %dma_wait3A_250 = arith.constant 5 : i32
      %dma_wait3A_251 = arith.constant 0 : i32
      %dma_wait3A_252 = arith.constant 0 : i32
      %dma_wait3A_253 = tpu.memref_slice %arg8[%dma_wait3A_250, %dma_wait3A_251, %dma_wait3A_252] : memref<6x128x16xf32, #tpu.memory_space<vmem>> -> memref<1x128x16xf32, #tpu.memory_space<vmem>>
      %dma_wait3A_254 = tpu.memref_squeeze %dma_wait3A_253 : memref<1x128x16xf32, #tpu.memory_space<vmem>> -> memref<128x16xf32, #tpu.memory_space<vmem>>
      %dma_wait3A_255 = arith.constant 0 : i32
      %dma_wait3A_256 = tpu.memref_slice %arg6[%add3A_249, %dma_wait3A_255] : memref<79x128xi32, #tpu.memory_space<vmem>> -> memref<1x128xi32, #tpu.memory_space<vmem>>
      %dma_wait3A_257 = tpu.memref_squeeze %dma_wait3A_256 : memref<1x128xi32, #tpu.memory_space<vmem>> -> memref<128xi32, #tpu.memory_space<vmem>>
      %dma_wait3A_258 = arith.constant 0 : i32
      %dma_wait3A_259 = arith.constant 0 : i32
      %dma_wait3A_260 = tpu.memref_slice %arg2[%dma_wait3A_258, %dma_wait3A_259] : memref<10240x16xf32, #tpu.memory_space<hbm>> -> memref<10240x16xf32, #tpu.memory_space<hbm>>
      tpu.wait_indirect_dma semaphore(%arg17 : memref<!tpu.dma_semaphore, #tpu.memory_space<semaphore_mem>>) src(%dma_wait3A_260 : memref<10240x16xf32, #tpu.memory_space<hbm>>) dst(%dma_wait3A_254 : memref<128x16xf32, #tpu.memory_space<vmem>>)
      %dma_start3A_261 = arith.constant 5 : i32
      %dma_start3A_262 = arith.constant 0 : i32
      %dma_start3A_263 = arith.constant 0 : i32
      %dma_start3A_264 = tpu.memref_slice %arg8[%dma_start3A_261, %dma_start3A_262, %dma_start3A_263] : memref<6x128x16xf32, #tpu.memory_space<vmem>> -> memref<1x128x16xf32, #tpu.memory_space<vmem>>
      %dma_start3A_265 = tpu.memref_squeeze %dma_start3A_264 : memref<1x128x16xf32, #tpu.memory_space<vmem>> -> memref<128x16xf32, #tpu.memory_space<vmem>>
      %dma_start3A_266 = arith.constant 0 : i32
      %dma_start3A_267 = tpu.memref_slice %arg7[%add3A_249, %dma_start3A_266] : memref<79x128xi32, #tpu.memory_space<vmem>> -> memref<1x128xi32, #tpu.memory_space<vmem>>
      %dma_start3A_268 = tpu.memref_squeeze %dma_start3A_267 : memref<1x128xi32, #tpu.memory_space<vmem>> -> memref<128xi32, #tpu.memory_space<vmem>>
      %dma_start3A_269 = arith.constant 0 : i32
      %dma_start3A_270 = arith.constant 0 : i32
      %dma_start3A_271 = tpu.memref_slice %arg11[%dma_start3A_269, %dma_start3A_270] : memref<10240x16xf32, #tpu.memory_space<vmem_shared>> -> memref<10240x16xf32, #tpu.memory_space<vmem_shared>>
      tpu.enqueue_indirect_dma source(%dma_start3A_265 : memref<128x16xf32, #tpu.memory_space<vmem>>) target(%dma_start3A_271 : memref<10240x16xf32, #tpu.memory_space<vmem_shared>>) offsets(%dma_start3A_268 : memref<128xi32, #tpu.memory_space<vmem>>) semaphore(%arg23 : memref<!tpu.dma_semaphore, #tpu.memory_space<semaphore_mem>>) {add = true}
      %mul3A_272 = arith.constant 6 : i32
      %mul3A_273 = arith.muli %add3A_112, %mul3A_272 : i32
      %add3A_274 = arith.constant 0 : i32
      %add3A_275 = arith.addi %mul3A_273, %add3A_274 : i32
      %dma_wait3A_276 = arith.constant 0 : i32
      %dma_wait3A_277 = arith.constant 0 : i32
      %dma_wait3A_278 = arith.constant 0 : i32
      %dma_wait3A_279 = tpu.memref_slice %arg8[%dma_wait3A_276, %dma_wait3A_277, %dma_wait3A_278] : memref<6x128x16xf32, #tpu.memory_space<vmem>> -> memref<1x128x16xf32, #tpu.memory_space<vmem>>
      %dma_wait3A_280 = tpu.memref_squeeze %dma_wait3A_279 : memref<1x128x16xf32, #tpu.memory_space<vmem>> -> memref<128x16xf32, #tpu.memory_space<vmem>>
      %dma_wait3A_281 = arith.constant 0 : i32
      %dma_wait3A_282 = tpu.memref_slice %arg7[%add3A_275, %dma_wait3A_281] : memref<79x128xi32, #tpu.memory_space<vmem>> -> memref<1x128xi32, #tpu.memory_space<vmem>>
      %dma_wait3A_283 = tpu.memref_squeeze %dma_wait3A_282 : memref<1x128xi32, #tpu.memory_space<vmem>> -> memref<128xi32, #tpu.memory_space<vmem>>
      %dma_wait3A_284 = arith.constant 0 : i32
      %dma_wait3A_285 = arith.constant 0 : i32
      %dma_wait3A_286 = tpu.memref_slice %arg11[%dma_wait3A_284, %dma_wait3A_285] : memref<10240x16xf32, #tpu.memory_space<vmem_shared>> -> memref<10240x16xf32, #tpu.memory_space<vmem_shared>>
      tpu.wait_indirect_dma semaphore(%arg18 : memref<!tpu.dma_semaphore, #tpu.memory_space<semaphore_mem>>) src(%dma_wait3A_280 : memref<128x16xf32, #tpu.memory_space<vmem>>) dst(%dma_wait3A_286 : memref<10240x16xf32, #tpu.memory_space<vmem_shared>>)
      %convert_element_type3A_287 = arith.extui %lt3A_116 : i1 to i32
      %cond3A_288 = arith.constant 0 : i32
      %cond3A_289 = arith.cmpi ne, %convert_element_type3A_287, %cond3A_288 : i32
      scf.if %cond3A_289 {
        %add3A_380 = arith.constant 6 : i32
        %add3A_381 = arith.addi %add3A_275, %add3A_380 : i32
        %dma_start3A_382 = arith.constant 0 : i32
        %dma_start3A_383 = arith.constant 0 : i32
        %dma_start3A_384 = arith.constant 0 : i32
        %dma_start3A_385 = tpu.memref_slice %arg8[%dma_start3A_382, %dma_start3A_383, %dma_start3A_384] : memref<6x128x16xf32, #tpu.memory_space<vmem>> -> memref<1x128x16xf32, #tpu.memory_space<vmem>>
        %dma_start3A_386 = tpu.memref_squeeze %dma_start3A_385 : memref<1x128x16xf32, #tpu.memory_space<vmem>> -> memref<128x16xf32, #tpu.memory_space<vmem>>
        %dma_start3A_387 = arith.constant 0 : i32
        %dma_start3A_388 = tpu.memref_slice %arg6[%add3A_381, %dma_start3A_387] : memref<79x128xi32, #tpu.memory_space<vmem>> -> memref<1x128xi32, #tpu.memory_space<vmem>>
        %dma_start3A_389 = tpu.memref_squeeze %dma_start3A_388 : memref<1x128xi32, #tpu.memory_space<vmem>> -> memref<128xi32, #tpu.memory_space<vmem>>
        %dma_start3A_390 = arith.constant 0 : i32
        %dma_start3A_391 = arith.constant 0 : i32
        %dma_start3A_392 = tpu.memref_slice %arg2[%dma_start3A_390, %dma_start3A_391] : memref<10240x16xf32, #tpu.memory_space<hbm>> -> memref<10240x16xf32, #tpu.memory_space<hbm>>
        tpu.enqueue_indirect_dma source(%dma_start3A_392 : memref<10240x16xf32, #tpu.memory_space<hbm>>) target(%dma_start3A_386 : memref<128x16xf32, #tpu.memory_space<vmem>>) offsets(%dma_start3A_389 : memref<128xi32, #tpu.memory_space<vmem>>) semaphore(%arg12 : memref<!tpu.dma_semaphore, #tpu.memory_space<semaphore_mem>>)
      } else {
      }
      %mul3A_290 = arith.constant 6 : i32
      %mul3A_291 = arith.muli %add3A_112, %mul3A_290 : i32
      %add3A_292 = arith.constant 1 : i32
      %add3A_293 = arith.addi %mul3A_291, %add3A_292 : i32
      %dma_wait3A_294 = arith.constant 1 : i32
      %dma_wait3A_295 = arith.constant 0 : i32
      %dma_wait3A_296 = arith.constant 0 : i32
      %dma_wait3A_297 = tpu.memref_slice %arg8[%dma_wait3A_294, %dma_wait3A_295, %dma_wait3A_296] : memref<6x128x16xf32, #tpu.memory_space<vmem>> -> memref<1x128x16xf32, #tpu.memory_space<vmem>>
      %dma_wait3A_298 = tpu.memref_squeeze %dma_wait3A_297 : memref<1x128x16xf32, #tpu.memory_space<vmem>> -> memref<128x16xf32, #tpu.memory_space<vmem>>
      %dma_wait3A_299 = arith.constant 0 : i32
      %dma_wait3A_300 = tpu.memref_slice %arg7[%add3A_293, %dma_wait3A_299] : memref<79x128xi32, #tpu.memory_space<vmem>> -> memref<1x128xi32, #tpu.memory_space<vmem>>
      %dma_wait3A_301 = tpu.memref_squeeze %dma_wait3A_300 : memref<1x128xi32, #tpu.memory_space<vmem>> -> memref<128xi32, #tpu.memory_space<vmem>>
      %dma_wait3A_302 = arith.constant 0 : i32
      %dma_wait3A_303 = arith.constant 0 : i32
      %dma_wait3A_304 = tpu.memref_slice %arg11[%dma_wait3A_302, %dma_wait3A_303] : memref<10240x16xf32, #tpu.memory_space<vmem_shared>> -> memref<10240x16xf32, #tpu.memory_space<vmem_shared>>
      tpu.wait_indirect_dma semaphore(%arg19 : memref<!tpu.dma_semaphore, #tpu.memory_space<semaphore_mem>>) src(%dma_wait3A_298 : memref<128x16xf32, #tpu.memory_space<vmem>>) dst(%dma_wait3A_304 : memref<10240x16xf32, #tpu.memory_space<vmem_shared>>)
      %convert_element_type3A_305 = arith.extui %lt3A_116 : i1 to i32
      %cond3A_306 = arith.constant 0 : i32
      %cond3A_307 = arith.cmpi ne, %convert_element_type3A_305, %cond3A_306 : i32
      scf.if %cond3A_307 {
        %add3A_380 = arith.constant 6 : i32
        %add3A_381 = arith.addi %add3A_293, %add3A_380 : i32
        %dma_start3A_382 = arith.constant 1 : i32
        %dma_start3A_383 = arith.constant 0 : i32
        %dma_start3A_384 = arith.constant 0 : i32
        %dma_start3A_385 = tpu.memref_slice %arg8[%dma_start3A_382, %dma_start3A_383, %dma_start3A_384] : memref<6x128x16xf32, #tpu.memory_space<vmem>> -> memref<1x128x16xf32, #tpu.memory_space<vmem>>
        %dma_start3A_386 = tpu.memref_squeeze %dma_start3A_385 : memref<1x128x16xf32, #tpu.memory_space<vmem>> -> memref<128x16xf32, #tpu.memory_space<vmem>>
        %dma_start3A_387 = arith.constant 0 : i32
        %dma_start3A_388 = tpu.memref_slice %arg6[%add3A_381, %dma_start3A_387] : memref<79x128xi32, #tpu.memory_space<vmem>> -> memref<1x128xi32, #tpu.memory_space<vmem>>
        %dma_start3A_389 = tpu.memref_squeeze %dma_start3A_388 : memref<1x128xi32, #tpu.memory_space<vmem>> -> memref<128xi32, #tpu.memory_space<vmem>>
        %dma_start3A_390 = arith.constant 0 : i32
        %dma_start3A_391 = arith.constant 0 : i32
        %dma_start3A_392 = tpu.memref_slice %arg2[%dma_start3A_390, %dma_start3A_391] : memref<10240x16xf32, #tpu.memory_space<hbm>> -> memref<10240x16xf32, #tpu.memory_space<hbm>>
        tpu.enqueue_indirect_dma source(%dma_start3A_392 : memref<10240x16xf32, #tpu.memory_space<hbm>>) target(%dma_start3A_386 : memref<128x16xf32, #tpu.memory_space<vmem>>) offsets(%dma_start3A_389 : memref<128xi32, #tpu.memory_space<vmem>>) semaphore(%arg13 : memref<!tpu.dma_semaphore, #tpu.memory_space<semaphore_mem>>)
      } else {
      }
      %mul3A_308 = arith.constant 6 : i32
      %mul3A_309 = arith.muli %add3A_112, %mul3A_308 : i32
      %add3A_310 = arith.constant 2 : i32
      %add3A_311 = arith.addi %mul3A_309, %add3A_310 : i32
      %dma_wait3A_312 = arith.constant 2 : i32
      %dma_wait3A_313 = arith.constant 0 : i32
      %dma_wait3A_314 = arith.constant 0 : i32
      %dma_wait3A_315 = tpu.memref_slice %arg8[%dma_wait3A_312, %dma_wait3A_313, %dma_wait3A_314] : memref<6x128x16xf32, #tpu.memory_space<vmem>> -> memref<1x128x16xf32, #tpu.memory_space<vmem>>
      %dma_wait3A_316 = tpu.memref_squeeze %dma_wait3A_315 : memref<1x128x16xf32, #tpu.memory_space<vmem>> -> memref<128x16xf32, #tpu.memory_space<vmem>>
      %dma_wait3A_317 = arith.constant 0 : i32
      %dma_wait3A_318 = tpu.memref_slice %arg7[%add3A_311, %dma_wait3A_317] : memref<79x128xi32, #tpu.memory_space<vmem>> -> memref<1x128xi32, #tpu.memory_space<vmem>>
      %dma_wait3A_319 = tpu.memref_squeeze %dma_wait3A_318 : memref<1x128xi32, #tpu.memory_space<vmem>> -> memref<128xi32, #tpu.memory_space<vmem>>
      %dma_wait3A_320 = arith.constant 0 : i32
      %dma_wait3A_321 = arith.constant 0 : i32
      %dma_wait3A_322 = tpu.memref_slice %arg11[%dma_wait3A_320, %dma_wait3A_321] : memref<10240x16xf32, #tpu.memory_space<vmem_shared>> -> memref<10240x16xf32, #tpu.memory_space<vmem_shared>>
      tpu.wait_indirect_dma semaphore(%arg20 : memref<!tpu.dma_semaphore, #tpu.memory_space<semaphore_mem>>) src(%dma_wait3A_316 : memref<128x16xf32, #tpu.memory_space<vmem>>) dst(%dma_wait3A_322 : memref<10240x16xf32, #tpu.memory_space<vmem_shared>>)
      %convert_element_type3A_323 = arith.extui %lt3A_116 : i1 to i32
      %cond3A_324 = arith.constant 0 : i32
      %cond3A_325 = arith.cmpi ne, %convert_element_type3A_323, %cond3A_324 : i32
      scf.if %cond3A_325 {
        %add3A_380 = arith.constant 6 : i32
        %add3A_381 = arith.addi %add3A_311, %add3A_380 : i32
        %dma_start3A_382 = arith.constant 2 : i32
        %dma_start3A_383 = arith.constant 0 : i32
        %dma_start3A_384 = arith.constant 0 : i32
        %dma_start3A_385 = tpu.memref_slice %arg8[%dma_start3A_382, %dma_start3A_383, %dma_start3A_384] : memref<6x128x16xf32, #tpu.memory_space<vmem>> -> memref<1x128x16xf32, #tpu.memory_space<vmem>>
        %dma_start3A_386 = tpu.memref_squeeze %dma_start3A_385 : memref<1x128x16xf32, #tpu.memory_space<vmem>> -> memref<128x16xf32, #tpu.memory_space<vmem>>
        %dma_start3A_387 = arith.constant 0 : i32
        %dma_start3A_388 = tpu.memref_slice %arg6[%add3A_381, %dma_start3A_387] : memref<79x128xi32, #tpu.memory_space<vmem>> -> memref<1x128xi32, #tpu.memory_space<vmem>>
        %dma_start3A_389 = tpu.memref_squeeze %dma_start3A_388 : memref<1x128xi32, #tpu.memory_space<vmem>> -> memref<128xi32, #tpu.memory_space<vmem>>
        %dma_start3A_390 = arith.constant 0 : i32
        %dma_start3A_391 = arith.constant 0 : i32
        %dma_start3A_392 = tpu.memref_slice %arg2[%dma_start3A_390, %dma_start3A_391] : memref<10240x16xf32, #tpu.memory_space<hbm>> -> memref<10240x16xf32, #tpu.memory_space<hbm>>
        tpu.enqueue_indirect_dma source(%dma_start3A_392 : memref<10240x16xf32, #tpu.memory_space<hbm>>) target(%dma_start3A_386 : memref<128x16xf32, #tpu.memory_space<vmem>>) offsets(%dma_start3A_389 : memref<128xi32, #tpu.memory_space<vmem>>) semaphore(%arg14 : memref<!tpu.dma_semaphore, #tpu.memory_space<semaphore_mem>>)
      } else {
      }
      %mul3A_326 = arith.constant 6 : i32
      %mul3A_327 = arith.muli %add3A_112, %mul3A_326 : i32
      %add3A_328 = arith.constant 3 : i32
      %add3A_329 = arith.addi %mul3A_327, %add3A_328 : i32
      %dma_wait3A_330 = arith.constant 3 : i32
      %dma_wait3A_331 = arith.constant 0 : i32
      %dma_wait3A_332 = arith.constant 0 : i32
      %dma_wait3A_333 = tpu.memref_slice %arg8[%dma_wait3A_330, %dma_wait3A_331, %dma_wait3A_332] : memref<6x128x16xf32, #tpu.memory_space<vmem>> -> memref<1x128x16xf32, #tpu.memory_space<vmem>>
      %dma_wait3A_334 = tpu.memref_squeeze %dma_wait3A_333 : memref<1x128x16xf32, #tpu.memory_space<vmem>> -> memref<128x16xf32, #tpu.memory_space<vmem>>
      %dma_wait3A_335 = arith.constant 0 : i32
      %dma_wait3A_336 = tpu.memref_slice %arg7[%add3A_329, %dma_wait3A_335] : memref<79x128xi32, #tpu.memory_space<vmem>> -> memref<1x128xi32, #tpu.memory_space<vmem>>
      %dma_wait3A_337 = tpu.memref_squeeze %dma_wait3A_336 : memref<1x128xi32, #tpu.memory_space<vmem>> -> memref<128xi32, #tpu.memory_space<vmem>>
      %dma_wait3A_338 = arith.constant 0 : i32
      %dma_wait3A_339 = arith.constant 0 : i32
      %dma_wait3A_340 = tpu.memref_slice %arg11[%dma_wait3A_338, %dma_wait3A_339] : memref<10240x16xf32, #tpu.memory_space<vmem_shared>> -> memref<10240x16xf32, #tpu.memory_space<vmem_shared>>
      tpu.wait_indirect_dma semaphore(%arg21 : memref<!tpu.dma_semaphore, #tpu.memory_space<semaphore_mem>>) src(%dma_wait3A_334 : memref<128x16xf32, #tpu.memory_space<vmem>>) dst(%dma_wait3A_340 : memref<10240x16xf32, #tpu.memory_space<vmem_shared>>)
      %convert_element_type3A_341 = arith.extui %lt3A_116 : i1 to i32
      %cond3A_342 = arith.constant 0 : i32
      %cond3A_343 = arith.cmpi ne, %convert_element_type3A_341, %cond3A_342 : i32
      scf.if %cond3A_343 {
        %add3A_380 = arith.constant 6 : i32
        %add3A_381 = arith.addi %add3A_329, %add3A_380 : i32
        %dma_start3A_382 = arith.constant 3 : i32
        %dma_start3A_383 = arith.constant 0 : i32
        %dma_start3A_384 = arith.constant 0 : i32
        %dma_start3A_385 = tpu.memref_slice %arg8[%dma_start3A_382, %dma_start3A_383, %dma_start3A_384] : memref<6x128x16xf32, #tpu.memory_space<vmem>> -> memref<1x128x16xf32, #tpu.memory_space<vmem>>
        %dma_start3A_386 = tpu.memref_squeeze %dma_start3A_385 : memref<1x128x16xf32, #tpu.memory_space<vmem>> -> memref<128x16xf32, #tpu.memory_space<vmem>>
        %dma_start3A_387 = arith.constant 0 : i32
        %dma_start3A_388 = tpu.memref_slice %arg6[%add3A_381, %dma_start3A_387] : memref<79x128xi32, #tpu.memory_space<vmem>> -> memref<1x128xi32, #tpu.memory_space<vmem>>
        %dma_start3A_389 = tpu.memref_squeeze %dma_start3A_388 : memref<1x128xi32, #tpu.memory_space<vmem>> -> memref<128xi32, #tpu.memory_space<vmem>>
        %dma_start3A_390 = arith.constant 0 : i32
        %dma_start3A_391 = arith.constant 0 : i32
        %dma_start3A_392 = tpu.memref_slice %arg2[%dma_start3A_390, %dma_start3A_391] : memref<10240x16xf32, #tpu.memory_space<hbm>> -> memref<10240x16xf32, #tpu.memory_space<hbm>>
        tpu.enqueue_indirect_dma source(%dma_start3A_392 : memref<10240x16xf32, #tpu.memory_space<hbm>>) target(%dma_start3A_386 : memref<128x16xf32, #tpu.memory_space<vmem>>) offsets(%dma_start3A_389 : memref<128xi32, #tpu.memory_space<vmem>>) semaphore(%arg15 : memref<!tpu.dma_semaphore, #tpu.memory_space<semaphore_mem>>)
      } else {
      }
      %mul3A_344 = arith.constant 6 : i32
      %mul3A_345 = arith.muli %add3A_112, %mul3A_344 : i32
      %add3A_346 = arith.constant 4 : i32
      %add3A_347 = arith.addi %mul3A_345, %add3A_346 : i32
      %dma_wait3A_348 = arith.constant 4 : i32
      %dma_wait3A_349 = arith.constant 0 : i32
      %dma_wait3A_350 = arith.constant 0 : i32
      %dma_wait3A_351 = tpu.memref_slice %arg8[%dma_wait3A_348, %dma_wait3A_349, %dma_wait3A_350] : memref<6x128x16xf32, #tpu.memory_space<vmem>> -> memref<1x128x16xf32, #tpu.memory_space<vmem>>
      %dma_wait3A_352 = tpu.memref_squeeze %dma_wait3A_351 : memref<1x128x16xf32, #tpu.memory_space<vmem>> -> memref<128x16xf32, #tpu.memory_space<vmem>>
      %dma_wait3A_353 = arith.constant 0 : i32
      %dma_wait3A_354 = tpu.memref_slice %arg7[%add3A_347, %dma_wait3A_353] : memref<79x128xi32, #tpu.memory_space<vmem>> -> memref<1x128xi32, #tpu.memory_space<vmem>>
      %dma_wait3A_355 = tpu.memref_squeeze %dma_wait3A_354 : memref<1x128xi32, #tpu.memory_space<vmem>> -> memref<128xi32, #tpu.memory_space<vmem>>
      %dma_wait3A_356 = arith.constant 0 : i32
      %dma_wait3A_357 = arith.constant 0 : i32
      %dma_wait3A_358 = tpu.memref_slice %arg11[%dma_wait3A_356, %dma_wait3A_357] : memref<10240x16xf32, #tpu.memory_space<vmem_shared>> -> memref<10240x16xf32, #tpu.memory_space<vmem_shared>>
      tpu.wait_indirect_dma semaphore(%arg22 : memref<!tpu.dma_semaphore, #tpu.memory_space<semaphore_mem>>) src(%dma_wait3A_352 : memref<128x16xf32, #tpu.memory_space<vmem>>) dst(%dma_wait3A_358 : memref<10240x16xf32, #tpu.memory_space<vmem_shared>>)
      %convert_element_type3A_359 = arith.extui %lt3A_116 : i1 to i32
      %cond3A_360 = arith.constant 0 : i32
      %cond3A_361 = arith.cmpi ne, %convert_element_type3A_359, %cond3A_360 : i32
      scf.if %cond3A_361 {
        %add3A_380 = arith.constant 6 : i32
        %add3A_381 = arith.addi %add3A_347, %add3A_380 : i32
        %dma_start3A_382 = arith.constant 4 : i32
        %dma_start3A_383 = arith.constant 0 : i32
        %dma_start3A_384 = arith.constant 0 : i32
        %dma_start3A_385 = tpu.memref_slice %arg8[%dma_start3A_382, %dma_start3A_383, %dma_start3A_384] : memref<6x128x16xf32, #tpu.memory_space<vmem>> -> memref<1x128x16xf32, #tpu.memory_space<vmem>>
        %dma_start3A_386 = tpu.memref_squeeze %dma_start3A_385 : memref<1x128x16xf32, #tpu.memory_space<vmem>> -> memref<128x16xf32, #tpu.memory_space<vmem>>
        %dma_start3A_387 = arith.constant 0 : i32
        %dma_start3A_388 = tpu.memref_slice %arg6[%add3A_381, %dma_start3A_387] : memref<79x128xi32, #tpu.memory_space<vmem>> -> memref<1x128xi32, #tpu.memory_space<vmem>>
        %dma_start3A_389 = tpu.memref_squeeze %dma_start3A_388 : memref<1x128xi32, #tpu.memory_space<vmem>> -> memref<128xi32, #tpu.memory_space<vmem>>
        %dma_start3A_390 = arith.constant 0 : i32
        %dma_start3A_391 = arith.constant 0 : i32
        %dma_start3A_392 = tpu.memref_slice %arg2[%dma_start3A_390, %dma_start3A_391] : memref<10240x16xf32, #tpu.memory_space<hbm>> -> memref<10240x16xf32, #tpu.memory_space<hbm>>
        tpu.enqueue_indirect_dma source(%dma_start3A_392 : memref<10240x16xf32, #tpu.memory_space<hbm>>) target(%dma_start3A_386 : memref<128x16xf32, #tpu.memory_space<vmem>>) offsets(%dma_start3A_389 : memref<128xi32, #tpu.memory_space<vmem>>) semaphore(%arg16 : memref<!tpu.dma_semaphore, #tpu.memory_space<semaphore_mem>>)
      } else {
      }
      %mul3A_362 = arith.constant 6 : i32
      %mul3A_363 = arith.muli %add3A_112, %mul3A_362 : i32
      %add3A_364 = arith.constant 5 : i32
      %add3A_365 = arith.addi %mul3A_363, %add3A_364 : i32
      %dma_wait3A_366 = arith.constant 5 : i32
      %dma_wait3A_367 = arith.constant 0 : i32
      %dma_wait3A_368 = arith.constant 0 : i32
      %dma_wait3A_369 = tpu.memref_slice %arg8[%dma_wait3A_366, %dma_wait3A_367, %dma_wait3A_368] : memref<6x128x16xf32, #tpu.memory_space<vmem>> -> memref<1x128x16xf32, #tpu.memory_space<vmem>>
      %dma_wait3A_370 = tpu.memref_squeeze %dma_wait3A_369 : memref<1x128x16xf32, #tpu.memory_space<vmem>> -> memref<128x16xf32, #tpu.memory_space<vmem>>
      %dma_wait3A_371 = arith.constant 0 : i32
      %dma_wait3A_372 = tpu.memref_slice %arg7[%add3A_365, %dma_wait3A_371] : memref<79x128xi32, #tpu.memory_space<vmem>> -> memref<1x128xi32, #tpu.memory_space<vmem>>
      %dma_wait3A_373 = tpu.memref_squeeze %dma_wait3A_372 : memref<1x128xi32, #tpu.memory_space<vmem>> -> memref<128xi32, #tpu.memory_space<vmem>>
      %dma_wait3A_374 = arith.constant 0 : i32
      %dma_wait3A_375 = arith.constant 0 : i32
      %dma_wait3A_376 = tpu.memref_slice %arg11[%dma_wait3A_374, %dma_wait3A_375] : memref<10240x16xf32, #tpu.memory_space<vmem_shared>> -> memref<10240x16xf32, #tpu.memory_space<vmem_shared>>
      tpu.wait_indirect_dma semaphore(%arg23 : memref<!tpu.dma_semaphore, #tpu.memory_space<semaphore_mem>>) src(%dma_wait3A_370 : memref<128x16xf32, #tpu.memory_space<vmem>>) dst(%dma_wait3A_376 : memref<10240x16xf32, #tpu.memory_space<vmem_shared>>)
      %convert_element_type3A_377 = arith.extui %lt3A_116 : i1 to i32
      %cond3A_378 = arith.constant 0 : i32
      %cond3A_379 = arith.cmpi ne, %convert_element_type3A_377, %cond3A_378 : i32
      scf.if %cond3A_379 {
        %add3A_380 = arith.constant 6 : i32
        %add3A_381 = arith.addi %add3A_365, %add3A_380 : i32
        %dma_start3A_382 = arith.constant 5 : i32
        %dma_start3A_383 = arith.constant 0 : i32
        %dma_start3A_384 = arith.constant 0 : i32
        %dma_start3A_385 = tpu.memref_slice %arg8[%dma_start3A_382, %dma_start3A_383, %dma_start3A_384] : memref<6x128x16xf32, #tpu.memory_space<vmem>> -> memref<1x128x16xf32, #tpu.memory_space<vmem>>
        %dma_start3A_386 = tpu.memref_squeeze %dma_start3A_385 : memref<1x128x16xf32, #tpu.memory_space<vmem>> -> memref<128x16xf32, #tpu.memory_space<vmem>>
        %dma_start3A_387 = arith.constant 0 : i32
        %dma_start3A_388 = tpu.memref_slice %arg6[%add3A_381, %dma_start3A_387] : memref<79x128xi32, #tpu.memory_space<vmem>> -> memref<1x128xi32, #tpu.memory_space<vmem>>
        %dma_start3A_389 = tpu.memref_squeeze %dma_start3A_388 : memref<1x128xi32, #tpu.memory_space<vmem>> -> memref<128xi32, #tpu.memory_space<vmem>>
        %dma_start3A_390 = arith.constant 0 : i32
        %dma_start3A_391 = arith.constant 0 : i32
        %dma_start3A_392 = tpu.memref_slice %arg2[%dma_start3A_390, %dma_start3A_391] : memref<10240x16xf32, #tpu.memory_space<hbm>> -> memref<10240x16xf32, #tpu.memory_space<hbm>>
        tpu.enqueue_indirect_dma source(%dma_start3A_392 : memref<10240x16xf32, #tpu.memory_space<hbm>>) target(%dma_start3A_386 : memref<128x16xf32, #tpu.memory_space<vmem>>) offsets(%dma_start3A_389 : memref<128xi32, #tpu.memory_space<vmem>>) semaphore(%arg17 : memref<!tpu.dma_semaphore, #tpu.memory_space<semaphore_mem>>)
      } else {
      }
    }
    %scan3A_99 = arith.constant 13 : i32
    %convert_element_type3A_100 = arith.extui %lt3A_5 : i1 to i32
    %cond3A_101 = arith.constant 0 : i32
    %cond3A_102 = arith.cmpi ne, %convert_element_type3A_100, %cond3A_101 : i32
    scf.if %cond3A_102 {
      %dma_wait3A = arith.constant 78 : i32
      %dma_wait3A_108 = arith.constant 0 : i32
      %dma_wait3A_109 = tpu.memref_slice %arg7[%dma_wait3A, %dma_wait3A_108] : memref<79x128xi32, #tpu.memory_space<vmem>> -> memref<1x128xi32, #tpu.memory_space<vmem>>
      %dma_wait3A_110 = tpu.memref_squeeze %dma_wait3A_109 : memref<1x128xi32, #tpu.memory_space<vmem>> -> memref<128xi32, #tpu.memory_space<vmem>>
      %dma_wait3A_111 = arith.constant 0 : i32
      %dma_wait3A_112 = arith.constant 0 : i32
      %dma_wait3A_113 = tpu.memref_slice %arg11[%dma_wait3A_111, %dma_wait3A_112] : memref<10240x16xf32, #tpu.memory_space<vmem_shared>> -> memref<10240x16xf32, #tpu.memory_space<vmem_shared>>
      tpu.wait_indirect_dma semaphore(%arg24 : memref<!tpu.dma_semaphore, #tpu.memory_space<semaphore_mem>>) src(%arg9 : memref<128x16xf32, #tpu.memory_space<vmem>>) dst(%dma_wait3A_113 : memref<10240x16xf32, #tpu.memory_space<vmem_shared>>)
    } else {
    }
    %barrier3A_103 = arith.constant 0 : index
    tpu.barrier barrier_id(%barrier3A_103)
    %mul3A_104 = arith.constant 640 : i32
    %mul3A_105 = arith.muli %arg1, %mul3A_104 : i32
    %mul3A_106 = arith.constant 640 : i32
    %mul3A_107 = arith.muli %arg1, %mul3A_106 : i32
    "tpu.region"() ({
      %run_scoped3A = tpu.sem_alloc : memref<!tpu.dma_semaphore, #tpu.memory_space<semaphore_mem>>
      %dma_start3A_108 = arith.constant 0 : i32
      %dma_start3A_109 = tpu.memref_slice %arg5[%arg0, %mul3A_107, %dma_start3A_108] : memref<2x10240x16xf32, #tpu.memory_space<hbm>> -> memref<1x640x16xf32, #tpu.memory_space<hbm>>
      %dma_start3A_110 = tpu.memref_squeeze %dma_start3A_109 : memref<1x640x16xf32, #tpu.memory_space<hbm>> -> memref<640x16xf32, #tpu.memory_space<hbm>>
      %dma_start3A_111 = arith.constant 0 : i32
      %dma_start3A_112 = tpu.memref_slice %arg11[%mul3A_105, %dma_start3A_111] : memref<10240x16xf32, #tpu.memory_space<vmem_shared>> -> memref<640x16xf32, #tpu.memory_space<vmem_shared>>
      tpu.enqueue_dma source(%dma_start3A_112 : memref<640x16xf32, #tpu.memory_space<vmem_shared>>) target(%dma_start3A_110 : memref<640x16xf32, #tpu.memory_space<hbm>>) target_semaphore(%run_scoped3A : memref<!tpu.dma_semaphore, #tpu.memory_space<semaphore_mem>>)
      %dma_wait3A = arith.constant 0 : i32
      %dma_wait3A_113 = tpu.memref_slice %arg5[%arg0, %mul3A_107, %dma_wait3A] : memref<2x10240x16xf32, #tpu.memory_space<hbm>> -> memref<1x640x16xf32, #tpu.memory_space<hbm>>
      %dma_wait3A_114 = tpu.memref_squeeze %dma_wait3A_113 : memref<1x640x16xf32, #tpu.memory_space<hbm>> -> memref<640x16xf32, #tpu.memory_space<hbm>>
      %dma_wait3A_115 = arith.constant 0 : i32
      %dma_wait3A_116 = tpu.memref_slice %arg11[%mul3A_105, %dma_wait3A_115] : memref<10240x16xf32, #tpu.memory_space<vmem_shared>> -> memref<640x16xf32, #tpu.memory_space<vmem_shared>>
      tpu.wait_dma2 semaphore(%run_scoped3A : memref<!tpu.dma_semaphore, #tpu.memory_space<semaphore_mem>>) src(%dma_wait3A_116 : memref<640x16xf32, #tpu.memory_space<vmem_shared>>) dst(%dma_wait3A_114 : memref<640x16xf32, #tpu.memory_space<hbm>>)
      tpu.yield
    }) : () -> ()
    return
  }
}

#map = affine_map<(d0, d1) -> (0, 0)>
#map1 = affine_map<(d0, d1) -> (0, 0, 0)>
module attributes {stable_mosaic.version = 14 : i64} {
  func.func @_agg_body(%arg0: i32, %arg1: i32, %arg2: memref<10240x16xf32, #tpu.memory_space<hbm>>, %arg3: memref<2500x128xi32, #tpu.memory_space<hbm>>, %arg4: memref<2500x128xi32, #tpu.memory_space<hbm>>, %arg5: memref<2x10240x16xf32, #tpu.memory_space<hbm>>, %arg6: memref<79x128xi32, #tpu.memory_space<vmem>>, %arg7: memref<79x128xi32, #tpu.memory_space<vmem>>, %arg8: memref<6x128x16xf32, #tpu.memory_space<vmem>>, %arg9: memref<128x16xf32, #tpu.memory_space<vmem>>, %arg10: memref<640x16xf32, #tpu.memory_space<vmem>>, %arg11: memref<10240x16xf32, #tpu.memory_space<vmem_shared>>, %arg12: memref<!tpu.dma_semaphore, #tpu.memory_space<semaphore_mem>>, %arg13: memref<!tpu.dma_semaphore, #tpu.memory_space<semaphore_mem>>, %arg14: memref<!tpu.dma_semaphore, #tpu.memory_space<semaphore_mem>>, %arg15: memref<!tpu.dma_semaphore, #tpu.memory_space<semaphore_mem>>, %arg16: memref<!tpu.dma_semaphore, #tpu.memory_space<semaphore_mem>>, %arg17: memref<!tpu.dma_semaphore, #tpu.memory_space<semaphore_mem>>, %arg18: memref<!tpu.dma_semaphore, #tpu.memory_space<semaphore_mem>>, %arg19: memref<!tpu.dma_semaphore, #tpu.memory_space<semaphore_mem>>, %arg20: memref<!tpu.dma_semaphore, #tpu.memory_space<semaphore_mem>>, %arg21: memref<!tpu.dma_semaphore, #tpu.memory_space<semaphore_mem>>, %arg22: memref<!tpu.dma_semaphore, #tpu.memory_space<semaphore_mem>>, %arg23: memref<!tpu.dma_semaphore, #tpu.memory_space<semaphore_mem>>, %arg24: memref<!tpu.dma_semaphore, #tpu.memory_space<semaphore_mem>>) attributes {dimension_semantics = [#tpu.dimension_semantics<core_parallel>, #tpu.dimension_semantics<subcore_parallel>], iteration_bounds = array<i64: 2, 16>, scalar_prefetch = 0 : i64, scratch_operands = 19 : i64, tpu.core_type = #tpu.core_type<sc_vector_subcore>, window_params = [{transform_indices = #map}, {transform_indices = #map}, {transform_indices = #map}, {transform_indices = #map1}]} {
    %mul3A = arith.constant 16 : i32
    %mul3A_0 = arith.muli %arg0, %mul3A : i32
    %add3A = arith.addi %mul3A_0, %arg1 : i32
    %mul3A_1 = arith.constant 78 : i32
    %mul3A_2 = arith.muli %add3A, %mul3A_1 : i32
    %min3A = arith.constant 4 : i32
    %min3A_3 = arith.minsi %add3A, %min3A : i32
    %add3A_4 = arith.addi %mul3A_2, %min3A_3 : i32
    %lt3A = arith.constant 4 : i32
    %lt3A_5 = arith.cmpi slt, %add3A, %lt3A : i32
    %convert_element_type3A = arith.extui %lt3A_5 : i1 to i32
    %cond3A = arith.constant 0 : i32
    %cond3A_6 = arith.cmpi ne, %convert_element_type3A, %cond3A : i32
    scf.if %cond3A_6 {
      "tpu.region"() ({
        %run_scoped3A = tpu.sem_alloc : memref<!tpu.dma_semaphore, #tpu.memory_space<semaphore_mem>>
        %dma_start3A_108 = arith.constant 0 : i32
        %dma_start3A_109 = tpu.memref_slice %arg3[%add3A_4, %dma_start3A_108] : memref<2500x128xi32, #tpu.memory_space<hbm>> -> memref<79x128xi32, #tpu.memory_space<hbm>>
        %dma_start3A_110 = arith.constant 0 : i32
        %dma_start3A_111 = tpu.memref_slice %arg3[%add3A_4, %dma_start3A_110] : memref<2500x128xi32, #tpu.memory_space<hbm>> -> memref<79x128xi32, #tpu.memory_space<hbm>>
        tpu.enqueue_dma source(%dma_start3A_111 : memref<79x128xi32, #tpu.memory_space<hbm>>) target(%arg6 : memref<79x128xi32, #tpu.memory_space<vmem>>) target_semaphore(%run_scoped3A : memref<!tpu.dma_semaphore, #tpu.memory_space<semaphore_mem>>)
        %dma_wait3A = arith.constant 0 : i32
        %dma_wait3A_112 = tpu.memref_slice %arg3[%add3A_4, %dma_wait3A] : memref<2500x128xi32, #tpu.memory_space<hbm>> -> memref<79x128xi32, #tpu.memory_space<hbm>>
        %dma_wait3A_113 = arith.constant 0 : i32
        %dma_wait3A_114 = tpu.memref_slice %arg3[%add3A_4, %dma_wait3A_113] : memref<2500x128xi32, #tpu.memory_space<hbm>> -> memref<79x128xi32, #tpu.memory_space<hbm>>
        tpu.wait_dma2 semaphore(%run_scoped3A : memref<!tpu.dma_semaphore, #tpu.memory_space<semaphore_mem>>) src(%dma_wait3A_114 : memref<79x128xi32, #tpu.memory_space<hbm>>) dst(%arg6 : memref<79x128xi32, #tpu.memory_space<vmem>>)
        tpu.yield
      }) : () -> ()
      "tpu.region"() ({
        %run_scoped3A = tpu.sem_alloc : memref<!tpu.dma_semaphore, #tpu.memory_space<semaphore_mem>>
        %dma_start3A_108 = arith.constant 0 : i32
        %dma_start3A_109 = tpu.memref_slice %arg4[%add3A_4, %dma_start3A_108] : memref<2500x128xi32, #tpu.memory_space<hbm>> -> memref<79x128xi32, #tpu.memory_space<hbm>>
        %dma_start3A_110 = arith.constant 0 : i32
        %dma_start3A_111 = tpu.memref_slice %arg4[%add3A_4, %dma_start3A_110] : memref<2500x128xi32, #tpu.memory_space<hbm>> -> memref<79x128xi32, #tpu.memory_space<hbm>>
        tpu.enqueue_dma source(%dma_start3A_111 : memref<79x128xi32, #tpu.memory_space<hbm>>) target(%arg7 : memref<79x128xi32, #tpu.memory_space<vmem>>) target_semaphore(%run_scoped3A : memref<!tpu.dma_semaphore, #tpu.memory_space<semaphore_mem>>)
        %dma_wait3A = arith.constant 0 : i32
        %dma_wait3A_112 = tpu.memref_slice %arg4[%add3A_4, %dma_wait3A] : memref<2500x128xi32, #tpu.memory_space<hbm>> -> memref<79x128xi32, #tpu.memory_space<hbm>>
        %dma_wait3A_113 = arith.constant 0 : i32
        %dma_wait3A_114 = tpu.memref_slice %arg4[%add3A_4, %dma_wait3A_113] : memref<2500x128xi32, #tpu.memory_space<hbm>> -> memref<79x128xi32, #tpu.memory_space<hbm>>
        tpu.wait_dma2 semaphore(%run_scoped3A : memref<!tpu.dma_semaphore, #tpu.memory_space<semaphore_mem>>) src(%dma_wait3A_114 : memref<79x128xi32, #tpu.memory_space<hbm>>) dst(%arg7 : memref<79x128xi32, #tpu.memory_space<vmem>>)
        tpu.yield
      }) : () -> ()
    } else {
    }
    %ge3A = arith.constant 4 : i32
    %ge3A_7 = arith.cmpi sge, %add3A, %ge3A : i32
    %convert_element_type3A_8 = arith.extui %ge3A_7 : i1 to i32
    %cond3A_9 = arith.constant 0 : i32
    %cond3A_10 = arith.cmpi ne, %convert_element_type3A_8, %cond3A_9 : i32
    scf.if %cond3A_10 {
      "tpu.region"() ({
        %run_scoped3A = tpu.sem_alloc : memref<!tpu.dma_semaphore, #tpu.memory_space<semaphore_mem>>
        %dma_start3A_108 = arith.constant 0 : i32
        %dma_start3A_109 = arith.constant 0 : i32
        %dma_start3A_110 = tpu.memref_slice %arg6[%dma_start3A_108, %dma_start3A_109] : memref<79x128xi32, #tpu.memory_space<vmem>> -> memref<78x128xi32, #tpu.memory_space<vmem>>
        %dma_start3A_111 = arith.constant 0 : i32
        %dma_start3A_112 = tpu.memref_slice %arg3[%add3A_4, %dma_start3A_111] : memref<2500x128xi32, #tpu.memory_space<hbm>> -> memref<78x128xi32, #tpu.memory_space<hbm>>
        %dma_start3A_113 = arith.constant 0 : i32
        %dma_start3A_114 = arith.constant 0 : i32
        %dma_start3A_115 = tpu.memref_slice %arg6[%dma_start3A_113, %dma_start3A_114] : memref<79x128xi32, #tpu.memory_space<vmem>> -> memref<78x128xi32, #tpu.memory_space<vmem>>
        %dma_start3A_116 = arith.constant 0 : i32
        %dma_start3A_117 = tpu.memref_slice %arg3[%add3A_4, %dma_start3A_116] : memref<2500x128xi32, #tpu.memory_space<hbm>> -> memref<78x128xi32, #tpu.memory_space<hbm>>
        tpu.enqueue_dma source(%dma_start3A_117 : memref<78x128xi32, #tpu.memory_space<hbm>>) target(%dma_start3A_115 : memref<78x128xi32, #tpu.memory_space<vmem>>) target_semaphore(%run_scoped3A : memref<!tpu.dma_semaphore, #tpu.memory_space<semaphore_mem>>)
        %dma_wait3A = arith.constant 0 : i32
        %dma_wait3A_118 = arith.constant 0 : i32
        %dma_wait3A_119 = tpu.memref_slice %arg6[%dma_wait3A, %dma_wait3A_118] : memref<79x128xi32, #tpu.memory_space<vmem>> -> memref<78x128xi32, #tpu.memory_space<vmem>>
        %dma_wait3A_120 = arith.constant 0 : i32
        %dma_wait3A_121 = tpu.memref_slice %arg3[%add3A_4, %dma_wait3A_120] : memref<2500x128xi32, #tpu.memory_space<hbm>> -> memref<78x128xi32, #tpu.memory_space<hbm>>
        %dma_wait3A_122 = arith.constant 0 : i32
        %dma_wait3A_123 = arith.constant 0 : i32
        %dma_wait3A_124 = tpu.memref_slice %arg6[%dma_wait3A_122, %dma_wait3A_123] : memref<79x128xi32, #tpu.memory_space<vmem>> -> memref<78x128xi32, #tpu.memory_space<vmem>>
        %dma_wait3A_125 = arith.constant 0 : i32
        %dma_wait3A_126 = tpu.memref_slice %arg3[%add3A_4, %dma_wait3A_125] : memref<2500x128xi32, #tpu.memory_space<hbm>> -> memref<78x128xi32, #tpu.memory_space<hbm>>
        tpu.wait_dma2 semaphore(%run_scoped3A : memref<!tpu.dma_semaphore, #tpu.memory_space<semaphore_mem>>) src(%dma_wait3A_126 : memref<78x128xi32, #tpu.memory_space<hbm>>) dst(%dma_wait3A_124 : memref<78x128xi32, #tpu.memory_space<vmem>>)
        tpu.yield
      }) : () -> ()
      "tpu.region"() ({
        %run_scoped3A = tpu.sem_alloc : memref<!tpu.dma_semaphore, #tpu.memory_space<semaphore_mem>>
        %dma_start3A_108 = arith.constant 0 : i32
        %dma_start3A_109 = arith.constant 0 : i32
        %dma_start3A_110 = tpu.memref_slice %arg7[%dma_start3A_108, %dma_start3A_109] : memref<79x128xi32, #tpu.memory_space<vmem>> -> memref<78x128xi32, #tpu.memory_space<vmem>>
        %dma_start3A_111 = arith.constant 0 : i32
        %dma_start3A_112 = tpu.memref_slice %arg4[%add3A_4, %dma_start3A_111] : memref<2500x128xi32, #tpu.memory_space<hbm>> -> memref<78x128xi32, #tpu.memory_space<hbm>>
        %dma_start3A_113 = arith.constant 0 : i32
        %dma_start3A_114 = arith.constant 0 : i32
        %dma_start3A_115 = tpu.memref_slice %arg7[%dma_start3A_113, %dma_start3A_114] : memref<79x128xi32, #tpu.memory_space<vmem>> -> memref<78x128xi32, #tpu.memory_space<vmem>>
        %dma_start3A_116 = arith.constant 0 : i32
        %dma_start3A_117 = tpu.memref_slice %arg4[%add3A_4, %dma_start3A_116] : memref<2500x128xi32, #tpu.memory_space<hbm>> -> memref<78x128xi32, #tpu.memory_space<hbm>>
        tpu.enqueue_dma source(%dma_start3A_117 : memref<78x128xi32, #tpu.memory_space<hbm>>) target(%dma_start3A_115 : memref<78x128xi32, #tpu.memory_space<vmem>>) target_semaphore(%run_scoped3A : memref<!tpu.dma_semaphore, #tpu.memory_space<semaphore_mem>>)
        %dma_wait3A = arith.constant 0 : i32
        %dma_wait3A_118 = arith.constant 0 : i32
        %dma_wait3A_119 = tpu.memref_slice %arg7[%dma_wait3A, %dma_wait3A_118] : memref<79x128xi32, #tpu.memory_space<vmem>> -> memref<78x128xi32, #tpu.memory_space<vmem>>
        %dma_wait3A_120 = arith.constant 0 : i32
        %dma_wait3A_121 = tpu.memref_slice %arg4[%add3A_4, %dma_wait3A_120] : memref<2500x128xi32, #tpu.memory_space<hbm>> -> memref<78x128xi32, #tpu.memory_space<hbm>>
        %dma_wait3A_122 = arith.constant 0 : i32
        %dma_wait3A_123 = arith.constant 0 : i32
        %dma_wait3A_124 = tpu.memref_slice %arg7[%dma_wait3A_122, %dma_wait3A_123] : memref<79x128xi32, #tpu.memory_space<vmem>> -> memref<78x128xi32, #tpu.memory_space<vmem>>
        %dma_wait3A_125 = arith.constant 0 : i32
        %dma_wait3A_126 = tpu.memref_slice %arg4[%add3A_4, %dma_wait3A_125] : memref<2500x128xi32, #tpu.memory_space<hbm>> -> memref<78x128xi32, #tpu.memory_space<hbm>>
        tpu.wait_dma2 semaphore(%run_scoped3A : memref<!tpu.dma_semaphore, #tpu.memory_space<semaphore_mem>>) src(%dma_wait3A_126 : memref<78x128xi32, #tpu.memory_space<hbm>>) dst(%dma_wait3A_124 : memref<78x128xi32, #tpu.memory_space<vmem>>)
        tpu.yield
      }) : () -> ()
    } else {
    }
    %broadcast_in_dim3A = arith.constant 0.000000e+00 : f32
    %broadcast_in_dim3A_11 = vector.broadcast %broadcast_in_dim3A : f32 to vector<16xf32>
    %scan3A = arith.constant 0 : i32
    %scan3A_12 = arith.constant 640 : i32
    %scan3A_13 = arith.addi %scan3A, %scan3A_12 : i32
    %scan3A_14 = arith.constant 1 : i32
    scf.for %scan3A_108 = %scan3A to %scan3A_13 step %scan3A_14  : i32 {
      %mul3A_109 = arith.constant 1 : i32
      %mul3A_110 = arith.muli %scan3A_108, %mul3A_109 : i32
      %add3A_111 = arith.constant 0 : i32
      %add3A_112 = arith.addi %add3A_111, %mul3A_110 : i32
      %swap3A = arith.index_cast %add3A_112 : i32 to index
      %swap3A_113 = arith.constant 0 : index
      %swap3A_114 = tpu.vector_load %arg10[%swap3A, %swap3A_113] {strides = array<i32>} : memref<640x16xf32, #tpu.memory_space<vmem>>, vector<1x16xf32>,
      %swap3A_115 = vector.shape_cast %swap3A_114 : vector<1x16xf32> to vector<16xf32>
      %swap3A_116 = vector.shape_cast %broadcast_in_dim3A_11 : vector<16xf32> to vector<1x16xf32>
      tpu.vector_store %arg10[%swap3A, %swap3A_113], %swap3A_116 {strides = array<i32>} : memref<640x16xf32, #tpu.memory_space<vmem>>, vector<1x16xf32>,
    }
    %scan3A_15 = arith.constant 640 : i32
    %mul3A_16 = arith.constant 640 : i32
    %mul3A_17 = arith.muli %arg1, %mul3A_16 : i32
    "tpu.region"() ({
      %run_scoped3A = tpu.sem_alloc : memref<!tpu.dma_semaphore, #tpu.memory_space<semaphore_mem>>
      %dma_start3A_108 = arith.constant 0 : i32
      %dma_start3A_109 = tpu.memref_slice %arg11[%mul3A_17, %dma_start3A_108] : memref<10240x16xf32, #tpu.memory_space<vmem_shared>> -> memref<640x16xf32, #tpu.memory_space<vmem_shared>>
      %dma_start3A_110 = arith.constant 0 : i32
      %dma_start3A_111 = tpu.memref_slice %arg11[%mul3A_17, %dma_start3A_110] : memref<10240x16xf32, #tpu.memory_space<vmem_shared>> -> memref<640x16xf32, #tpu.memory_space<vmem_shared>>
      tpu.enqueue_dma source(%arg10 : memref<640x16xf32, #tpu.memory_space<vmem>>) target(%dma_start3A_111 : memref<640x16xf32, #tpu.memory_space<vmem_shared>>) target_semaphore(%run_scoped3A : memref<!tpu.dma_semaphore, #tpu.memory_space<semaphore_mem>>)
      %dma_wait3A = arith.constant 0 : i32
      %dma_wait3A_112 = tpu.memref_slice %arg11[%mul3A_17, %dma_wait3A] : memref<10240x16xf32, #tpu.memory_space<vmem_shared>> -> memref<640x16xf32, #tpu.memory_space<vmem_shared>>
      %dma_wait3A_113 = arith.constant 0 : i32
      %dma_wait3A_114 = tpu.memref_slice %arg11[%mul3A_17, %dma_wait3A_113] : memref<10240x16xf32, #tpu.memory_space<vmem_shared>> -> memref<640x16xf32, #tpu.memory_space<vmem_shared>>
      tpu.wait_dma2 semaphore(%run_scoped3A : memref<!tpu.dma_semaphore, #tpu.memory_space<semaphore_mem>>) src(%arg10 : memref<640x16xf32, #tpu.memory_space<vmem>>) dst(%dma_wait3A_114 : memref<640x16xf32, #tpu.memory_space<vmem_shared>>)
      tpu.yield
    }) : () -> ()
    %barrier3A = arith.constant 0 : index
    tpu.barrier barrier_id(%barrier3A)
    %convert_element_type3A_18 = arith.extui %lt3A_5 : i1 to i32
    %cond3A_19 = arith.constant 0 : i32
    %cond3A_20 = arith.cmpi ne, %convert_element_type3A_18, %cond3A_19 : i32
    scf.if %cond3A_20 {
      %dma_start3A_108 = arith.constant 78 : i32
      %dma_start3A_109 = arith.constant 0 : i32
      %dma_start3A_110 = tpu.memref_slice %arg6[%dma_start3A_108, %dma_start3A_109] : memref<79x128xi32, #tpu.memory_space<vmem>> -> memref<1x128xi32, #tpu.memory_space<vmem>>
      %dma_start3A_111 = tpu.memref_squeeze %dma_start3A_110 : memref<1x128xi32, #tpu.memory_space<vmem>> -> memref<128xi32, #tpu.memory_space<vmem>>
      %dma_start3A_112 = arith.constant 0 : i32
      %dma_start3A_113 = arith.constant 0 : i32
      %dma_start3A_114 = tpu.memref_slice %arg2[%dma_start3A_112, %dma_start3A_113] : memref<10240x16xf32, #tpu.memory_space<hbm>> -> memref<10240x16xf32, #tpu.memory_space<hbm>>
      tpu.enqueue_indirect_dma source(%dma_start3A_114 : memref<10240x16xf32, #tpu.memory_space<hbm>>) target(%arg9 : memref<128x16xf32, #tpu.memory_space<vmem>>) offsets(%dma_start3A_111 : memref<128xi32, #tpu.memory_space<vmem>>) semaphore(%arg24 : memref<!tpu.dma_semaphore, #tpu.memory_space<semaphore_mem>>)
    } else {
    }
    %dma_start3A = arith.constant 0 : i32
    %dma_start3A_21 = arith.constant 0 : i32
    %dma_start3A_22 = arith.constant 0 : i32
    %dma_start3A_23 = arith.constant 0 : i32
    %dma_start3A_24 = tpu.memref_slice %arg8[%dma_start3A_21, %dma_start3A_22, %dma_start3A_23] : memref<6x128x16xf32, #tpu.memory_space<vmem>> -> memref<1x128x16xf32, #tpu.memory_space<vmem>>
    %dma_start3A_25 = tpu.memref_squeeze %dma_start3A_24 : memref<1x128x16xf32, #tpu.memory_space<vmem>> -> memref<128x16xf32, #tpu.memory_space<vmem>>
    %dma_start3A_26 = arith.constant 0 : i32
    %dma_start3A_27 = tpu.memref_slice %arg6[%dma_start3A, %dma_start3A_26] : memref<79x128xi32, #tpu.memory_space<vmem>> -> memref<1x128xi32, #tpu.memory_space<vmem>>
    %dma_start3A_28 = tpu.memref_squeeze %dma_start3A_27 : memref<1x128xi32, #tpu.memory_space<vmem>> -> memref<128xi32, #tpu.memory_space<vmem>>
    %dma_start3A_29 = arith.constant 0 : i32
    %dma_start3A_30 = arith.constant 0 : i32
    %dma_start3A_31 = tpu.memref_slice %arg2[%dma_start3A_29, %dma_start3A_30] : memref<10240x16xf32, #tpu.memory_space<hbm>> -> memref<10240x16xf32, #tpu.memory_space<hbm>>
    tpu.enqueue_indirect_dma source(%dma_start3A_31 : memref<10240x16xf32, #tpu.memory_space<hbm>>) target(%dma_start3A_25 : memref<128x16xf32, #tpu.memory_space<vmem>>) offsets(%dma_start3A_28 : memref<128xi32, #tpu.memory_space<vmem>>) semaphore(%arg12 : memref<!tpu.dma_semaphore, #tpu.memory_space<semaphore_mem>>)
    %dma_start3A_32 = arith.constant 1 : i32
    %dma_start3A_33 = arith.constant 1 : i32
    %dma_start3A_34 = arith.constant 0 : i32
    %dma_start3A_35 = arith.constant 0 : i32
    %dma_start3A_36 = tpu.memref_slice %arg8[%dma_start3A_33, %dma_start3A_34, %dma_start3A_35] : memref<6x128x16xf32, #tpu.memory_space<vmem>> -> memref<1x128x16xf32, #tpu.memory_space<vmem>>
    %dma_start3A_37 = tpu.memref_squeeze %dma_start3A_36 : memref<1x128x16xf32, #tpu.memory_space<vmem>> -> memref<128x16xf32, #tpu.memory_space<vmem>>
    %dma_start3A_38 = arith.constant 0 : i32
    %dma_start3A_39 = tpu.memref_slice %arg6[%dma_start3A_32, %dma_start3A_38] : memref<79x128xi32, #tpu.memory_space<vmem>> -> memref<1x128xi32, #tpu.memory_space<vmem>>
    %dma_start3A_40 = tpu.memref_squeeze %dma_start3A_39 : memref<1x128xi32, #tpu.memory_space<vmem>> -> memref<128xi32, #tpu.memory_space<vmem>>
    %dma_start3A_41 = arith.constant 0 : i32
    %dma_start3A_42 = arith.constant 0 : i32
    %dma_start3A_43 = tpu.memref_slice %arg2[%dma_start3A_41, %dma_start3A_42] : memref<10240x16xf32, #tpu.memory_space<hbm>> -> memref<10240x16xf32, #tpu.memory_space<hbm>>
    tpu.enqueue_indirect_dma source(%dma_start3A_43 : memref<10240x16xf32, #tpu.memory_space<hbm>>) target(%dma_start3A_37 : memref<128x16xf32, #tpu.memory_space<vmem>>) offsets(%dma_start3A_40 : memref<128xi32, #tpu.memory_space<vmem>>) semaphore(%arg13 : memref<!tpu.dma_semaphore, #tpu.memory_space<semaphore_mem>>)
    %dma_start3A_44 = arith.constant 2 : i32
    %dma_start3A_45 = arith.constant 2 : i32
    %dma_start3A_46 = arith.constant 0 : i32
    %dma_start3A_47 = arith.constant 0 : i32
    %dma_start3A_48 = tpu.memref_slice %arg8[%dma_start3A_45, %dma_start3A_46, %dma_start3A_47] : memref<6x128x16xf32, #tpu.memory_space<vmem>> -> memref<1x128x16xf32, #tpu.memory_space<vmem>>
    %dma_start3A_49 = tpu.memref_squeeze %dma_start3A_48 : memref<1x128x16xf32, #tpu.memory_space<vmem>> -> memref<128x16xf32, #tpu.memory_space<vmem>>
    %dma_start3A_50 = arith.constant 0 : i32
    %dma_start3A_51 = tpu.memref_slice %arg6[%dma_start3A_44, %dma_start3A_50] : memref<79x128xi32, #tpu.memory_space<vmem>> -> memref<1x128xi32, #tpu.memory_space<vmem>>
    %dma_start3A_52 = tpu.memref_squeeze %dma_start3A_51 : memref<1x128xi32, #tpu.memory_space<vmem>> -> memref<128xi32, #tpu.memory_space<vmem>>
    %dma_start3A_53 = arith.constant 0 : i32
    %dma_start3A_54 = arith.constant 0 : i32
    %dma_start3A_55 = tpu.memref_slice %arg2[%dma_start3A_53, %dma_start3A_54] : memref<10240x16xf32, #tpu.memory_space<hbm>> -> memref<10240x16xf32, #tpu.memory_space<hbm>>
    tpu.enqueue_indirect_dma source(%dma_start3A_55 : memref<10240x16xf32, #tpu.memory_space<hbm>>) target(%dma_start3A_49 : memref<128x16xf32, #tpu.memory_space<vmem>>) offsets(%dma_start3A_52 : memref<128xi32, #tpu.memory_space<vmem>>) semaphore(%arg14 : memref<!tpu.dma_semaphore, #tpu.memory_space<semaphore_mem>>)
    %dma_start3A_56 = arith.constant 3 : i32
    %dma_start3A_57 = arith.constant 3 : i32
    %dma_start3A_58 = arith.constant 0 : i32
    %dma_start3A_59 = arith.constant 0 : i32
    %dma_start3A_60 = tpu.memref_slice %arg8[%dma_start3A_57, %dma_start3A_58, %dma_start3A_59] : memref<6x128x16xf32, #tpu.memory_space<vmem>> -> memref<1x128x16xf32, #tpu.memory_space<vmem>>
    %dma_start3A_61 = tpu.memref_squeeze %dma_start3A_60 : memref<1x128x16xf32, #tpu.memory_space<vmem>> -> memref<128x16xf32, #tpu.memory_space<vmem>>
    %dma_start3A_62 = arith.constant 0 : i32
    %dma_start3A_63 = tpu.memref_slice %arg6[%dma_start3A_56, %dma_start3A_62] : memref<79x128xi32, #tpu.memory_space<vmem>> -> memref<1x128xi32, #tpu.memory_space<vmem>>
    %dma_start3A_64 = tpu.memref_squeeze %dma_start3A_63 : memref<1x128xi32, #tpu.memory_space<vmem>> -> memref<128xi32, #tpu.memory_space<vmem>>
    %dma_start3A_65 = arith.constant 0 : i32
    %dma_start3A_66 = arith.constant 0 : i32
    %dma_start3A_67 = tpu.memref_slice %arg2[%dma_start3A_65, %dma_start3A_66] : memref<10240x16xf32, #tpu.memory_space<hbm>> -> memref<10240x16xf32, #tpu.memory_space<hbm>>
    tpu.enqueue_indirect_dma source(%dma_start3A_67 : memref<10240x16xf32, #tpu.memory_space<hbm>>) target(%dma_start3A_61 : memref<128x16xf32, #tpu.memory_space<vmem>>) offsets(%dma_start3A_64 : memref<128xi32, #tpu.memory_space<vmem>>) semaphore(%arg15 : memref<!tpu.dma_semaphore, #tpu.memory_space<semaphore_mem>>)
    %dma_start3A_68 = arith.constant 4 : i32
    %dma_start3A_69 = arith.constant 4 : i32
    %dma_start3A_70 = arith.constant 0 : i32
    %dma_start3A_71 = arith.constant 0 : i32
    %dma_start3A_72 = tpu.memref_slice %arg8[%dma_start3A_69, %dma_start3A_70, %dma_start3A_71] : memref<6x128x16xf32, #tpu.memory_space<vmem>> -> memref<1x128x16xf32, #tpu.memory_space<vmem>>
    %dma_start3A_73 = tpu.memref_squeeze %dma_start3A_72 : memref<1x128x16xf32, #tpu.memory_space<vmem>> -> memref<128x16xf32, #tpu.memory_space<vmem>>
    %dma_start3A_74 = arith.constant 0 : i32
    %dma_start3A_75 = tpu.memref_slice %arg6[%dma_start3A_68, %dma_start3A_74] : memref<79x128xi32, #tpu.memory_space<vmem>> -> memref<1x128xi32, #tpu.memory_space<vmem>>
    %dma_start3A_76 = tpu.memref_squeeze %dma_start3A_75 : memref<1x128xi32, #tpu.memory_space<vmem>> -> memref<128xi32, #tpu.memory_space<vmem>>
    %dma_start3A_77 = arith.constant 0 : i32
    %dma_start3A_78 = arith.constant 0 : i32
    %dma_start3A_79 = tpu.memref_slice %arg2[%dma_start3A_77, %dma_start3A_78] : memref<10240x16xf32, #tpu.memory_space<hbm>> -> memref<10240x16xf32, #tpu.memory_space<hbm>>
    tpu.enqueue_indirect_dma source(%dma_start3A_79 : memref<10240x16xf32, #tpu.memory_space<hbm>>) target(%dma_start3A_73 : memref<128x16xf32, #tpu.memory_space<vmem>>) offsets(%dma_start3A_76 : memref<128xi32, #tpu.memory_space<vmem>>) semaphore(%arg16 : memref<!tpu.dma_semaphore, #tpu.memory_space<semaphore_mem>>)
    %dma_start3A_80 = arith.constant 5 : i32
    %dma_start3A_81 = arith.constant 5 : i32
    %dma_start3A_82 = arith.constant 0 : i32
    %dma_start3A_83 = arith.constant 0 : i32
    %dma_start3A_84 = tpu.memref_slice %arg8[%dma_start3A_81, %dma_start3A_82, %dma_start3A_83] : memref<6x128x16xf32, #tpu.memory_space<vmem>> -> memref<1x128x16xf32, #tpu.memory_space<vmem>>
    %dma_start3A_85 = tpu.memref_squeeze %dma_start3A_84 : memref<1x128x16xf32, #tpu.memory_space<vmem>> -> memref<128x16xf32, #tpu.memory_space<vmem>>
    %dma_start3A_86 = arith.constant 0 : i32
    %dma_start3A_87 = tpu.memref_slice %arg6[%dma_start3A_80, %dma_start3A_86] : memref<79x128xi32, #tpu.memory_space<vmem>> -> memref<1x128xi32, #tpu.memory_space<vmem>>
    %dma_start3A_88 = tpu.memref_squeeze %dma_start3A_87 : memref<1x128xi32, #tpu.memory_space<vmem>> -> memref<128xi32, #tpu.memory_space<vmem>>
    %dma_start3A_89 = arith.constant 0 : i32
    %dma_start3A_90 = arith.constant 0 : i32
    %dma_start3A_91 = tpu.memref_slice %arg2[%dma_start3A_89, %dma_start3A_90] : memref<10240x16xf32, #tpu.memory_space<hbm>> -> memref<10240x16xf32, #tpu.memory_space<hbm>>
    tpu.enqueue_indirect_dma source(%dma_start3A_91 : memref<10240x16xf32, #tpu.memory_space<hbm>>) target(%dma_start3A_85 : memref<128x16xf32, #tpu.memory_space<vmem>>) offsets(%dma_start3A_88 : memref<128xi32, #tpu.memory_space<vmem>>) semaphore(%arg17 : memref<!tpu.dma_semaphore, #tpu.memory_space<semaphore_mem>>)
    %convert_element_type3A_92 = arith.extui %lt3A_5 : i1 to i32
    %cond3A_93 = arith.constant 0 : i32
    %cond3A_94 = arith.cmpi ne, %convert_element_type3A_92, %cond3A_93 : i32
    scf.if %cond3A_94 {
      %dma_wait3A = arith.constant 78 : i32
      %dma_wait3A_108 = arith.constant 0 : i32
      %dma_wait3A_109 = tpu.memref_slice %arg6[%dma_wait3A, %dma_wait3A_108] : memref<79x128xi32, #tpu.memory_space<vmem>> -> memref<1x128xi32, #tpu.memory_space<vmem>>
      %dma_wait3A_110 = tpu.memref_squeeze %dma_wait3A_109 : memref<1x128xi32, #tpu.memory_space<vmem>> -> memref<128xi32, #tpu.memory_space<vmem>>
      %dma_wait3A_111 = arith.constant 0 : i32
      %dma_wait3A_112 = arith.constant 0 : i32
      %dma_wait3A_113 = tpu.memref_slice %arg2[%dma_wait3A_111, %dma_wait3A_112] : memref<10240x16xf32, #tpu.memory_space<hbm>> -> memref<10240x16xf32, #tpu.memory_space<hbm>>
      tpu.wait_indirect_dma semaphore(%arg24 : memref<!tpu.dma_semaphore, #tpu.memory_space<semaphore_mem>>) src(%dma_wait3A_113 : memref<10240x16xf32, #tpu.memory_space<hbm>>) dst(%arg9 : memref<128x16xf32, #tpu.memory_space<vmem>>)
      %dma_start3A_114 = arith.constant 78 : i32
      %dma_start3A_115 = arith.constant 0 : i32
      %dma_start3A_116 = tpu.memref_slice %arg7[%dma_start3A_114, %dma_start3A_115] : memref<79x128xi32, #tpu.memory_space<vmem>> -> memref<1x128xi32, #tpu.memory_space<vmem>>
      %dma_start3A_117 = tpu.memref_squeeze %dma_start3A_116 : memref<1x128xi32, #tpu.memory_space<vmem>> -> memref<128xi32, #tpu.memory_space<vmem>>
      %dma_start3A_118 = arith.constant 0 : i32
      %dma_start3A_119 = arith.constant 0 : i32
      %dma_start3A_120 = tpu.memref_slice %arg11[%dma_start3A_118, %dma_start3A_119] : memref<10240x16xf32, #tpu.memory_space<vmem_shared>> -> memref<10240x16xf32, #tpu.memory_space<vmem_shared>>
      tpu.enqueue_indirect_dma source(%arg9 : memref<128x16xf32, #tpu.memory_space<vmem>>) target(%dma_start3A_120 : memref<10240x16xf32, #tpu.memory_space<vmem_shared>>) offsets(%dma_start3A_117 : memref<128xi32, #tpu.memory_space<vmem>>) semaphore(%arg24 : memref<!tpu.dma_semaphore, #tpu.memory_space<semaphore_mem>>) {add = true}
    } else {
    }
    %scan3A_95 = arith.constant 0 : i32
    %scan3A_96 = arith.constant 13 : i32
    %scan3A_97 = arith.addi %scan3A_95, %scan3A_96 : i32
    %scan3A_98 = arith.constant 1 : i32
    scf.for %scan3A_108 = %scan3A_95 to %scan3A_97 step %scan3A_98  : i32 {
      %mul3A_109 = arith.constant 1 : i32
      %mul3A_110 = arith.muli %scan3A_108, %mul3A_109 : i32
      %add3A_111 = arith.constant 0 : i32
      %add3A_112 = arith.addi %add3A_111, %mul3A_110 : i32
      %add3A_113 = arith.constant 1 : i32
      %add3A_114 = arith.addi %add3A_112, %add3A_113 : i32
      %lt3A_115 = arith.constant 13 : i32
      %lt3A_116 = arith.cmpi slt, %add3A_114, %lt3A_115 : i32
      %mul3A_117 = arith.constant 6 : i32
      %mul3A_118 = arith.muli %add3A_112, %mul3A_117 : i32
      %add3A_119 = arith.constant 0 : i32
      %add3A_120 = arith.addi %mul3A_118, %add3A_119 : i32
      %dma_wait3A = arith.constant 0 : i32
      %dma_wait3A_121 = arith.constant 0 : i32
      %dma_wait3A_122 = arith.constant 0 : i32
      %dma_wait3A_123 = tpu.memref_slice %arg8[%dma_wait3A, %dma_wait3A_121, %dma_wait3A_122] : memref<6x128x16xf32, #tpu.memory_space<vmem>> -> memref<1x128x16xf32, #tpu.memory_space<vmem>>
      %dma_wait3A_124 = tpu.memref_squeeze %dma_wait3A_123 : memref<1x128x16xf32, #tpu.memory_space<vmem>> -> memref<128x16xf32, #tpu.memory_space<vmem>>
      %dma_wait3A_125 = arith.constant 0 : i32
      %dma_wait3A_126 = tpu.memref_slice %arg6[%add3A_120, %dma_wait3A_125] : memref<79x128xi32, #tpu.memory_space<vmem>> -> memref<1x128xi32, #tpu.memory_space<vmem>>
      %dma_wait3A_127 = tpu.memref_squeeze %dma_wait3A_126 : memref<1x128xi32, #tpu.memory_space<vmem>> -> memref<128xi32, #tpu.memory_space<vmem>>
      %dma_wait3A_128 = arith.constant 0 : i32
      %dma_wait3A_129 = arith.constant 0 : i32
      %dma_wait3A_130 = tpu.memref_slice %arg2[%dma_wait3A_128, %dma_wait3A_129] : memref<10240x16xf32, #tpu.memory_space<hbm>> -> memref<10240x16xf32, #tpu.memory_space<hbm>>
      tpu.wait_indirect_dma semaphore(%arg12 : memref<!tpu.dma_semaphore, #tpu.memory_space<semaphore_mem>>) src(%dma_wait3A_130 : memref<10240x16xf32, #tpu.memory_space<hbm>>) dst(%dma_wait3A_124 : memref<128x16xf32, #tpu.memory_space<vmem>>)
      %dma_start3A_131 = arith.constant 0 : i32
      %dma_start3A_132 = arith.constant 0 : i32
      %dma_start3A_133 = arith.constant 0 : i32
      %dma_start3A_134 = tpu.memref_slice %arg8[%dma_start3A_131, %dma_start3A_132, %dma_start3A_133] : memref<6x128x16xf32, #tpu.memory_space<vmem>> -> memref<1x128x16xf32, #tpu.memory_space<vmem>>
      %dma_start3A_135 = tpu.memref_squeeze %dma_start3A_134 : memref<1x128x16xf32, #tpu.memory_space<vmem>> -> memref<128x16xf32, #tpu.memory_space<vmem>>
      %dma_start3A_136 = arith.constant 0 : i32
      %dma_start3A_137 = tpu.memref_slice %arg7[%add3A_120, %dma_start3A_136] : memref<79x128xi32, #tpu.memory_space<vmem>> -> memref<1x128xi32, #tpu.memory_space<vmem>>
      %dma_start3A_138 = tpu.memref_squeeze %dma_start3A_137 : memref<1x128xi32, #tpu.memory_space<vmem>> -> memref<128xi32, #tpu.memory_space<vmem>>
      %dma_start3A_139 = arith.constant 0 : i32
      %dma_start3A_140 = arith.constant 0 : i32
      %dma_start3A_141 = tpu.memref_slice %arg11[%dma_start3A_139, %dma_start3A_140] : memref<10240x16xf32, #tpu.memory_space<vmem_shared>> -> memref<10240x16xf32, #tpu.memory_space<vmem_shared>>
      tpu.enqueue_indirect_dma source(%dma_start3A_135 : memref<128x16xf32, #tpu.memory_space<vmem>>) target(%dma_start3A_141 : memref<10240x16xf32, #tpu.memory_space<vmem_shared>>) offsets(%dma_start3A_138 : memref<128xi32, #tpu.memory_space<vmem>>) semaphore(%arg18 : memref<!tpu.dma_semaphore, #tpu.memory_space<semaphore_mem>>) {add = true}
      %mul3A_142 = arith.constant 6 : i32
      %mul3A_143 = arith.muli %add3A_112, %mul3A_142 : i32
      %add3A_144 = arith.constant 1 : i32
      %add3A_145 = arith.addi %mul3A_143, %add3A_144 : i32
      %dma_wait3A_146 = arith.constant 1 : i32
      %dma_wait3A_147 = arith.constant 0 : i32
      %dma_wait3A_148 = arith.constant 0 : i32
      %dma_wait3A_149 = tpu.memref_slice %arg8[%dma_wait3A_146, %dma_wait3A_147, %dma_wait3A_148] : memref<6x128x16xf32, #tpu.memory_space<vmem>> -> memref<1x128x16xf32, #tpu.memory_space<vmem>>
      %dma_wait3A_150 = tpu.memref_squeeze %dma_wait3A_149 : memref<1x128x16xf32, #tpu.memory_space<vmem>> -> memref<128x16xf32, #tpu.memory_space<vmem>>
      %dma_wait3A_151 = arith.constant 0 : i32
      %dma_wait3A_152 = tpu.memref_slice %arg6[%add3A_145, %dma_wait3A_151] : memref<79x128xi32, #tpu.memory_space<vmem>> -> memref<1x128xi32, #tpu.memory_space<vmem>>
      %dma_wait3A_153 = tpu.memref_squeeze %dma_wait3A_152 : memref<1x128xi32, #tpu.memory_space<vmem>> -> memref<128xi32, #tpu.memory_space<vmem>>
      %dma_wait3A_154 = arith.constant 0 : i32
      %dma_wait3A_155 = arith.constant 0 : i32
      %dma_wait3A_156 = tpu.memref_slice %arg2[%dma_wait3A_154, %dma_wait3A_155] : memref<10240x16xf32, #tpu.memory_space<hbm>> -> memref<10240x16xf32, #tpu.memory_space<hbm>>
      tpu.wait_indirect_dma semaphore(%arg13 : memref<!tpu.dma_semaphore, #tpu.memory_space<semaphore_mem>>) src(%dma_wait3A_156 : memref<10240x16xf32, #tpu.memory_space<hbm>>) dst(%dma_wait3A_150 : memref<128x16xf32, #tpu.memory_space<vmem>>)
      %dma_start3A_157 = arith.constant 1 : i32
      %dma_start3A_158 = arith.constant 0 : i32
      %dma_start3A_159 = arith.constant 0 : i32
      %dma_start3A_160 = tpu.memref_slice %arg8[%dma_start3A_157, %dma_start3A_158, %dma_start3A_159] : memref<6x128x16xf32, #tpu.memory_space<vmem>> -> memref<1x128x16xf32, #tpu.memory_space<vmem>>
      %dma_start3A_161 = tpu.memref_squeeze %dma_start3A_160 : memref<1x128x16xf32, #tpu.memory_space<vmem>> -> memref<128x16xf32, #tpu.memory_space<vmem>>
      %dma_start3A_162 = arith.constant 0 : i32
      %dma_start3A_163 = tpu.memref_slice %arg7[%add3A_145, %dma_start3A_162] : memref<79x128xi32, #tpu.memory_space<vmem>> -> memref<1x128xi32, #tpu.memory_space<vmem>>
      %dma_start3A_164 = tpu.memref_squeeze %dma_start3A_163 : memref<1x128xi32, #tpu.memory_space<vmem>> -> memref<128xi32, #tpu.memory_space<vmem>>
      %dma_start3A_165 = arith.constant 0 : i32
      %dma_start3A_166 = arith.constant 0 : i32
      %dma_start3A_167 = tpu.memref_slice %arg11[%dma_start3A_165, %dma_start3A_166] : memref<10240x16xf32, #tpu.memory_space<vmem_shared>> -> memref<10240x16xf32, #tpu.memory_space<vmem_shared>>
      tpu.enqueue_indirect_dma source(%dma_start3A_161 : memref<128x16xf32, #tpu.memory_space<vmem>>) target(%dma_start3A_167 : memref<10240x16xf32, #tpu.memory_space<vmem_shared>>) offsets(%dma_start3A_164 : memref<128xi32, #tpu.memory_space<vmem>>) semaphore(%arg19 : memref<!tpu.dma_semaphore, #tpu.memory_space<semaphore_mem>>) {add = true}
      %mul3A_168 = arith.constant 6 : i32
      %mul3A_169 = arith.muli %add3A_112, %mul3A_168 : i32
      %add3A_170 = arith.constant 2 : i32
      %add3A_171 = arith.addi %mul3A_169, %add3A_170 : i32
      %dma_wait3A_172 = arith.constant 2 : i32
      %dma_wait3A_173 = arith.constant 0 : i32
      %dma_wait3A_174 = arith.constant 0 : i32
      %dma_wait3A_175 = tpu.memref_slice %arg8[%dma_wait3A_172, %dma_wait3A_173, %dma_wait3A_174] : memref<6x128x16xf32, #tpu.memory_space<vmem>> -> memref<1x128x16xf32, #tpu.memory_space<vmem>>
      %dma_wait3A_176 = tpu.memref_squeeze %dma_wait3A_175 : memref<1x128x16xf32, #tpu.memory_space<vmem>> -> memref<128x16xf32, #tpu.memory_space<vmem>>
      %dma_wait3A_177 = arith.constant 0 : i32
      %dma_wait3A_178 = tpu.memref_slice %arg6[%add3A_171, %dma_wait3A_177] : memref<79x128xi32, #tpu.memory_space<vmem>> -> memref<1x128xi32, #tpu.memory_space<vmem>>
      %dma_wait3A_179 = tpu.memref_squeeze %dma_wait3A_178 : memref<1x128xi32, #tpu.memory_space<vmem>> -> memref<128xi32, #tpu.memory_space<vmem>>
      %dma_wait3A_180 = arith.constant 0 : i32
      %dma_wait3A_181 = arith.constant 0 : i32
      %dma_wait3A_182 = tpu.memref_slice %arg2[%dma_wait3A_180, %dma_wait3A_181] : memref<10240x16xf32, #tpu.memory_space<hbm>> -> memref<10240x16xf32, #tpu.memory_space<hbm>>
      tpu.wait_indirect_dma semaphore(%arg14 : memref<!tpu.dma_semaphore, #tpu.memory_space<semaphore_mem>>) src(%dma_wait3A_182 : memref<10240x16xf32, #tpu.memory_space<hbm>>) dst(%dma_wait3A_176 : memref<128x16xf32, #tpu.memory_space<vmem>>)
      %dma_start3A_183 = arith.constant 2 : i32
      %dma_start3A_184 = arith.constant 0 : i32
      %dma_start3A_185 = arith.constant 0 : i32
      %dma_start3A_186 = tpu.memref_slice %arg8[%dma_start3A_183, %dma_start3A_184, %dma_start3A_185] : memref<6x128x16xf32, #tpu.memory_space<vmem>> -> memref<1x128x16xf32, #tpu.memory_space<vmem>>
      %dma_start3A_187 = tpu.memref_squeeze %dma_start3A_186 : memref<1x128x16xf32, #tpu.memory_space<vmem>> -> memref<128x16xf32, #tpu.memory_space<vmem>>
      %dma_start3A_188 = arith.constant 0 : i32
      %dma_start3A_189 = tpu.memref_slice %arg7[%add3A_171, %dma_start3A_188] : memref<79x128xi32, #tpu.memory_space<vmem>> -> memref<1x128xi32, #tpu.memory_space<vmem>>
      %dma_start3A_190 = tpu.memref_squeeze %dma_start3A_189 : memref<1x128xi32, #tpu.memory_space<vmem>> -> memref<128xi32, #tpu.memory_space<vmem>>
      %dma_start3A_191 = arith.constant 0 : i32
      %dma_start3A_192 = arith.constant 0 : i32
      %dma_start3A_193 = tpu.memref_slice %arg11[%dma_start3A_191, %dma_start3A_192] : memref<10240x16xf32, #tpu.memory_space<vmem_shared>> -> memref<10240x16xf32, #tpu.memory_space<vmem_shared>>
      tpu.enqueue_indirect_dma source(%dma_start3A_187 : memref<128x16xf32, #tpu.memory_space<vmem>>) target(%dma_start3A_193 : memref<10240x16xf32, #tpu.memory_space<vmem_shared>>) offsets(%dma_start3A_190 : memref<128xi32, #tpu.memory_space<vmem>>) semaphore(%arg20 : memref<!tpu.dma_semaphore, #tpu.memory_space<semaphore_mem>>) {add = true}
      %mul3A_194 = arith.constant 6 : i32
      %mul3A_195 = arith.muli %add3A_112, %mul3A_194 : i32
      %add3A_196 = arith.constant 3 : i32
      %add3A_197 = arith.addi %mul3A_195, %add3A_196 : i32
      %dma_wait3A_198 = arith.constant 3 : i32
      %dma_wait3A_199 = arith.constant 0 : i32
      %dma_wait3A_200 = arith.constant 0 : i32
      %dma_wait3A_201 = tpu.memref_slice %arg8[%dma_wait3A_198, %dma_wait3A_199, %dma_wait3A_200] : memref<6x128x16xf32, #tpu.memory_space<vmem>> -> memref<1x128x16xf32, #tpu.memory_space<vmem>>
      %dma_wait3A_202 = tpu.memref_squeeze %dma_wait3A_201 : memref<1x128x16xf32, #tpu.memory_space<vmem>> -> memref<128x16xf32, #tpu.memory_space<vmem>>
      %dma_wait3A_203 = arith.constant 0 : i32
      %dma_wait3A_204 = tpu.memref_slice %arg6[%add3A_197, %dma_wait3A_203] : memref<79x128xi32, #tpu.memory_space<vmem>> -> memref<1x128xi32, #tpu.memory_space<vmem>>
      %dma_wait3A_205 = tpu.memref_squeeze %dma_wait3A_204 : memref<1x128xi32, #tpu.memory_space<vmem>> -> memref<128xi32, #tpu.memory_space<vmem>>
      %dma_wait3A_206 = arith.constant 0 : i32
      %dma_wait3A_207 = arith.constant 0 : i32
      %dma_wait3A_208 = tpu.memref_slice %arg2[%dma_wait3A_206, %dma_wait3A_207] : memref<10240x16xf32, #tpu.memory_space<hbm>> -> memref<10240x16xf32, #tpu.memory_space<hbm>>
      tpu.wait_indirect_dma semaphore(%arg15 : memref<!tpu.dma_semaphore, #tpu.memory_space<semaphore_mem>>) src(%dma_wait3A_208 : memref<10240x16xf32, #tpu.memory_space<hbm>>) dst(%dma_wait3A_202 : memref<128x16xf32, #tpu.memory_space<vmem>>)
      %dma_start3A_209 = arith.constant 3 : i32
      %dma_start3A_210 = arith.constant 0 : i32
      %dma_start3A_211 = arith.constant 0 : i32
      %dma_start3A_212 = tpu.memref_slice %arg8[%dma_start3A_209, %dma_start3A_210, %dma_start3A_211] : memref<6x128x16xf32, #tpu.memory_space<vmem>> -> memref<1x128x16xf32, #tpu.memory_space<vmem>>
      %dma_start3A_213 = tpu.memref_squeeze %dma_start3A_212 : memref<1x128x16xf32, #tpu.memory_space<vmem>> -> memref<128x16xf32, #tpu.memory_space<vmem>>
      %dma_start3A_214 = arith.constant 0 : i32
      %dma_start3A_215 = tpu.memref_slice %arg7[%add3A_197, %dma_start3A_214] : memref<79x128xi32, #tpu.memory_space<vmem>> -> memref<1x128xi32, #tpu.memory_space<vmem>>
      %dma_start3A_216 = tpu.memref_squeeze %dma_start3A_215 : memref<1x128xi32, #tpu.memory_space<vmem>> -> memref<128xi32, #tpu.memory_space<vmem>>
      %dma_start3A_217 = arith.constant 0 : i32
      %dma_start3A_218 = arith.constant 0 : i32
      %dma_start3A_219 = tpu.memref_slice %arg11[%dma_start3A_217, %dma_start3A_218] : memref<10240x16xf32, #tpu.memory_space<vmem_shared>> -> memref<10240x16xf32, #tpu.memory_space<vmem_shared>>
      tpu.enqueue_indirect_dma source(%dma_start3A_213 : memref<128x16xf32, #tpu.memory_space<vmem>>) target(%dma_start3A_219 : memref<10240x16xf32, #tpu.memory_space<vmem_shared>>) offsets(%dma_start3A_216 : memref<128xi32, #tpu.memory_space<vmem>>) semaphore(%arg21 : memref<!tpu.dma_semaphore, #tpu.memory_space<semaphore_mem>>) {add = true}
      %mul3A_220 = arith.constant 6 : i32
      %mul3A_221 = arith.muli %add3A_112, %mul3A_220 : i32
      %add3A_222 = arith.constant 4 : i32
      %add3A_223 = arith.addi %mul3A_221, %add3A_222 : i32
      %dma_wait3A_224 = arith.constant 4 : i32
      %dma_wait3A_225 = arith.constant 0 : i32
      %dma_wait3A_226 = arith.constant 0 : i32
      %dma_wait3A_227 = tpu.memref_slice %arg8[%dma_wait3A_224, %dma_wait3A_225, %dma_wait3A_226] : memref<6x128x16xf32, #tpu.memory_space<vmem>> -> memref<1x128x16xf32, #tpu.memory_space<vmem>>
      %dma_wait3A_228 = tpu.memref_squeeze %dma_wait3A_227 : memref<1x128x16xf32, #tpu.memory_space<vmem>> -> memref<128x16xf32, #tpu.memory_space<vmem>>
      %dma_wait3A_229 = arith.constant 0 : i32
      %dma_wait3A_230 = tpu.memref_slice %arg6[%add3A_223, %dma_wait3A_229] : memref<79x128xi32, #tpu.memory_space<vmem>> -> memref<1x128xi32, #tpu.memory_space<vmem>>
      %dma_wait3A_231 = tpu.memref_squeeze %dma_wait3A_230 : memref<1x128xi32, #tpu.memory_space<vmem>> -> memref<128xi32, #tpu.memory_space<vmem>>
      %dma_wait3A_232 = arith.constant 0 : i32
      %dma_wait3A_233 = arith.constant 0 : i32
      %dma_wait3A_234 = tpu.memref_slice %arg2[%dma_wait3A_232, %dma_wait3A_233] : memref<10240x16xf32, #tpu.memory_space<hbm>> -> memref<10240x16xf32, #tpu.memory_space<hbm>>
      tpu.wait_indirect_dma semaphore(%arg16 : memref<!tpu.dma_semaphore, #tpu.memory_space<semaphore_mem>>) src(%dma_wait3A_234 : memref<10240x16xf32, #tpu.memory_space<hbm>>) dst(%dma_wait3A_228 : memref<128x16xf32, #tpu.memory_space<vmem>>)
      %dma_start3A_235 = arith.constant 4 : i32
      %dma_start3A_236 = arith.constant 0 : i32
      %dma_start3A_237 = arith.constant 0 : i32
      %dma_start3A_238 = tpu.memref_slice %arg8[%dma_start3A_235, %dma_start3A_236, %dma_start3A_237] : memref<6x128x16xf32, #tpu.memory_space<vmem>> -> memref<1x128x16xf32, #tpu.memory_space<vmem>>
      %dma_start3A_239 = tpu.memref_squeeze %dma_start3A_238 : memref<1x128x16xf32, #tpu.memory_space<vmem>> -> memref<128x16xf32, #tpu.memory_space<vmem>>
      %dma_start3A_240 = arith.constant 0 : i32
      %dma_start3A_241 = tpu.memref_slice %arg7[%add3A_223, %dma_start3A_240] : memref<79x128xi32, #tpu.memory_space<vmem>> -> memref<1x128xi32, #tpu.memory_space<vmem>>
      %dma_start3A_242 = tpu.memref_squeeze %dma_start3A_241 : memref<1x128xi32, #tpu.memory_space<vmem>> -> memref<128xi32, #tpu.memory_space<vmem>>
      %dma_start3A_243 = arith.constant 0 : i32
      %dma_start3A_244 = arith.constant 0 : i32
      %dma_start3A_245 = tpu.memref_slice %arg11[%dma_start3A_243, %dma_start3A_244] : memref<10240x16xf32, #tpu.memory_space<vmem_shared>> -> memref<10240x16xf32, #tpu.memory_space<vmem_shared>>
      tpu.enqueue_indirect_dma source(%dma_start3A_239 : memref<128x16xf32, #tpu.memory_space<vmem>>) target(%dma_start3A_245 : memref<10240x16xf32, #tpu.memory_space<vmem_shared>>) offsets(%dma_start3A_242 : memref<128xi32, #tpu.memory_space<vmem>>) semaphore(%arg22 : memref<!tpu.dma_semaphore, #tpu.memory_space<semaphore_mem>>) {add = true}
      %mul3A_246 = arith.constant 6 : i32
      %mul3A_247 = arith.muli %add3A_112, %mul3A_246 : i32
      %add3A_248 = arith.constant 5 : i32
      %add3A_249 = arith.addi %mul3A_247, %add3A_248 : i32
      %dma_wait3A_250 = arith.constant 5 : i32
      %dma_wait3A_251 = arith.constant 0 : i32
      %dma_wait3A_252 = arith.constant 0 : i32
      %dma_wait3A_253 = tpu.memref_slice %arg8[%dma_wait3A_250, %dma_wait3A_251, %dma_wait3A_252] : memref<6x128x16xf32, #tpu.memory_space<vmem>> -> memref<1x128x16xf32, #tpu.memory_space<vmem>>
      %dma_wait3A_254 = tpu.memref_squeeze %dma_wait3A_253 : memref<1x128x16xf32, #tpu.memory_space<vmem>> -> memref<128x16xf32, #tpu.memory_space<vmem>>
      %dma_wait3A_255 = arith.constant 0 : i32
      %dma_wait3A_256 = tpu.memref_slice %arg6[%add3A_249, %dma_wait3A_255] : memref<79x128xi32, #tpu.memory_space<vmem>> -> memref<1x128xi32, #tpu.memory_space<vmem>>
      %dma_wait3A_257 = tpu.memref_squeeze %dma_wait3A_256 : memref<1x128xi32, #tpu.memory_space<vmem>> -> memref<128xi32, #tpu.memory_space<vmem>>
      %dma_wait3A_258 = arith.constant 0 : i32
      %dma_wait3A_259 = arith.constant 0 : i32
      %dma_wait3A_260 = tpu.memref_slice %arg2[%dma_wait3A_258, %dma_wait3A_259] : memref<10240x16xf32, #tpu.memory_space<hbm>> -> memref<10240x16xf32, #tpu.memory_space<hbm>>
      tpu.wait_indirect_dma semaphore(%arg17 : memref<!tpu.dma_semaphore, #tpu.memory_space<semaphore_mem>>) src(%dma_wait3A_260 : memref<10240x16xf32, #tpu.memory_space<hbm>>) dst(%dma_wait3A_254 : memref<128x16xf32, #tpu.memory_space<vmem>>)
      %dma_start3A_261 = arith.constant 5 : i32
      %dma_start3A_262 = arith.constant 0 : i32
      %dma_start3A_263 = arith.constant 0 : i32
      %dma_start3A_264 = tpu.memref_slice %arg8[%dma_start3A_261, %dma_start3A_262, %dma_start3A_263] : memref<6x128x16xf32, #tpu.memory_space<vmem>> -> memref<1x128x16xf32, #tpu.memory_space<vmem>>
      %dma_start3A_265 = tpu.memref_squeeze %dma_start3A_264 : memref<1x128x16xf32, #tpu.memory_space<vmem>> -> memref<128x16xf32, #tpu.memory_space<vmem>>
      %dma_start3A_266 = arith.constant 0 : i32
      %dma_start3A_267 = tpu.memref_slice %arg7[%add3A_249, %dma_start3A_266] : memref<79x128xi32, #tpu.memory_space<vmem>> -> memref<1x128xi32, #tpu.memory_space<vmem>>
      %dma_start3A_268 = tpu.memref_squeeze %dma_start3A_267 : memref<1x128xi32, #tpu.memory_space<vmem>> -> memref<128xi32, #tpu.memory_space<vmem>>
      %dma_start3A_269 = arith.constant 0 : i32
      %dma_start3A_270 = arith.constant 0 : i32
      %dma_start3A_271 = tpu.memref_slice %arg11[%dma_start3A_269, %dma_start3A_270] : memref<10240x16xf32, #tpu.memory_space<vmem_shared>> -> memref<10240x16xf32, #tpu.memory_space<vmem_shared>>
      tpu.enqueue_indirect_dma source(%dma_start3A_265 : memref<128x16xf32, #tpu.memory_space<vmem>>) target(%dma_start3A_271 : memref<10240x16xf32, #tpu.memory_space<vmem_shared>>) offsets(%dma_start3A_268 : memref<128xi32, #tpu.memory_space<vmem>>) semaphore(%arg23 : memref<!tpu.dma_semaphore, #tpu.memory_space<semaphore_mem>>) {add = true}
      %mul3A_272 = arith.constant 6 : i32
      %mul3A_273 = arith.muli %add3A_112, %mul3A_272 : i32
      %add3A_274 = arith.constant 0 : i32
      %add3A_275 = arith.addi %mul3A_273, %add3A_274 : i32
      %dma_wait3A_276 = arith.constant 0 : i32
      %dma_wait3A_277 = arith.constant 0 : i32
      %dma_wait3A_278 = arith.constant 0 : i32
      %dma_wait3A_279 = tpu.memref_slice %arg8[%dma_wait3A_276, %dma_wait3A_277, %dma_wait3A_278] : memref<6x128x16xf32, #tpu.memory_space<vmem>> -> memref<1x128x16xf32, #tpu.memory_space<vmem>>
      %dma_wait3A_280 = tpu.memref_squeeze %dma_wait3A_279 : memref<1x128x16xf32, #tpu.memory_space<vmem>> -> memref<128x16xf32, #tpu.memory_space<vmem>>
      %dma_wait3A_281 = arith.constant 0 : i32
      %dma_wait3A_282 = tpu.memref_slice %arg7[%add3A_275, %dma_wait3A_281] : memref<79x128xi32, #tpu.memory_space<vmem>> -> memref<1x128xi32, #tpu.memory_space<vmem>>
      %dma_wait3A_283 = tpu.memref_squeeze %dma_wait3A_282 : memref<1x128xi32, #tpu.memory_space<vmem>> -> memref<128xi32, #tpu.memory_space<vmem>>
      %dma_wait3A_284 = arith.constant 0 : i32
      %dma_wait3A_285 = arith.constant 0 : i32
      %dma_wait3A_286 = tpu.memref_slice %arg11[%dma_wait3A_284, %dma_wait3A_285] : memref<10240x16xf32, #tpu.memory_space<vmem_shared>> -> memref<10240x16xf32, #tpu.memory_space<vmem_shared>>
      tpu.wait_indirect_dma semaphore(%arg18 : memref<!tpu.dma_semaphore, #tpu.memory_space<semaphore_mem>>) src(%dma_wait3A_280 : memref<128x16xf32, #tpu.memory_space<vmem>>) dst(%dma_wait3A_286 : memref<10240x16xf32, #tpu.memory_space<vmem_shared>>)
      %convert_element_type3A_287 = arith.extui %lt3A_116 : i1 to i32
      %cond3A_288 = arith.constant 0 : i32
      %cond3A_289 = arith.cmpi ne, %convert_element_type3A_287, %cond3A_288 : i32
      scf.if %cond3A_289 {
        %add3A_380 = arith.constant 6 : i32
        %add3A_381 = arith.addi %add3A_275, %add3A_380 : i32
        %dma_start3A_382 = arith.constant 0 : i32
        %dma_start3A_383 = arith.constant 0 : i32
        %dma_start3A_384 = arith.constant 0 : i32
        %dma_start3A_385 = tpu.memref_slice %arg8[%dma_start3A_382, %dma_start3A_383, %dma_start3A_384] : memref<6x128x16xf32, #tpu.memory_space<vmem>> -> memref<1x128x16xf32, #tpu.memory_space<vmem>>
        %dma_start3A_386 = tpu.memref_squeeze %dma_start3A_385 : memref<1x128x16xf32, #tpu.memory_space<vmem>> -> memref<128x16xf32, #tpu.memory_space<vmem>>
        %dma_start3A_387 = arith.constant 0 : i32
        %dma_start3A_388 = tpu.memref_slice %arg6[%add3A_381, %dma_start3A_387] : memref<79x128xi32, #tpu.memory_space<vmem>> -> memref<1x128xi32, #tpu.memory_space<vmem>>
        %dma_start3A_389 = tpu.memref_squeeze %dma_start3A_388 : memref<1x128xi32, #tpu.memory_space<vmem>> -> memref<128xi32, #tpu.memory_space<vmem>>
        %dma_start3A_390 = arith.constant 0 : i32
        %dma_start3A_391 = arith.constant 0 : i32
        %dma_start3A_392 = tpu.memref_slice %arg2[%dma_start3A_390, %dma_start3A_391] : memref<10240x16xf32, #tpu.memory_space<hbm>> -> memref<10240x16xf32, #tpu.memory_space<hbm>>
        tpu.enqueue_indirect_dma source(%dma_start3A_392 : memref<10240x16xf32, #tpu.memory_space<hbm>>) target(%dma_start3A_386 : memref<128x16xf32, #tpu.memory_space<vmem>>) offsets(%dma_start3A_389 : memref<128xi32, #tpu.memory_space<vmem>>) semaphore(%arg12 : memref<!tpu.dma_semaphore, #tpu.memory_space<semaphore_mem>>)
      } else {
      }
      %mul3A_290 = arith.constant 6 : i32
      %mul3A_291 = arith.muli %add3A_112, %mul3A_290 : i32
      %add3A_292 = arith.constant 1 : i32
      %add3A_293 = arith.addi %mul3A_291, %add3A_292 : i32
      %dma_wait3A_294 = arith.constant 1 : i32
      %dma_wait3A_295 = arith.constant 0 : i32
      %dma_wait3A_296 = arith.constant 0 : i32
      %dma_wait3A_297 = tpu.memref_slice %arg8[%dma_wait3A_294, %dma_wait3A_295, %dma_wait3A_296] : memref<6x128x16xf32, #tpu.memory_space<vmem>> -> memref<1x128x16xf32, #tpu.memory_space<vmem>>
      %dma_wait3A_298 = tpu.memref_squeeze %dma_wait3A_297 : memref<1x128x16xf32, #tpu.memory_space<vmem>> -> memref<128x16xf32, #tpu.memory_space<vmem>>
      %dma_wait3A_299 = arith.constant 0 : i32
      %dma_wait3A_300 = tpu.memref_slice %arg7[%add3A_293, %dma_wait3A_299] : memref<79x128xi32, #tpu.memory_space<vmem>> -> memref<1x128xi32, #tpu.memory_space<vmem>>
      %dma_wait3A_301 = tpu.memref_squeeze %dma_wait3A_300 : memref<1x128xi32, #tpu.memory_space<vmem>> -> memref<128xi32, #tpu.memory_space<vmem>>
      %dma_wait3A_302 = arith.constant 0 : i32
      %dma_wait3A_303 = arith.constant 0 : i32
      %dma_wait3A_304 = tpu.memref_slice %arg11[%dma_wait3A_302, %dma_wait3A_303] : memref<10240x16xf32, #tpu.memory_space<vmem_shared>> -> memref<10240x16xf32, #tpu.memory_space<vmem_shared>>
      tpu.wait_indirect_dma semaphore(%arg19 : memref<!tpu.dma_semaphore, #tpu.memory_space<semaphore_mem>>) src(%dma_wait3A_298 : memref<128x16xf32, #tpu.memory_space<vmem>>) dst(%dma_wait3A_304 : memref<10240x16xf32, #tpu.memory_space<vmem_shared>>)
      %convert_element_type3A_305 = arith.extui %lt3A_116 : i1 to i32
      %cond3A_306 = arith.constant 0 : i32
      %cond3A_307 = arith.cmpi ne, %convert_element_type3A_305, %cond3A_306 : i32
      scf.if %cond3A_307 {
        %add3A_380 = arith.constant 6 : i32
        %add3A_381 = arith.addi %add3A_293, %add3A_380 : i32
        %dma_start3A_382 = arith.constant 1 : i32
        %dma_start3A_383 = arith.constant 0 : i32
        %dma_start3A_384 = arith.constant 0 : i32
        %dma_start3A_385 = tpu.memref_slice %arg8[%dma_start3A_382, %dma_start3A_383, %dma_start3A_384] : memref<6x128x16xf32, #tpu.memory_space<vmem>> -> memref<1x128x16xf32, #tpu.memory_space<vmem>>
        %dma_start3A_386 = tpu.memref_squeeze %dma_start3A_385 : memref<1x128x16xf32, #tpu.memory_space<vmem>> -> memref<128x16xf32, #tpu.memory_space<vmem>>
        %dma_start3A_387 = arith.constant 0 : i32
        %dma_start3A_388 = tpu.memref_slice %arg6[%add3A_381, %dma_start3A_387] : memref<79x128xi32, #tpu.memory_space<vmem>> -> memref<1x128xi32, #tpu.memory_space<vmem>>
        %dma_start3A_389 = tpu.memref_squeeze %dma_start3A_388 : memref<1x128xi32, #tpu.memory_space<vmem>> -> memref<128xi32, #tpu.memory_space<vmem>>
        %dma_start3A_390 = arith.constant 0 : i32
        %dma_start3A_391 = arith.constant 0 : i32
        %dma_start3A_392 = tpu.memref_slice %arg2[%dma_start3A_390, %dma_start3A_391] : memref<10240x16xf32, #tpu.memory_space<hbm>> -> memref<10240x16xf32, #tpu.memory_space<hbm>>
        tpu.enqueue_indirect_dma source(%dma_start3A_392 : memref<10240x16xf32, #tpu.memory_space<hbm>>) target(%dma_start3A_386 : memref<128x16xf32, #tpu.memory_space<vmem>>) offsets(%dma_start3A_389 : memref<128xi32, #tpu.memory_space<vmem>>) semaphore(%arg13 : memref<!tpu.dma_semaphore, #tpu.memory_space<semaphore_mem>>)
      } else {
      }
      %mul3A_308 = arith.constant 6 : i32
      %mul3A_309 = arith.muli %add3A_112, %mul3A_308 : i32
      %add3A_310 = arith.constant 2 : i32
      %add3A_311 = arith.addi %mul3A_309, %add3A_310 : i32
      %dma_wait3A_312 = arith.constant 2 : i32
      %dma_wait3A_313 = arith.constant 0 : i32
      %dma_wait3A_314 = arith.constant 0 : i32
      %dma_wait3A_315 = tpu.memref_slice %arg8[%dma_wait3A_312, %dma_wait3A_313, %dma_wait3A_314] : memref<6x128x16xf32, #tpu.memory_space<vmem>> -> memref<1x128x16xf32, #tpu.memory_space<vmem>>
      %dma_wait3A_316 = tpu.memref_squeeze %dma_wait3A_315 : memref<1x128x16xf32, #tpu.memory_space<vmem>> -> memref<128x16xf32, #tpu.memory_space<vmem>>
      %dma_wait3A_317 = arith.constant 0 : i32
      %dma_wait3A_318 = tpu.memref_slice %arg7[%add3A_311, %dma_wait3A_317] : memref<79x128xi32, #tpu.memory_space<vmem>> -> memref<1x128xi32, #tpu.memory_space<vmem>>
      %dma_wait3A_319 = tpu.memref_squeeze %dma_wait3A_318 : memref<1x128xi32, #tpu.memory_space<vmem>> -> memref<128xi32, #tpu.memory_space<vmem>>
      %dma_wait3A_320 = arith.constant 0 : i32
      %dma_wait3A_321 = arith.constant 0 : i32
      %dma_wait3A_322 = tpu.memref_slice %arg11[%dma_wait3A_320, %dma_wait3A_321] : memref<10240x16xf32, #tpu.memory_space<vmem_shared>> -> memref<10240x16xf32, #tpu.memory_space<vmem_shared>>
      tpu.wait_indirect_dma semaphore(%arg20 : memref<!tpu.dma_semaphore, #tpu.memory_space<semaphore_mem>>) src(%dma_wait3A_316 : memref<128x16xf32, #tpu.memory_space<vmem>>) dst(%dma_wait3A_322 : memref<10240x16xf32, #tpu.memory_space<vmem_shared>>)
      %convert_element_type3A_323 = arith.extui %lt3A_116 : i1 to i32
      %cond3A_324 = arith.constant 0 : i32
      %cond3A_325 = arith.cmpi ne, %convert_element_type3A_323, %cond3A_324 : i32
      scf.if %cond3A_325 {
        %add3A_380 = arith.constant 6 : i32
        %add3A_381 = arith.addi %add3A_311, %add3A_380 : i32
        %dma_start3A_382 = arith.constant 2 : i32
        %dma_start3A_383 = arith.constant 0 : i32
        %dma_start3A_384 = arith.constant 0 : i32
        %dma_start3A_385 = tpu.memref_slice %arg8[%dma_start3A_382, %dma_start3A_383, %dma_start3A_384] : memref<6x128x16xf32, #tpu.memory_space<vmem>> -> memref<1x128x16xf32, #tpu.memory_space<vmem>>
        %dma_start3A_386 = tpu.memref_squeeze %dma_start3A_385 : memref<1x128x16xf32, #tpu.memory_space<vmem>> -> memref<128x16xf32, #tpu.memory_space<vmem>>
        %dma_start3A_387 = arith.constant 0 : i32
        %dma_start3A_388 = tpu.memref_slice %arg6[%add3A_381, %dma_start3A_387] : memref<79x128xi32, #tpu.memory_space<vmem>> -> memref<1x128xi32, #tpu.memory_space<vmem>>
        %dma_start3A_389 = tpu.memref_squeeze %dma_start3A_388 : memref<1x128xi32, #tpu.memory_space<vmem>> -> memref<128xi32, #tpu.memory_space<vmem>>
        %dma_start3A_390 = arith.constant 0 : i32
        %dma_start3A_391 = arith.constant 0 : i32
        %dma_start3A_392 = tpu.memref_slice %arg2[%dma_start3A_390, %dma_start3A_391] : memref<10240x16xf32, #tpu.memory_space<hbm>> -> memref<10240x16xf32, #tpu.memory_space<hbm>>
        tpu.enqueue_indirect_dma source(%dma_start3A_392 : memref<10240x16xf32, #tpu.memory_space<hbm>>) target(%dma_start3A_386 : memref<128x16xf32, #tpu.memory_space<vmem>>) offsets(%dma_start3A_389 : memref<128xi32, #tpu.memory_space<vmem>>) semaphore(%arg14 : memref<!tpu.dma_semaphore, #tpu.memory_space<semaphore_mem>>)
      } else {
      }
      %mul3A_326 = arith.constant 6 : i32
      %mul3A_327 = arith.muli %add3A_112, %mul3A_326 : i32
      %add3A_328 = arith.constant 3 : i32
      %add3A_329 = arith.addi %mul3A_327, %add3A_328 : i32
      %dma_wait3A_330 = arith.constant 3 : i32
      %dma_wait3A_331 = arith.constant 0 : i32
      %dma_wait3A_332 = arith.constant 0 : i32
      %dma_wait3A_333 = tpu.memref_slice %arg8[%dma_wait3A_330, %dma_wait3A_331, %dma_wait3A_332] : memref<6x128x16xf32, #tpu.memory_space<vmem>> -> memref<1x128x16xf32, #tpu.memory_space<vmem>>
      %dma_wait3A_334 = tpu.memref_squeeze %dma_wait3A_333 : memref<1x128x16xf32, #tpu.memory_space<vmem>> -> memref<128x16xf32, #tpu.memory_space<vmem>>
      %dma_wait3A_335 = arith.constant 0 : i32
      %dma_wait3A_336 = tpu.memref_slice %arg7[%add3A_329, %dma_wait3A_335] : memref<79x128xi32, #tpu.memory_space<vmem>> -> memref<1x128xi32, #tpu.memory_space<vmem>>
      %dma_wait3A_337 = tpu.memref_squeeze %dma_wait3A_336 : memref<1x128xi32, #tpu.memory_space<vmem>> -> memref<128xi32, #tpu.memory_space<vmem>>
      %dma_wait3A_338 = arith.constant 0 : i32
      %dma_wait3A_339 = arith.constant 0 : i32
      %dma_wait3A_340 = tpu.memref_slice %arg11[%dma_wait3A_338, %dma_wait3A_339] : memref<10240x16xf32, #tpu.memory_space<vmem_shared>> -> memref<10240x16xf32, #tpu.memory_space<vmem_shared>>
      tpu.wait_indirect_dma semaphore(%arg21 : memref<!tpu.dma_semaphore, #tpu.memory_space<semaphore_mem>>) src(%dma_wait3A_334 : memref<128x16xf32, #tpu.memory_space<vmem>>) dst(%dma_wait3A_340 : memref<10240x16xf32, #tpu.memory_space<vmem_shared>>)
      %convert_element_type3A_341 = arith.extui %lt3A_116 : i1 to i32
      %cond3A_342 = arith.constant 0 : i32
      %cond3A_343 = arith.cmpi ne, %convert_element_type3A_341, %cond3A_342 : i32
      scf.if %cond3A_343 {
        %add3A_380 = arith.constant 6 : i32
        %add3A_381 = arith.addi %add3A_329, %add3A_380 : i32
        %dma_start3A_382 = arith.constant 3 : i32
        %dma_start3A_383 = arith.constant 0 : i32
        %dma_start3A_384 = arith.constant 0 : i32
        %dma_start3A_385 = tpu.memref_slice %arg8[%dma_start3A_382, %dma_start3A_383, %dma_start3A_384] : memref<6x128x16xf32, #tpu.memory_space<vmem>> -> memref<1x128x16xf32, #tpu.memory_space<vmem>>
        %dma_start3A_386 = tpu.memref_squeeze %dma_start3A_385 : memref<1x128x16xf32, #tpu.memory_space<vmem>> -> memref<128x16xf32, #tpu.memory_space<vmem>>
        %dma_start3A_387 = arith.constant 0 : i32
        %dma_start3A_388 = tpu.memref_slice %arg6[%add3A_381, %dma_start3A_387] : memref<79x128xi32, #tpu.memory_space<vmem>> -> memref<1x128xi32, #tpu.memory_space<vmem>>
        %dma_start3A_389 = tpu.memref_squeeze %dma_start3A_388 : memref<1x128xi32, #tpu.memory_space<vmem>> -> memref<128xi32, #tpu.memory_space<vmem>>
        %dma_start3A_390 = arith.constant 0 : i32
        %dma_start3A_391 = arith.constant 0 : i32
        %dma_start3A_392 = tpu.memref_slice %arg2[%dma_start3A_390, %dma_start3A_391] : memref<10240x16xf32, #tpu.memory_space<hbm>> -> memref<10240x16xf32, #tpu.memory_space<hbm>>
        tpu.enqueue_indirect_dma source(%dma_start3A_392 : memref<10240x16xf32, #tpu.memory_space<hbm>>) target(%dma_start3A_386 : memref<128x16xf32, #tpu.memory_space<vmem>>) offsets(%dma_start3A_389 : memref<128xi32, #tpu.memory_space<vmem>>) semaphore(%arg15 : memref<!tpu.dma_semaphore, #tpu.memory_space<semaphore_mem>>)
      } else {
      }
      %mul3A_344 = arith.constant 6 : i32
      %mul3A_345 = arith.muli %add3A_112, %mul3A_344 : i32
      %add3A_346 = arith.constant 4 : i32
      %add3A_347 = arith.addi %mul3A_345, %add3A_346 : i32
      %dma_wait3A_348 = arith.constant 4 : i32
      %dma_wait3A_349 = arith.constant 0 : i32
      %dma_wait3A_350 = arith.constant 0 : i32
      %dma_wait3A_351 = tpu.memref_slice %arg8[%dma_wait3A_348, %dma_wait3A_349, %dma_wait3A_350] : memref<6x128x16xf32, #tpu.memory_space<vmem>> -> memref<1x128x16xf32, #tpu.memory_space<vmem>>
      %dma_wait3A_352 = tpu.memref_squeeze %dma_wait3A_351 : memref<1x128x16xf32, #tpu.memory_space<vmem>> -> memref<128x16xf32, #tpu.memory_space<vmem>>
      %dma_wait3A_353 = arith.constant 0 : i32
      %dma_wait3A_354 = tpu.memref_slice %arg7[%add3A_347, %dma_wait3A_353] : memref<79x128xi32, #tpu.memory_space<vmem>> -> memref<1x128xi32, #tpu.memory_space<vmem>>
      %dma_wait3A_355 = tpu.memref_squeeze %dma_wait3A_354 : memref<1x128xi32, #tpu.memory_space<vmem>> -> memref<128xi32, #tpu.memory_space<vmem>>
      %dma_wait3A_356 = arith.constant 0 : i32
      %dma_wait3A_357 = arith.constant 0 : i32
      %dma_wait3A_358 = tpu.memref_slice %arg11[%dma_wait3A_356, %dma_wait3A_357] : memref<10240x16xf32, #tpu.memory_space<vmem_shared>> -> memref<10240x16xf32, #tpu.memory_space<vmem_shared>>
      tpu.wait_indirect_dma semaphore(%arg22 : memref<!tpu.dma_semaphore, #tpu.memory_space<semaphore_mem>>) src(%dma_wait3A_352 : memref<128x16xf32, #tpu.memory_space<vmem>>) dst(%dma_wait3A_358 : memref<10240x16xf32, #tpu.memory_space<vmem_shared>>)
      %convert_element_type3A_359 = arith.extui %lt3A_116 : i1 to i32
      %cond3A_360 = arith.constant 0 : i32
      %cond3A_361 = arith.cmpi ne, %convert_element_type3A_359, %cond3A_360 : i32
      scf.if %cond3A_361 {
        %add3A_380 = arith.constant 6 : i32
        %add3A_381 = arith.addi %add3A_347, %add3A_380 : i32
        %dma_start3A_382 = arith.constant 4 : i32
        %dma_start3A_383 = arith.constant 0 : i32
        %dma_start3A_384 = arith.constant 0 : i32
        %dma_start3A_385 = tpu.memref_slice %arg8[%dma_start3A_382, %dma_start3A_383, %dma_start3A_384] : memref<6x128x16xf32, #tpu.memory_space<vmem>> -> memref<1x128x16xf32, #tpu.memory_space<vmem>>
        %dma_start3A_386 = tpu.memref_squeeze %dma_start3A_385 : memref<1x128x16xf32, #tpu.memory_space<vmem>> -> memref<128x16xf32, #tpu.memory_space<vmem>>
        %dma_start3A_387 = arith.constant 0 : i32
        %dma_start3A_388 = tpu.memref_slice %arg6[%add3A_381, %dma_start3A_387] : memref<79x128xi32, #tpu.memory_space<vmem>> -> memref<1x128xi32, #tpu.memory_space<vmem>>
        %dma_start3A_389 = tpu.memref_squeeze %dma_start3A_388 : memref<1x128xi32, #tpu.memory_space<vmem>> -> memref<128xi32, #tpu.memory_space<vmem>>
        %dma_start3A_390 = arith.constant 0 : i32
        %dma_start3A_391 = arith.constant 0 : i32
        %dma_start3A_392 = tpu.memref_slice %arg2[%dma_start3A_390, %dma_start3A_391] : memref<10240x16xf32, #tpu.memory_space<hbm>> -> memref<10240x16xf32, #tpu.memory_space<hbm>>
        tpu.enqueue_indirect_dma source(%dma_start3A_392 : memref<10240x16xf32, #tpu.memory_space<hbm>>) target(%dma_start3A_386 : memref<128x16xf32, #tpu.memory_space<vmem>>) offsets(%dma_start3A_389 : memref<128xi32, #tpu.memory_space<vmem>>) semaphore(%arg16 : memref<!tpu.dma_semaphore, #tpu.memory_space<semaphore_mem>>)
      } else {
      }
      %mul3A_362 = arith.constant 6 : i32
      %mul3A_363 = arith.muli %add3A_112, %mul3A_362 : i32
      %add3A_364 = arith.constant 5 : i32
      %add3A_365 = arith.addi %mul3A_363, %add3A_364 : i32
      %dma_wait3A_366 = arith.constant 5 : i32
      %dma_wait3A_367 = arith.constant 0 : i32
      %dma_wait3A_368 = arith.constant 0 : i32
      %dma_wait3A_369 = tpu.memref_slice %arg8[%dma_wait3A_366, %dma_wait3A_367, %dma_wait3A_368] : memref<6x128x16xf32, #tpu.memory_space<vmem>> -> memref<1x128x16xf32, #tpu.memory_space<vmem>>
      %dma_wait3A_370 = tpu.memref_squeeze %dma_wait3A_369 : memref<1x128x16xf32, #tpu.memory_space<vmem>> -> memref<128x16xf32, #tpu.memory_space<vmem>>
      %dma_wait3A_371 = arith.constant 0 : i32
      %dma_wait3A_372 = tpu.memref_slice %arg7[%add3A_365, %dma_wait3A_371] : memref<79x128xi32, #tpu.memory_space<vmem>> -> memref<1x128xi32, #tpu.memory_space<vmem>>
      %dma_wait3A_373 = tpu.memref_squeeze %dma_wait3A_372 : memref<1x128xi32, #tpu.memory_space<vmem>> -> memref<128xi32, #tpu.memory_space<vmem>>
      %dma_wait3A_374 = arith.constant 0 : i32
      %dma_wait3A_375 = arith.constant 0 : i32
      %dma_wait3A_376 = tpu.memref_slice %arg11[%dma_wait3A_374, %dma_wait3A_375] : memref<10240x16xf32, #tpu.memory_space<vmem_shared>> -> memref<10240x16xf32, #tpu.memory_space<vmem_shared>>
      tpu.wait_indirect_dma semaphore(%arg23 : memref<!tpu.dma_semaphore, #tpu.memory_space<semaphore_mem>>) src(%dma_wait3A_370 : memref<128x16xf32, #tpu.memory_space<vmem>>) dst(%dma_wait3A_376 : memref<10240x16xf32, #tpu.memory_space<vmem_shared>>)
      %convert_element_type3A_377 = arith.extui %lt3A_116 : i1 to i32
      %cond3A_378 = arith.constant 0 : i32
      %cond3A_379 = arith.cmpi ne, %convert_element_type3A_377, %cond3A_378 : i32
      scf.if %cond3A_379 {
        %add3A_380 = arith.constant 6 : i32
        %add3A_381 = arith.addi %add3A_365, %add3A_380 : i32
        %dma_start3A_382 = arith.constant 5 : i32
        %dma_start3A_383 = arith.constant 0 : i32
        %dma_start3A_384 = arith.constant 0 : i32
        %dma_start3A_385 = tpu.memref_slice %arg8[%dma_start3A_382, %dma_start3A_383, %dma_start3A_384] : memref<6x128x16xf32, #tpu.memory_space<vmem>> -> memref<1x128x16xf32, #tpu.memory_space<vmem>>
        %dma_start3A_386 = tpu.memref_squeeze %dma_start3A_385 : memref<1x128x16xf32, #tpu.memory_space<vmem>> -> memref<128x16xf32, #tpu.memory_space<vmem>>
        %dma_start3A_387 = arith.constant 0 : i32
        %dma_start3A_388 = tpu.memref_slice %arg6[%add3A_381, %dma_start3A_387] : memref<79x128xi32, #tpu.memory_space<vmem>> -> memref<1x128xi32, #tpu.memory_space<vmem>>
        %dma_start3A_389 = tpu.memref_squeeze %dma_start3A_388 : memref<1x128xi32, #tpu.memory_space<vmem>> -> memref<128xi32, #tpu.memory_space<vmem>>
        %dma_start3A_390 = arith.constant 0 : i32
        %dma_start3A_391 = arith.constant 0 : i32
        %dma_start3A_392 = tpu.memref_slice %arg2[%dma_start3A_390, %dma_start3A_391] : memref<10240x16xf32, #tpu.memory_space<hbm>> -> memref<10240x16xf32, #tpu.memory_space<hbm>>
        tpu.enqueue_indirect_dma source(%dma_start3A_392 : memref<10240x16xf32, #tpu.memory_space<hbm>>) target(%dma_start3A_386 : memref<128x16xf32, #tpu.memory_space<vmem>>) offsets(%dma_start3A_389 : memref<128xi32, #tpu.memory_space<vmem>>) semaphore(%arg17 : memref<!tpu.dma_semaphore, #tpu.memory_space<semaphore_mem>>)
      } else {
      }
    }
    %scan3A_99 = arith.constant 13 : i32
    %convert_element_type3A_100 = arith.extui %lt3A_5 : i1 to i32
    %cond3A_101 = arith.constant 0 : i32
    %cond3A_102 = arith.cmpi ne, %convert_element_type3A_100, %cond3A_101 : i32
    scf.if %cond3A_102 {
      %dma_wait3A = arith.constant 78 : i32
      %dma_wait3A_108 = arith.constant 0 : i32
      %dma_wait3A_109 = tpu.memref_slice %arg7[%dma_wait3A, %dma_wait3A_108] : memref<79x128xi32, #tpu.memory_space<vmem>> -> memref<1x128xi32, #tpu.memory_space<vmem>>
      %dma_wait3A_110 = tpu.memref_squeeze %dma_wait3A_109 : memref<1x128xi32, #tpu.memory_space<vmem>> -> memref<128xi32, #tpu.memory_space<vmem>>
      %dma_wait3A_111 = arith.constant 0 : i32
      %dma_wait3A_112 = arith.constant 0 : i32
      %dma_wait3A_113 = tpu.memref_slice %arg11[%dma_wait3A_111, %dma_wait3A_112] : memref<10240x16xf32, #tpu.memory_space<vmem_shared>> -> memref<10240x16xf32, #tpu.memory_space<vmem_shared>>
      tpu.wait_indirect_dma semaphore(%arg24 : memref<!tpu.dma_semaphore, #tpu.memory_space<semaphore_mem>>) src(%arg9 : memref<128x16xf32, #tpu.memory_space<vmem>>) dst(%dma_wait3A_113 : memref<10240x16xf32, #tpu.memory_space<vmem_shared>>)
    } else {
    }
    %barrier3A_103 = arith.constant 0 : index
    tpu.barrier barrier_id(%barrier3A_103)
    %mul3A_104 = arith.constant 640 : i32
    %mul3A_105 = arith.muli %arg1, %mul3A_104 : i32
    %mul3A_106 = arith.constant 640 : i32
    %mul3A_107 = arith.muli %arg1, %mul3A_106 : i32
    "tpu.region"() ({
      %run_scoped3A = tpu.sem_alloc : memref<!tpu.dma_semaphore, #tpu.memory_space<semaphore_mem>>
      %dma_start3A_108 = arith.constant 0 : i32
      %dma_start3A_109 = tpu.memref_slice %arg5[%arg0, %mul3A_107, %dma_start3A_108] : memref<2x10240x16xf32, #tpu.memory_space<hbm>> -> memref<1x640x16xf32, #tpu.memory_space<hbm>>
      %dma_start3A_110 = tpu.memref_squeeze %dma_start3A_109 : memref<1x640x16xf32, #tpu.memory_space<hbm>> -> memref<640x16xf32, #tpu.memory_space<hbm>>
      %dma_start3A_111 = arith.constant 0 : i32
      %dma_start3A_112 = tpu.memref_slice %arg11[%mul3A_105, %dma_start3A_111] : memref<10240x16xf32, #tpu.memory_space<vmem_shared>> -> memref<640x16xf32, #tpu.memory_space<vmem_shared>>
      tpu.enqueue_dma source(%dma_start3A_112 : memref<640x16xf32, #tpu.memory_space<vmem_shared>>) target(%dma_start3A_110 : memref<640x16xf32, #tpu.memory_space<hbm>>) target_semaphore(%run_scoped3A : memref<!tpu.dma_semaphore, #tpu.memory_space<semaphore_mem>>)
      %dma_wait3A = arith.constant 0 : i32
      %dma_wait3A_113 = tpu.memref_slice %arg5[%arg0, %mul3A_107, %dma_wait3A] : memref<2x10240x16xf32, #tpu.memory_space<hbm>> -> memref<1x640x16xf32, #tpu.memory_space<hbm>>
      %dma_wait3A_114 = tpu.memref_squeeze %dma_wait3A_113 : memref<1x640x16xf32, #tpu.memory_space<hbm>> -> memref<640x16xf32, #tpu.memory_space<hbm>>
      %dma_wait3A_115 = arith.constant 0 : i32
      %dma_wait3A_116 = tpu.memref_slice %arg11[%mul3A_105, %dma_wait3A_115] : memref<10240x16xf32, #tpu.memory_space<vmem_shared>> -> memref<640x16xf32, #tpu.memory_space<vmem_shared>>
      tpu.wait_dma2 semaphore(%run_scoped3A : memref<!tpu.dma_semaphore, #tpu.memory_space<semaphore_mem>>) src(%dma_wait3A_116 : memref<640x16xf32, #tpu.memory_space<vmem_shared>>) dst(%dma_wait3A_114 : memref<640x16xf32, #tpu.memory_space<hbm>>)
      tpu.yield
    }) : () -> ()
    return
  }
}

#map = affine_map<(d0, d1) -> (0, 0)>
#map1 = affine_map<(d0, d1) -> (0, 0, 0)>
module attributes {stable_mosaic.version = 14 : i64} {
  func.func @_deg_body(%arg0: i32, %arg1: i32, %arg2: memref<2500x128xi32, #tpu.memory_space<hbm>>, %arg3: memref<128x16xf32, #tpu.memory_space<hbm>>, %arg4: memref<2x10240x16xf32, #tpu.memory_space<hbm>>, %arg5: memref<79x128xi32, #tpu.memory_space<vmem>>, %arg6: memref<128x16xf32, #tpu.memory_space<vmem>>, %arg7: memref<640x16xf32, #tpu.memory_space<vmem>>, %arg8: memref<10240x16xf32, #tpu.memory_space<vmem_shared>>, %arg9: memref<!tpu.dma_semaphore, #tpu.memory_space<semaphore_mem>>) attributes {dimension_semantics = [#tpu.dimension_semantics<core_parallel>, #tpu.dimension_semantics<subcore_parallel>], iteration_bounds = array<i64: 2, 16>, scalar_prefetch = 0 : i64, scratch_operands = 5 : i64, tpu.core_type = #tpu.core_type<sc_vector_subcore>, window_params = [{transform_indices = #map}, {transform_indices = #map}, {transform_indices = #map1}]} {
    %mul3A = arith.constant 16 : i32
    %mul3A_0 = arith.muli %arg0, %mul3A : i32
    %add3A = arith.addi %mul3A_0, %arg1 : i32
    %mul3A_1 = arith.constant 78 : i32
    %mul3A_2 = arith.muli %add3A, %mul3A_1 : i32
    %min3A = arith.constant 4 : i32
    %min3A_3 = arith.minsi %add3A, %min3A : i32
    %add3A_4 = arith.addi %mul3A_2, %min3A_3 : i32
    %lt3A = arith.constant 4 : i32
    %lt3A_5 = arith.cmpi slt, %add3A, %lt3A : i32
    %convert_element_type3A = arith.extui %lt3A_5 : i1 to i32
    %cond3A = arith.constant 0 : i32
    %cond3A_6 = arith.cmpi ne, %convert_element_type3A, %cond3A : i32
    scf.if %cond3A_6 {
      "tpu.region"() ({
        %run_scoped3A = tpu.sem_alloc : memref<!tpu.dma_semaphore, #tpu.memory_space<semaphore_mem>>
        %dma_start3A = arith.constant 0 : i32
        %dma_start3A_33 = tpu.memref_slice %arg2[%add3A_4, %dma_start3A] : memref<2500x128xi32, #tpu.memory_space<hbm>> -> memref<79x128xi32, #tpu.memory_space<hbm>>
        %dma_start3A_34 = arith.constant 0 : i32
        %dma_start3A_35 = tpu.memref_slice %arg2[%add3A_4, %dma_start3A_34] : memref<2500x128xi32, #tpu.memory_space<hbm>> -> memref<79x128xi32, #tpu.memory_space<hbm>>
        tpu.enqueue_dma source(%dma_start3A_35 : memref<79x128xi32, #tpu.memory_space<hbm>>) target(%arg5 : memref<79x128xi32, #tpu.memory_space<vmem>>) target_semaphore(%run_scoped3A : memref<!tpu.dma_semaphore, #tpu.memory_space<semaphore_mem>>)
        %dma_wait3A = arith.constant 0 : i32
        %dma_wait3A_36 = tpu.memref_slice %arg2[%add3A_4, %dma_wait3A] : memref<2500x128xi32, #tpu.memory_space<hbm>> -> memref<79x128xi32, #tpu.memory_space<hbm>>
        %dma_wait3A_37 = arith.constant 0 : i32
        %dma_wait3A_38 = tpu.memref_slice %arg2[%add3A_4, %dma_wait3A_37] : memref<2500x128xi32, #tpu.memory_space<hbm>> -> memref<79x128xi32, #tpu.memory_space<hbm>>
        tpu.wait_dma2 semaphore(%run_scoped3A : memref<!tpu.dma_semaphore, #tpu.memory_space<semaphore_mem>>) src(%dma_wait3A_38 : memref<79x128xi32, #tpu.memory_space<hbm>>) dst(%arg5 : memref<79x128xi32, #tpu.memory_space<vmem>>)
        tpu.yield
      }) : () -> ()
    } else {
    }
    %ge3A = arith.constant 4 : i32
    %ge3A_7 = arith.cmpi sge, %add3A, %ge3A : i32
    %convert_element_type3A_8 = arith.extui %ge3A_7 : i1 to i32
    %cond3A_9 = arith.constant 0 : i32
    %cond3A_10 = arith.cmpi ne, %convert_element_type3A_8, %cond3A_9 : i32
    scf.if %cond3A_10 {
      "tpu.region"() ({
        %run_scoped3A = tpu.sem_alloc : memref<!tpu.dma_semaphore, #tpu.memory_space<semaphore_mem>>
        %dma_start3A = arith.constant 0 : i32
        %dma_start3A_33 = arith.constant 0 : i32
        %dma_start3A_34 = tpu.memref_slice %arg5[%dma_start3A, %dma_start3A_33] : memref<79x128xi32, #tpu.memory_space<vmem>> -> memref<78x128xi32, #tpu.memory_space<vmem>>
        %dma_start3A_35 = arith.constant 0 : i32
        %dma_start3A_36 = tpu.memref_slice %arg2[%add3A_4, %dma_start3A_35] : memref<2500x128xi32, #tpu.memory_space<hbm>> -> memref<78x128xi32, #tpu.memory_space<hbm>>
        %dma_start3A_37 = arith.constant 0 : i32
        %dma_start3A_38 = arith.constant 0 : i32
        %dma_start3A_39 = tpu.memref_slice %arg5[%dma_start3A_37, %dma_start3A_38] : memref<79x128xi32, #tpu.memory_space<vmem>> -> memref<78x128xi32, #tpu.memory_space<vmem>>
        %dma_start3A_40 = arith.constant 0 : i32
        %dma_start3A_41 = tpu.memref_slice %arg2[%add3A_4, %dma_start3A_40] : memref<2500x128xi32, #tpu.memory_space<hbm>> -> memref<78x128xi32, #tpu.memory_space<hbm>>
        tpu.enqueue_dma source(%dma_start3A_41 : memref<78x128xi32, #tpu.memory_space<hbm>>) target(%dma_start3A_39 : memref<78x128xi32, #tpu.memory_space<vmem>>) target_semaphore(%run_scoped3A : memref<!tpu.dma_semaphore, #tpu.memory_space<semaphore_mem>>)
        %dma_wait3A = arith.constant 0 : i32
        %dma_wait3A_42 = arith.constant 0 : i32
        %dma_wait3A_43 = tpu.memref_slice %arg5[%dma_wait3A, %dma_wait3A_42] : memref<79x128xi32, #tpu.memory_space<vmem>> -> memref<78x128xi32, #tpu.memory_space<vmem>>
        %dma_wait3A_44 = arith.constant 0 : i32
        %dma_wait3A_45 = tpu.memref_slice %arg2[%add3A_4, %dma_wait3A_44] : memref<2500x128xi32, #tpu.memory_space<hbm>> -> memref<78x128xi32, #tpu.memory_space<hbm>>
        %dma_wait3A_46 = arith.constant 0 : i32
        %dma_wait3A_47 = arith.constant 0 : i32
        %dma_wait3A_48 = tpu.memref_slice %arg5[%dma_wait3A_46, %dma_wait3A_47] : memref<79x128xi32, #tpu.memory_space<vmem>> -> memref<78x128xi32, #tpu.memory_space<vmem>>
        %dma_wait3A_49 = arith.constant 0 : i32
        %dma_wait3A_50 = tpu.memref_slice %arg2[%add3A_4, %dma_wait3A_49] : memref<2500x128xi32, #tpu.memory_space<hbm>> -> memref<78x128xi32, #tpu.memory_space<hbm>>
        tpu.wait_dma2 semaphore(%run_scoped3A : memref<!tpu.dma_semaphore, #tpu.memory_space<semaphore_mem>>) src(%dma_wait3A_50 : memref<78x128xi32, #tpu.memory_space<hbm>>) dst(%dma_wait3A_48 : memref<78x128xi32, #tpu.memory_space<vmem>>)
        tpu.yield
      }) : () -> ()
    } else {
    }
    "tpu.region"() ({
      %run_scoped3A = tpu.sem_alloc : memref<!tpu.dma_semaphore, #tpu.memory_space<semaphore_mem>>
      tpu.enqueue_dma source(%arg3 : memref<128x16xf32, #tpu.memory_space<hbm>>) target(%arg6 : memref<128x16xf32, #tpu.memory_space<vmem>>) target_semaphore(%run_scoped3A : memref<!tpu.dma_semaphore, #tpu.memory_space<semaphore_mem>>)
      tpu.wait_dma2 semaphore(%run_scoped3A : memref<!tpu.dma_semaphore, #tpu.memory_space<semaphore_mem>>) src(%arg3 : memref<128x16xf32, #tpu.memory_space<hbm>>) dst(%arg6 : memref<128x16xf32, #tpu.memory_space<vmem>>)
      tpu.yield
    }) : () -> ()
    %broadcast_in_dim3A = arith.constant 0.000000e+00 : f32
    %broadcast_in_dim3A_11 = vector.broadcast %broadcast_in_dim3A : f32 to vector<16xf32>
    %scan3A = arith.constant 0 : i32
    %scan3A_12 = arith.constant 640 : i32
    %scan3A_13 = arith.addi %scan3A, %scan3A_12 : i32
    %scan3A_14 = arith.constant 1 : i32
    scf.for %scan3A_33 = %scan3A to %scan3A_13 step %scan3A_14  : i32 {
      %mul3A_34 = arith.constant 1 : i32
      %mul3A_35 = arith.muli %scan3A_33, %mul3A_34 : i32
      %add3A_36 = arith.constant 0 : i32
      %add3A_37 = arith.addi %add3A_36, %mul3A_35 : i32
      %swap3A = arith.index_cast %add3A_37 : i32 to index
      %swap3A_38 = arith.constant 0 : index
      %swap3A_39 = tpu.vector_load %arg7[%swap3A, %swap3A_38] {strides = array<i32>} : memref<640x16xf32, #tpu.memory_space<vmem>>, vector<1x16xf32>,
      %swap3A_40 = vector.shape_cast %swap3A_39 : vector<1x16xf32> to vector<16xf32>
      %swap3A_41 = vector.shape_cast %broadcast_in_dim3A_11 : vector<16xf32> to vector<1x16xf32>
      tpu.vector_store %arg7[%swap3A, %swap3A_38], %swap3A_41 {strides = array<i32>} : memref<640x16xf32, #tpu.memory_space<vmem>>, vector<1x16xf32>,
    }
    %scan3A_15 = arith.constant 640 : i32
    %mul3A_16 = arith.constant 640 : i32
    %mul3A_17 = arith.muli %arg1, %mul3A_16 : i32
    "tpu.region"() ({
      %run_scoped3A = tpu.sem_alloc : memref<!tpu.dma_semaphore, #tpu.memory_space<semaphore_mem>>
      %dma_start3A = arith.constant 0 : i32
      %dma_start3A_33 = tpu.memref_slice %arg8[%mul3A_17, %dma_start3A] : memref<10240x16xf32, #tpu.memory_space<vmem_shared>> -> memref<640x16xf32, #tpu.memory_space<vmem_shared>>
      %dma_start3A_34 = arith.constant 0 : i32
      %dma_start3A_35 = tpu.memref_slice %arg8[%mul3A_17, %dma_start3A_34] : memref<10240x16xf32, #tpu.memory_space<vmem_shared>> -> memref<640x16xf32, #tpu.memory_space<vmem_shared>>
      tpu.enqueue_dma source(%arg7 : memref<640x16xf32, #tpu.memory_space<vmem>>) target(%dma_start3A_35 : memref<640x16xf32, #tpu.memory_space<vmem_shared>>) target_semaphore(%run_scoped3A : memref<!tpu.dma_semaphore, #tpu.memory_space<semaphore_mem>>)
      %dma_wait3A = arith.constant 0 : i32
      %dma_wait3A_36 = tpu.memref_slice %arg8[%mul3A_17, %dma_wait3A] : memref<10240x16xf32, #tpu.memory_space<vmem_shared>> -> memref<640x16xf32, #tpu.memory_space<vmem_shared>>
      %dma_wait3A_37 = arith.constant 0 : i32
      %dma_wait3A_38 = tpu.memref_slice %arg8[%mul3A_17, %dma_wait3A_37] : memref<10240x16xf32, #tpu.memory_space<vmem_shared>> -> memref<640x16xf32, #tpu.memory_space<vmem_shared>>
      tpu.wait_dma2 semaphore(%run_scoped3A : memref<!tpu.dma_semaphore, #tpu.memory_space<semaphore_mem>>) src(%arg7 : memref<640x16xf32, #tpu.memory_space<vmem>>) dst(%dma_wait3A_38 : memref<640x16xf32, #tpu.memory_space<vmem_shared>>)
      tpu.yield
    }) : () -> ()
    %barrier3A = arith.constant 0 : index
    tpu.barrier barrier_id(%barrier3A)
    %scan3A_18 = arith.constant 0 : i32
    %scan3A_19 = arith.constant 13 : i32
    %scan3A_20 = arith.addi %scan3A_18, %scan3A_19 : i32
    %scan3A_21 = arith.constant 1 : i32
    scf.for %scan3A_33 = %scan3A_18 to %scan3A_20 step %scan3A_21  : i32 {
      %mul3A_34 = arith.constant 1 : i32
      %mul3A_35 = arith.muli %scan3A_33, %mul3A_34 : i32
      %add3A_36 = arith.constant 0 : i32
      %add3A_37 = arith.addi %add3A_36, %mul3A_35 : i32
      %mul3A_38 = arith.constant 6 : i32
      %mul3A_39 = arith.muli %add3A_37, %mul3A_38 : i32
      %add3A_40 = arith.constant 0 : i32
      %add3A_41 = arith.addi %mul3A_39, %add3A_40 : i32
      %dma_start3A = arith.constant 0 : i32
      %dma_start3A_42 = tpu.memref_slice %arg5[%add3A_41, %dma_start3A] : memref<79x128xi32, #tpu.memory_space<vmem>> -> memref<1x128xi32, #tpu.memory_space<vmem>>
      %dma_start3A_43 = tpu.memref_squeeze %dma_start3A_42 : memref<1x128xi32, #tpu.memory_space<vmem>> -> memref<128xi32, #tpu.memory_space<vmem>>
      %dma_start3A_44 = arith.constant 0 : i32
      %dma_start3A_45 = arith.constant 0 : i32
      %dma_start3A_46 = tpu.memref_slice %arg8[%dma_start3A_44, %dma_start3A_45] : memref<10240x16xf32, #tpu.memory_space<vmem_shared>> -> memref<10240x16xf32, #tpu.memory_space<vmem_shared>>
      tpu.enqueue_indirect_dma source(%arg6 : memref<128x16xf32, #tpu.memory_space<vmem>>) target(%dma_start3A_46 : memref<10240x16xf32, #tpu.memory_space<vmem_shared>>) offsets(%dma_start3A_43 : memref<128xi32, #tpu.memory_space<vmem>>) semaphore(%arg9 : memref<!tpu.dma_semaphore, #tpu.memory_space<semaphore_mem>>) {add = true}
      %mul3A_47 = arith.constant 6 : i32
      %mul3A_48 = arith.muli %add3A_37, %mul3A_47 : i32
      %add3A_49 = arith.constant 1 : i32
      %add3A_50 = arith.addi %mul3A_48, %add3A_49 : i32
      %dma_start3A_51 = arith.constant 0 : i32
      %dma_start3A_52 = tpu.memref_slice %arg5[%add3A_50, %dma_start3A_51] : memref<79x128xi32, #tpu.memory_space<vmem>> -> memref<1x128xi32, #tpu.memory_space<vmem>>
      %dma_start3A_53 = tpu.memref_squeeze %dma_start3A_52 : memref<1x128xi32, #tpu.memory_space<vmem>> -> memref<128xi32, #tpu.memory_space<vmem>>
      %dma_start3A_54 = arith.constant 0 : i32
      %dma_start3A_55 = arith.constant 0 : i32
      %dma_start3A_56 = tpu.memref_slice %arg8[%dma_start3A_54, %dma_start3A_55] : memref<10240x16xf32, #tpu.memory_space<vmem_shared>> -> memref<10240x16xf32, #tpu.memory_space<vmem_shared>>
      tpu.enqueue_indirect_dma source(%arg6 : memref<128x16xf32, #tpu.memory_space<vmem>>) target(%dma_start3A_56 : memref<10240x16xf32, #tpu.memory_space<vmem_shared>>) offsets(%dma_start3A_53 : memref<128xi32, #tpu.memory_space<vmem>>) semaphore(%arg9 : memref<!tpu.dma_semaphore, #tpu.memory_space<semaphore_mem>>) {add = true}
      %mul3A_57 = arith.constant 6 : i32
      %mul3A_58 = arith.muli %add3A_37, %mul3A_57 : i32
      %add3A_59 = arith.constant 2 : i32
      %add3A_60 = arith.addi %mul3A_58, %add3A_59 : i32
      %dma_start3A_61 = arith.constant 0 : i32
      %dma_start3A_62 = tpu.memref_slice %arg5[%add3A_60, %dma_start3A_61] : memref<79x128xi32, #tpu.memory_space<vmem>> -> memref<1x128xi32, #tpu.memory_space<vmem>>
      %dma_start3A_63 = tpu.memref_squeeze %dma_start3A_62 : memref<1x128xi32, #tpu.memory_space<vmem>> -> memref<128xi32, #tpu.memory_space<vmem>>
      %dma_start3A_64 = arith.constant 0 : i32
      %dma_start3A_65 = arith.constant 0 : i32
      %dma_start3A_66 = tpu.memref_slice %arg8[%dma_start3A_64, %dma_start3A_65] : memref<10240x16xf32, #tpu.memory_space<vmem_shared>> -> memref<10240x16xf32, #tpu.memory_space<vmem_shared>>
      tpu.enqueue_indirect_dma source(%arg6 : memref<128x16xf32, #tpu.memory_space<vmem>>) target(%dma_start3A_66 : memref<10240x16xf32, #tpu.memory_space<vmem_shared>>) offsets(%dma_start3A_63 : memref<128xi32, #tpu.memory_space<vmem>>) semaphore(%arg9 : memref<!tpu.dma_semaphore, #tpu.memory_space<semaphore_mem>>) {add = true}
      %mul3A_67 = arith.constant 6 : i32
      %mul3A_68 = arith.muli %add3A_37, %mul3A_67 : i32
      %add3A_69 = arith.constant 3 : i32
      %add3A_70 = arith.addi %mul3A_68, %add3A_69 : i32
      %dma_start3A_71 = arith.constant 0 : i32
      %dma_start3A_72 = tpu.memref_slice %arg5[%add3A_70, %dma_start3A_71] : memref<79x128xi32, #tpu.memory_space<vmem>> -> memref<1x128xi32, #tpu.memory_space<vmem>>
      %dma_start3A_73 = tpu.memref_squeeze %dma_start3A_72 : memref<1x128xi32, #tpu.memory_space<vmem>> -> memref<128xi32, #tpu.memory_space<vmem>>
      %dma_start3A_74 = arith.constant 0 : i32
      %dma_start3A_75 = arith.constant 0 : i32
      %dma_start3A_76 = tpu.memref_slice %arg8[%dma_start3A_74, %dma_start3A_75] : memref<10240x16xf32, #tpu.memory_space<vmem_shared>> -> memref<10240x16xf32, #tpu.memory_space<vmem_shared>>
      tpu.enqueue_indirect_dma source(%arg6 : memref<128x16xf32, #tpu.memory_space<vmem>>) target(%dma_start3A_76 : memref<10240x16xf32, #tpu.memory_space<vmem_shared>>) offsets(%dma_start3A_73 : memref<128xi32, #tpu.memory_space<vmem>>) semaphore(%arg9 : memref<!tpu.dma_semaphore, #tpu.memory_space<semaphore_mem>>) {add = true}
      %mul3A_77 = arith.constant 6 : i32
      %mul3A_78 = arith.muli %add3A_37, %mul3A_77 : i32
      %add3A_79 = arith.constant 4 : i32
      %add3A_80 = arith.addi %mul3A_78, %add3A_79 : i32
      %dma_start3A_81 = arith.constant 0 : i32
      %dma_start3A_82 = tpu.memref_slice %arg5[%add3A_80, %dma_start3A_81] : memref<79x128xi32, #tpu.memory_space<vmem>> -> memref<1x128xi32, #tpu.memory_space<vmem>>
      %dma_start3A_83 = tpu.memref_squeeze %dma_start3A_82 : memref<1x128xi32, #tpu.memory_space<vmem>> -> memref<128xi32, #tpu.memory_space<vmem>>
      %dma_start3A_84 = arith.constant 0 : i32
      %dma_start3A_85 = arith.constant 0 : i32
      %dma_start3A_86 = tpu.memref_slice %arg8[%dma_start3A_84, %dma_start3A_85] : memref<10240x16xf32, #tpu.memory_space<vmem_shared>> -> memref<10240x16xf32, #tpu.memory_space<vmem_shared>>
      tpu.enqueue_indirect_dma source(%arg6 : memref<128x16xf32, #tpu.memory_space<vmem>>) target(%dma_start3A_86 : memref<10240x16xf32, #tpu.memory_space<vmem_shared>>) offsets(%dma_start3A_83 : memref<128xi32, #tpu.memory_space<vmem>>) semaphore(%arg9 : memref<!tpu.dma_semaphore, #tpu.memory_space<semaphore_mem>>) {add = true}
      %mul3A_87 = arith.constant 6 : i32
      %mul3A_88 = arith.muli %add3A_37, %mul3A_87 : i32
      %add3A_89 = arith.constant 5 : i32
      %add3A_90 = arith.addi %mul3A_88, %add3A_89 : i32
      %dma_start3A_91 = arith.constant 0 : i32
      %dma_start3A_92 = tpu.memref_slice %arg5[%add3A_90, %dma_start3A_91] : memref<79x128xi32, #tpu.memory_space<vmem>> -> memref<1x128xi32, #tpu.memory_space<vmem>>
      %dma_start3A_93 = tpu.memref_squeeze %dma_start3A_92 : memref<1x128xi32, #tpu.memory_space<vmem>> -> memref<128xi32, #tpu.memory_space<vmem>>
      %dma_start3A_94 = arith.constant 0 : i32
      %dma_start3A_95 = arith.constant 0 : i32
      %dma_start3A_96 = tpu.memref_slice %arg8[%dma_start3A_94, %dma_start3A_95] : memref<10240x16xf32, #tpu.memory_space<vmem_shared>> -> memref<10240x16xf32, #tpu.memory_space<vmem_shared>>
      tpu.enqueue_indirect_dma source(%arg6 : memref<128x16xf32, #tpu.memory_space<vmem>>) target(%dma_start3A_96 : memref<10240x16xf32, #tpu.memory_space<vmem_shared>>) offsets(%dma_start3A_93 : memref<128xi32, #tpu.memory_space<vmem>>) semaphore(%arg9 : memref<!tpu.dma_semaphore, #tpu.memory_space<semaphore_mem>>) {add = true}
      %mul3A_97 = arith.constant 6 : i32
      %mul3A_98 = arith.muli %add3A_37, %mul3A_97 : i32
      %add3A_99 = arith.constant 0 : i32
      %add3A_100 = arith.addi %mul3A_98, %add3A_99 : i32
      %dma_wait3A = arith.constant 0 : i32
      %dma_wait3A_101 = tpu.memref_slice %arg5[%add3A_100, %dma_wait3A] : memref<79x128xi32, #tpu.memory_space<vmem>> -> memref<1x128xi32, #tpu.memory_space<vmem>>
      %dma_wait3A_102 = tpu.memref_squeeze %dma_wait3A_101 : memref<1x128xi32, #tpu.memory_space<vmem>> -> memref<128xi32, #tpu.memory_space<vmem>>
      %dma_wait3A_103 = arith.constant 0 : i32
      %dma_wait3A_104 = arith.constant 0 : i32
      %dma_wait3A_105 = tpu.memref_slice %arg8[%dma_wait3A_103, %dma_wait3A_104] : memref<10240x16xf32, #tpu.memory_space<vmem_shared>> -> memref<10240x16xf32, #tpu.memory_space<vmem_shared>>
      tpu.wait_indirect_dma semaphore(%arg9 : memref<!tpu.dma_semaphore, #tpu.memory_space<semaphore_mem>>) src(%arg6 : memref<128x16xf32, #tpu.memory_space<vmem>>) dst(%dma_wait3A_105 : memref<10240x16xf32, #tpu.memory_space<vmem_shared>>)
      %mul3A_106 = arith.constant 6 : i32
      %mul3A_107 = arith.muli %add3A_37, %mul3A_106 : i32
      %add3A_108 = arith.constant 1 : i32
      %add3A_109 = arith.addi %mul3A_107, %add3A_108 : i32
      %dma_wait3A_110 = arith.constant 0 : i32
      %dma_wait3A_111 = tpu.memref_slice %arg5[%add3A_109, %dma_wait3A_110] : memref<79x128xi32, #tpu.memory_space<vmem>> -> memref<1x128xi32, #tpu.memory_space<vmem>>
      %dma_wait3A_112 = tpu.memref_squeeze %dma_wait3A_111 : memref<1x128xi32, #tpu.memory_space<vmem>> -> memref<128xi32, #tpu.memory_space<vmem>>
      %dma_wait3A_113 = arith.constant 0 : i32
      %dma_wait3A_114 = arith.constant 0 : i32
      %dma_wait3A_115 = tpu.memref_slice %arg8[%dma_wait3A_113, %dma_wait3A_114] : memref<10240x16xf32, #tpu.memory_space<vmem_shared>> -> memref<10240x16xf32, #tpu.memory_space<vmem_shared>>
      tpu.wait_indirect_dma semaphore(%arg9 : memref<!tpu.dma_semaphore, #tpu.memory_space<semaphore_mem>>) src(%arg6 : memref<128x16xf32, #tpu.memory_space<vmem>>) dst(%dma_wait3A_115 : memref<10240x16xf32, #tpu.memory_space<vmem_shared>>)
      %mul3A_116 = arith.constant 6 : i32
      %mul3A_117 = arith.muli %add3A_37, %mul3A_116 : i32
      %add3A_118 = arith.constant 2 : i32
      %add3A_119 = arith.addi %mul3A_117, %add3A_118 : i32
      %dma_wait3A_120 = arith.constant 0 : i32
      %dma_wait3A_121 = tpu.memref_slice %arg5[%add3A_119, %dma_wait3A_120] : memref<79x128xi32, #tpu.memory_space<vmem>> -> memref<1x128xi32, #tpu.memory_space<vmem>>
      %dma_wait3A_122 = tpu.memref_squeeze %dma_wait3A_121 : memref<1x128xi32, #tpu.memory_space<vmem>> -> memref<128xi32, #tpu.memory_space<vmem>>
      %dma_wait3A_123 = arith.constant 0 : i32
      %dma_wait3A_124 = arith.constant 0 : i32
      %dma_wait3A_125 = tpu.memref_slice %arg8[%dma_wait3A_123, %dma_wait3A_124] : memref<10240x16xf32, #tpu.memory_space<vmem_shared>> -> memref<10240x16xf32, #tpu.memory_space<vmem_shared>>
      tpu.wait_indirect_dma semaphore(%arg9 : memref<!tpu.dma_semaphore, #tpu.memory_space<semaphore_mem>>) src(%arg6 : memref<128x16xf32, #tpu.memory_space<vmem>>) dst(%dma_wait3A_125 : memref<10240x16xf32, #tpu.memory_space<vmem_shared>>)
      %mul3A_126 = arith.constant 6 : i32
      %mul3A_127 = arith.muli %add3A_37, %mul3A_126 : i32
      %add3A_128 = arith.constant 3 : i32
      %add3A_129 = arith.addi %mul3A_127, %add3A_128 : i32
      %dma_wait3A_130 = arith.constant 0 : i32
      %dma_wait3A_131 = tpu.memref_slice %arg5[%add3A_129, %dma_wait3A_130] : memref<79x128xi32, #tpu.memory_space<vmem>> -> memref<1x128xi32, #tpu.memory_space<vmem>>
      %dma_wait3A_132 = tpu.memref_squeeze %dma_wait3A_131 : memref<1x128xi32, #tpu.memory_space<vmem>> -> memref<128xi32, #tpu.memory_space<vmem>>
      %dma_wait3A_133 = arith.constant 0 : i32
      %dma_wait3A_134 = arith.constant 0 : i32
      %dma_wait3A_135 = tpu.memref_slice %arg8[%dma_wait3A_133, %dma_wait3A_134] : memref<10240x16xf32, #tpu.memory_space<vmem_shared>> -> memref<10240x16xf32, #tpu.memory_space<vmem_shared>>
      tpu.wait_indirect_dma semaphore(%arg9 : memref<!tpu.dma_semaphore, #tpu.memory_space<semaphore_mem>>) src(%arg6 : memref<128x16xf32, #tpu.memory_space<vmem>>) dst(%dma_wait3A_135 : memref<10240x16xf32, #tpu.memory_space<vmem_shared>>)
      %mul3A_136 = arith.constant 6 : i32
      %mul3A_137 = arith.muli %add3A_37, %mul3A_136 : i32
      %add3A_138 = arith.constant 4 : i32
      %add3A_139 = arith.addi %mul3A_137, %add3A_138 : i32
      %dma_wait3A_140 = arith.constant 0 : i32
      %dma_wait3A_141 = tpu.memref_slice %arg5[%add3A_139, %dma_wait3A_140] : memref<79x128xi32, #tpu.memory_space<vmem>> -> memref<1x128xi32, #tpu.memory_space<vmem>>
      %dma_wait3A_142 = tpu.memref_squeeze %dma_wait3A_141 : memref<1x128xi32, #tpu.memory_space<vmem>> -> memref<128xi32, #tpu.memory_space<vmem>>
      %dma_wait3A_143 = arith.constant 0 : i32
      %dma_wait3A_144 = arith.constant 0 : i32
      %dma_wait3A_145 = tpu.memref_slice %arg8[%dma_wait3A_143, %dma_wait3A_144] : memref<10240x16xf32, #tpu.memory_space<vmem_shared>> -> memref<10240x16xf32, #tpu.memory_space<vmem_shared>>
      tpu.wait_indirect_dma semaphore(%arg9 : memref<!tpu.dma_semaphore, #tpu.memory_space<semaphore_mem>>) src(%arg6 : memref<128x16xf32, #tpu.memory_space<vmem>>) dst(%dma_wait3A_145 : memref<10240x16xf32, #tpu.memory_space<vmem_shared>>)
      %mul3A_146 = arith.constant 6 : i32
      %mul3A_147 = arith.muli %add3A_37, %mul3A_146 : i32
      %add3A_148 = arith.constant 5 : i32
      %add3A_149 = arith.addi %mul3A_147, %add3A_148 : i32
      %dma_wait3A_150 = arith.constant 0 : i32
      %dma_wait3A_151 = tpu.memref_slice %arg5[%add3A_149, %dma_wait3A_150] : memref<79x128xi32, #tpu.memory_space<vmem>> -> memref<1x128xi32, #tpu.memory_space<vmem>>
      %dma_wait3A_152 = tpu.memref_squeeze %dma_wait3A_151 : memref<1x128xi32, #tpu.memory_space<vmem>> -> memref<128xi32, #tpu.memory_space<vmem>>
      %dma_wait3A_153 = arith.constant 0 : i32
      %dma_wait3A_154 = arith.constant 0 : i32
      %dma_wait3A_155 = tpu.memref_slice %arg8[%dma_wait3A_153, %dma_wait3A_154] : memref<10240x16xf32, #tpu.memory_space<vmem_shared>> -> memref<10240x16xf32, #tpu.memory_space<vmem_shared>>
      tpu.wait_indirect_dma semaphore(%arg9 : memref<!tpu.dma_semaphore, #tpu.memory_space<semaphore_mem>>) src(%arg6 : memref<128x16xf32, #tpu.memory_space<vmem>>) dst(%dma_wait3A_155 : memref<10240x16xf32, #tpu.memory_space<vmem_shared>>)
    }
    %scan3A_22 = arith.constant 13 : i32
    %lt3A_23 = arith.constant 4 : i32
    %lt3A_24 = arith.cmpi slt, %add3A, %lt3A_23 : i32
    %convert_element_type3A_25 = arith.extui %lt3A_24 : i1 to i32
    %cond3A_26 = arith.constant 0 : i32
    %cond3A_27 = arith.cmpi ne, %convert_element_type3A_25, %cond3A_26 : i32
    scf.if %cond3A_27 {
      %run_scoped3A = arith.constant 78 : i32
      "tpu.region"() ({
        %run_scoped3A_33 = tpu.sem_alloc : memref<!tpu.dma_semaphore, #tpu.memory_space<semaphore_mem>>
        %dma_start3A = arith.constant 0 : i32
        %dma_start3A_34 = tpu.memref_slice %arg5[%run_scoped3A, %dma_start3A] : memref<79x128xi32, #tpu.memory_space<vmem>> -> memref<1x128xi32, #tpu.memory_space<vmem>>
        %dma_start3A_35 = tpu.memref_squeeze %dma_start3A_34 : memref<1x128xi32, #tpu.memory_space<vmem>> -> memref<128xi32, #tpu.memory_space<vmem>>
        %dma_start3A_36 = arith.constant 0 : i32
        %dma_start3A_37 = arith.constant 0 : i32
        %dma_start3A_38 = tpu.memref_slice %arg8[%dma_start3A_36, %dma_start3A_37] : memref<10240x16xf32, #tpu.memory_space<vmem_shared>> -> memref<10240x16xf32, #tpu.memory_space<vmem_shared>>
        tpu.enqueue_indirect_dma source(%arg6 : memref<128x16xf32, #tpu.memory_space<vmem>>) target(%dma_start3A_38 : memref<10240x16xf32, #tpu.memory_space<vmem_shared>>) offsets(%dma_start3A_35 : memref<128xi32, #tpu.memory_space<vmem>>) semaphore(%run_scoped3A_33 : memref<!tpu.dma_semaphore, #tpu.memory_space<semaphore_mem>>) {add = true}
        %dma_wait3A = arith.constant 0 : i32
        %dma_wait3A_39 = tpu.memref_slice %arg5[%run_scoped3A, %dma_wait3A] : memref<79x128xi32, #tpu.memory_space<vmem>> -> memref<1x128xi32, #tpu.memory_space<vmem>>
        %dma_wait3A_40 = tpu.memref_squeeze %dma_wait3A_39 : memref<1x128xi32, #tpu.memory_space<vmem>> -> memref<128xi32, #tpu.memory_space<vmem>>
        %dma_wait3A_41 = arith.constant 0 : i32
        %dma_wait3A_42 = arith.constant 0 : i32
        %dma_wait3A_43 = tpu.memref_slice %arg8[%dma_wait3A_41, %dma_wait3A_42] : memref<10240x16xf32, #tpu.memory_space<vmem_shared>> -> memref<10240x16xf32, #tpu.memory_space<vmem_shared>>
        tpu.wait_indirect_dma semaphore(%run_scoped3A_33 : memref<!tpu.dma_semaphore, #tpu.memory_space<semaphore_mem>>) src(%arg6 : memref<128x16xf32, #tpu.memory_space<vmem>>) dst(%dma_wait3A_43 : memref<10240x16xf32, #tpu.memory_space<vmem_shared>>)
        tpu.yield
      }) : () -> ()
    } else {
    }
    %barrier3A_28 = arith.constant 0 : index
    tpu.barrier barrier_id(%barrier3A_28)
    %mul3A_29 = arith.constant 640 : i32
    %mul3A_30 = arith.muli %arg1, %mul3A_29 : i32
    %mul3A_31 = arith.constant 640 : i32
    %mul3A_32 = arith.muli %arg1, %mul3A_31 : i32
    "tpu.region"() ({
      %run_scoped3A = tpu.sem_alloc : memref<!tpu.dma_semaphore, #tpu.memory_space<semaphore_mem>>
      %dma_start3A = arith.constant 0 : i32
      %dma_start3A_33 = tpu.memref_slice %arg4[%arg0, %mul3A_32, %dma_start3A] : memref<2x10240x16xf32, #tpu.memory_space<hbm>> -> memref<1x640x16xf32, #tpu.memory_space<hbm>>
      %dma_start3A_34 = tpu.memref_squeeze %dma_start3A_33 : memref<1x640x16xf32, #tpu.memory_space<hbm>> -> memref<640x16xf32, #tpu.memory_space<hbm>>
      %dma_start3A_35 = arith.constant 0 : i32
      %dma_start3A_36 = tpu.memref_slice %arg8[%mul3A_30, %dma_start3A_35] : memref<10240x16xf32, #tpu.memory_space<vmem_shared>> -> memref<640x16xf32, #tpu.memory_space<vmem_shared>>
      tpu.enqueue_dma source(%dma_start3A_36 : memref<640x16xf32, #tpu.memory_space<vmem_shared>>) target(%dma_start3A_34 : memref<640x16xf32, #tpu.memory_space<hbm>>) target_semaphore(%run_scoped3A : memref<!tpu.dma_semaphore, #tpu.memory_space<semaphore_mem>>)
      %dma_wait3A = arith.constant 0 : i32
      %dma_wait3A_37 = tpu.memref_slice %arg4[%arg0, %mul3A_32, %dma_wait3A] : memref<2x10240x16xf32, #tpu.memory_space<hbm>> -> memref<1x640x16xf32, #tpu.memory_space<hbm>>
      %dma_wait3A_38 = tpu.memref_squeeze %dma_wait3A_37 : memref<1x640x16xf32, #tpu.memory_space<hbm>> -> memref<640x16xf32, #tpu.memory_space<hbm>>
      %dma_wait3A_39 = arith.constant 0 : i32
      %dma_wait3A_40 = tpu.memref_slice %arg8[%mul3A_30, %dma_wait3A_39] : memref<10240x16xf32, #tpu.memory_space<vmem_shared>> -> memref<640x16xf32, #tpu.memory_space<vmem_shared>>
      tpu.wait_dma2 semaphore(%run_scoped3A : memref<!tpu.dma_semaphore, #tpu.memory_space<semaphore_mem>>) src(%dma_wait3A_40 : memref<640x16xf32, #tpu.memory_space<vmem_shared>>) dst(%dma_wait3A_38 : memref<640x16xf32, #tpu.memory_space<hbm>>)
      tpu.yield
    }) : () -> ()
    return
  }
}

module attributes {stable_mosaic.version = 14 : i64} {
  func.func @_tc0_body(%arg0: memref<1250x8x128xf32, #tpu.memory_space<vmem>>, %arg1: memref<8x128x128xf32, #tpu.memory_space<vmem>>, %arg2: memref<1280x128xf32, #tpu.memory_space<vmem>>) attributes {dimension_semantics = [], scalar_prefetch = 0 : i64, scratch_operands = 0 : i64, tpu.core_type = #tpu.core_type<tc>} {
    %get3A = arith.constant 0 : index
    %get3A_0 = arith.constant 0 : index
    %get3A_1 = arith.constant 0 : index
    %get3A_2 = vector.load %arg0[%get3A, %get3A_0, %get3A_1] : memref<1250x8x128xf32, #tpu.memory_space<vmem>>, vector<1250x1x128xf32>
    %get3A_3 = vector.shape_cast %get3A_2 : vector<1250x1x128xf32> to vector<1250x128xf32>
    %get3A_4 = arith.constant 0 : index
    %get3A_5 = arith.constant 0 : index
    %get3A_6 = arith.constant 0 : index
    %get3A_7 = vector.load %arg1[%get3A_4, %get3A_5, %get3A_6] : memref<8x128x128xf32, #tpu.memory_space<vmem>>, vector<1x128x128xf32>
    %get3A_8 = vector.shape_cast %get3A_7 : vector<1x128x128xf32> to vector<128x128xf32>
    %dot_general3A = arith.constant dense<0.000000e+00> : vector<1250x128xf32>
    %dot_general3A_9 = tpu.matmul %get3A_3, %get3A_8, %dot_general3A {dimension_numbers = #tpu.dot_dimension_numbers<[1], [0], [0], [1], [0, 0, 1, 1], [], []>, transpose_lhs_hint = false} : vector<1250x128xf32>, vector<128x128xf32>, vector<1250x128xf32> -> vector<1250x128xf32>
    %get3A_10 = arith.constant 0 : index
    %get3A_11 = arith.constant 1 : index
    %get3A_12 = arith.constant 0 : index
    %get3A_13 = vector.load %arg0[%get3A_10, %get3A_11, %get3A_12] : memref<1250x8x128xf32, #tpu.memory_space<vmem>>, vector<1250x1x128xf32>
    %get3A_14 = vector.shape_cast %get3A_13 : vector<1250x1x128xf32> to vector<1250x128xf32>
    %get3A_15 = arith.constant 1 : index
    %get3A_16 = arith.constant 0 : index
    %get3A_17 = arith.constant 0 : index
    %get3A_18 = vector.load %arg1[%get3A_15, %get3A_16, %get3A_17] : memref<8x128x128xf32, #tpu.memory_space<vmem>>, vector<1x128x128xf32>
    %get3A_19 = vector.shape_cast %get3A_18 : vector<1x128x128xf32> to vector<128x128xf32>
    %dot_general3A_20 = arith.constant dense<0.000000e+00> : vector<1250x128xf32>
    %dot_general3A_21 = tpu.matmul %get3A_14, %get3A_19, %dot_general3A_20 {dimension_numbers = #tpu.dot_dimension_numbers<[1], [0], [0], [1], [0, 0, 1, 1], [], []>, transpose_lhs_hint = false} : vector<1250x128xf32>, vector<128x128xf32>, vector<1250x128xf32> -> vector<1250x128xf32>
    %add3A = arith.addf %dot_general3A_9, %dot_general3A_21 : vector<1250x128xf32>
    %get3A_22 = arith.constant 0 : index
    %get3A_23 = arith.constant 2 : index
    %get3A_24 = arith.constant 0 : index
    %get3A_25 = vector.load %arg0[%get3A_22, %get3A_23, %get3A_24] : memref<1250x8x128xf32, #tpu.memory_space<vmem>>, vector<1250x1x128xf32>
    %get3A_26 = vector.shape_cast %get3A_25 : vector<1250x1x128xf32> to vector<1250x128xf32>
    %get3A_27 = arith.constant 2 : index
    %get3A_28 = arith.constant 0 : index
    %get3A_29 = arith.constant 0 : index
    %get3A_30 = vector.load %arg1[%get3A_27, %get3A_28, %get3A_29] : memref<8x128x128xf32, #tpu.memory_space<vmem>>, vector<1x128x128xf32>
    %get3A_31 = vector.shape_cast %get3A_30 : vector<1x128x128xf32> to vector<128x128xf32>
    %dot_general3A_32 = arith.constant dense<0.000000e+00> : vector<1250x128xf32>
    %dot_general3A_33 = tpu.matmul %get3A_26, %get3A_31, %dot_general3A_32 {dimension_numbers = #tpu.dot_dimension_numbers<[1], [0], [0], [1], [0, 0, 1, 1], [], []>, transpose_lhs_hint = false} : vector<1250x128xf32>, vector<128x128xf32>, vector<1250x128xf32> -> vector<1250x128xf32>
    %add3A_34 = arith.addf %add3A, %dot_general3A_33 : vector<1250x128xf32>
    %get3A_35 = arith.constant 0 : index
    %get3A_36 = arith.constant 3 : index
    %get3A_37 = arith.constant 0 : index
    %get3A_38 = vector.load %arg0[%get3A_35, %get3A_36, %get3A_37] : memref<1250x8x128xf32, #tpu.memory_space<vmem>>, vector<1250x1x128xf32>
    %get3A_39 = vector.shape_cast %get3A_38 : vector<1250x1x128xf32> to vector<1250x128xf32>
    %get3A_40 = arith.constant 3 : index
    %get3A_41 = arith.constant 0 : index
    %get3A_42 = arith.constant 0 : index
    %get3A_43 = vector.load %arg1[%get3A_40, %get3A_41, %get3A_42] : memref<8x128x128xf32, #tpu.memory_space<vmem>>, vector<1x128x128xf32>
    %get3A_44 = vector.shape_cast %get3A_43 : vector<1x128x128xf32> to vector<128x128xf32>
    %dot_general3A_45 = arith.constant dense<0.000000e+00> : vector<1250x128xf32>
    %dot_general3A_46 = tpu.matmul %get3A_39, %get3A_44, %dot_general3A_45 {dimension_numbers = #tpu.dot_dimension_numbers<[1], [0], [0], [1], [0, 0, 1, 1], [], []>, transpose_lhs_hint = false} : vector<1250x128xf32>, vector<128x128xf32>, vector<1250x128xf32> -> vector<1250x128xf32>
    %add3A_47 = arith.addf %add3A_34, %dot_general3A_46 : vector<1250x128xf32>
    %get3A_48 = arith.constant 0 : index
    %get3A_49 = arith.constant 4 : index
    %get3A_50 = arith.constant 0 : index
    %get3A_51 = vector.load %arg0[%get3A_48, %get3A_49, %get3A_50] : memref<1250x8x128xf32, #tpu.memory_space<vmem>>, vector<1250x1x128xf32>
    %get3A_52 = vector.shape_cast %get3A_51 : vector<1250x1x128xf32> to vector<1250x128xf32>
    %get3A_53 = arith.constant 4 : index
    %get3A_54 = arith.constant 0 : index
    %get3A_55 = arith.constant 0 : index
    %get3A_56 = vector.load %arg1[%get3A_53, %get3A_54, %get3A_55] : memref<8x128x128xf32, #tpu.memory_space<vmem>>, vector<1x128x128xf32>
    %get3A_57 = vector.shape_cast %get3A_56 : vector<1x128x128xf32> to vector<128x128xf32>
    %dot_general3A_58 = arith.constant dense<0.000000e+00> : vector<1250x128xf32>
    %dot_general3A_59 = tpu.matmul %get3A_52, %get3A_57, %dot_general3A_58 {dimension_numbers = #tpu.dot_dimension_numbers<[1], [0], [0], [1], [0, 0, 1, 1], [], []>, transpose_lhs_hint = false} : vector<1250x128xf32>, vector<128x128xf32>, vector<1250x128xf32> -> vector<1250x128xf32>
    %add3A_60 = arith.addf %add3A_47, %dot_general3A_59 : vector<1250x128xf32>
    %get3A_61 = arith.constant 0 : index
    %get3A_62 = arith.constant 5 : index
    %get3A_63 = arith.constant 0 : index
    %get3A_64 = vector.load %arg0[%get3A_61, %get3A_62, %get3A_63] : memref<1250x8x128xf32, #tpu.memory_space<vmem>>, vector<1250x1x128xf32>
    %get3A_65 = vector.shape_cast %get3A_64 : vector<1250x1x128xf32> to vector<1250x128xf32>
    %get3A_66 = arith.constant 5 : index
    %get3A_67 = arith.constant 0 : index
    %get3A_68 = arith.constant 0 : index
    %get3A_69 = vector.load %arg1[%get3A_66, %get3A_67, %get3A_68] : memref<8x128x128xf32, #tpu.memory_space<vmem>>, vector<1x128x128xf32>
    %get3A_70 = vector.shape_cast %get3A_69 : vector<1x128x128xf32> to vector<128x128xf32>
    %dot_general3A_71 = arith.constant dense<0.000000e+00> : vector<1250x128xf32>
    %dot_general3A_72 = tpu.matmul %get3A_65, %get3A_70, %dot_general3A_71 {dimension_numbers = #tpu.dot_dimension_numbers<[1], [0], [0], [1], [0, 0, 1, 1], [], []>, transpose_lhs_hint = false} : vector<1250x128xf32>, vector<128x128xf32>, vector<1250x128xf32> -> vector<1250x128xf32>
    %add3A_73 = arith.addf %add3A_60, %dot_general3A_72 : vector<1250x128xf32>
    %get3A_74 = arith.constant 0 : index
    %get3A_75 = arith.constant 6 : index
    %get3A_76 = arith.constant 0 : index
    %get3A_77 = vector.load %arg0[%get3A_74, %get3A_75, %get3A_76] : memref<1250x8x128xf32, #tpu.memory_space<vmem>>, vector<1250x1x128xf32>
    %get3A_78 = vector.shape_cast %get3A_77 : vector<1250x1x128xf32> to vector<1250x128xf32>
    %get3A_79 = arith.constant 6 : index
    %get3A_80 = arith.constant 0 : index
    %get3A_81 = arith.constant 0 : index
    %get3A_82 = vector.load %arg1[%get3A_79, %get3A_80, %get3A_81] : memref<8x128x128xf32, #tpu.memory_space<vmem>>, vector<1x128x128xf32>
    %get3A_83 = vector.shape_cast %get3A_82 : vector<1x128x128xf32> to vector<128x128xf32>
    %dot_general3A_84 = arith.constant dense<0.000000e+00> : vector<1250x128xf32>
    %dot_general3A_85 = tpu.matmul %get3A_78, %get3A_83, %dot_general3A_84 {dimension_numbers = #tpu.dot_dimension_numbers<[1], [0], [0], [1], [0, 0, 1, 1], [], []>, transpose_lhs_hint = false} : vector<1250x128xf32>, vector<128x128xf32>, vector<1250x128xf32> -> vector<1250x128xf32>
    %add3A_86 = arith.addf %add3A_73, %dot_general3A_85 : vector<1250x128xf32>
    %get3A_87 = arith.constant 0 : index
    %get3A_88 = arith.constant 7 : index
    %get3A_89 = arith.constant 0 : index
    %get3A_90 = vector.load %arg0[%get3A_87, %get3A_88, %get3A_89] : memref<1250x8x128xf32, #tpu.memory_space<vmem>>, vector<1250x1x128xf32>
    %get3A_91 = vector.shape_cast %get3A_90 : vector<1250x1x128xf32> to vector<1250x128xf32>
    %get3A_92 = arith.constant 7 : index
    %get3A_93 = arith.constant 0 : index
    %get3A_94 = arith.constant 0 : index
    %get3A_95 = vector.load %arg1[%get3A_92, %get3A_93, %get3A_94] : memref<8x128x128xf32, #tpu.memory_space<vmem>>, vector<1x128x128xf32>
    %get3A_96 = vector.shape_cast %get3A_95 : vector<1x128x128xf32> to vector<128x128xf32>
    %dot_general3A_97 = arith.constant dense<0.000000e+00> : vector<1250x128xf32>
    %dot_general3A_98 = tpu.matmul %get3A_91, %get3A_96, %dot_general3A_97 {dimension_numbers = #tpu.dot_dimension_numbers<[1], [0], [0], [1], [0, 0, 1, 1], [], []>, transpose_lhs_hint = false} : vector<1250x128xf32>, vector<128x128xf32>, vector<1250x128xf32> -> vector<1250x128xf32>
    %add3A_99 = arith.addf %add3A_86, %dot_general3A_98 : vector<1250x128xf32>
    %broadcast_in_dim3A = arith.constant 0.000000e+00 : f32
    %broadcast_in_dim3A_100 = vector.broadcast %broadcast_in_dim3A : f32 to vector<30x128xf32>
    %concatenate3A = tpu.concatenate %add3A_99, %broadcast_in_dim3A_100 in 0 : vector<1250x128xf32>, vector<30x128xf32> -> vector<1280x128xf32>
    %swap3A = arith.constant 0 : index
    %swap3A_101 = arith.constant 0 : index
    %swap3A_102 = vector.load %arg2[%swap3A, %swap3A_101] : memref<1280x128xf32, #tpu.memory_space<vmem>>, vector<1280x128xf32>
    tpu.vector_store %arg2[%swap3A, %swap3A_101], %concatenate3A {strides = array<i32>} : memref<1280x128xf32, #tpu.memory_space<vmem>>, vector<1280x128xf32>,
    return
  }
}

module attributes {stable_mosaic.version = 14 : i64} {
  func.func @_tc1_body(%arg0: memref<1280x128xf32, #tpu.memory_space<vmem>>, %arg1: memref<2x1280x128xf32, #tpu.memory_space<vmem>>, %arg2: memref<1280x128xf32, #tpu.memory_space<vmem>>, %arg3: memref<1280x128xf32, #tpu.memory_space<vmem>>) attributes {dimension_semantics = [], scalar_prefetch = 0 : i64, scratch_operands = 0 : i64, tpu.core_type = #tpu.core_type<tc>} {
    %get3A = arith.constant 0 : index
    %get3A_0 = arith.constant 0 : index
    %get3A_1 = arith.constant 0 : index
    %get3A_2 = vector.load %arg1[%get3A, %get3A_0, %get3A_1] : memref<2x1280x128xf32, #tpu.memory_space<vmem>>, vector<1x1280x128xf32>
    %get3A_3 = vector.shape_cast %get3A_2 : vector<1x1280x128xf32> to vector<1280x128xf32>
    %get3A_4 = arith.constant 1 : index
    %get3A_5 = arith.constant 0 : index
    %get3A_6 = arith.constant 0 : index
    %get3A_7 = vector.load %arg1[%get3A_4, %get3A_5, %get3A_6] : memref<2x1280x128xf32, #tpu.memory_space<vmem>>, vector<1x1280x128xf32>
    %get3A_8 = vector.shape_cast %get3A_7 : vector<1x1280x128xf32> to vector<1280x128xf32>
    %add3A = arith.addf %get3A_3, %get3A_8 : vector<1280x128xf32>
    %add3A_9 = arith.constant 1.000000e+00 : f32
    %add3A_10 = vector.broadcast %add3A_9 : f32 to vector<1280x128xf32>
    %add3A_11 = arith.addf %add3A, %add3A_10 : vector<1280x128xf32>
    %rsqrt3A = math.rsqrt %add3A_11 : vector<1280x128xf32>
    %get3A_12 = arith.constant 0 : index
    %get3A_13 = arith.constant 0 : index
    %get3A_14 = vector.load %arg0[%get3A_12, %get3A_13] : memref<1280x128xf32, #tpu.memory_space<vmem>>, vector<1280x128xf32>
    %mul3A = arith.mulf %get3A_14, %rsqrt3A : vector<1280x128xf32>
    %swap3A = arith.constant 0 : index
    %swap3A_15 = arith.constant 0 : index
    %swap3A_16 = vector.load %arg2[%swap3A, %swap3A_15] : memref<1280x128xf32, #tpu.memory_space<vmem>>, vector<1280x128xf32>
    tpu.vector_store %arg2[%swap3A, %swap3A_15], %mul3A {strides = array<i32>} : memref<1280x128xf32, #tpu.memory_space<vmem>>, vector<1280x128xf32>,
    %swap3A_17 = arith.constant 0 : index
    %swap3A_18 = arith.constant 0 : index
    %swap3A_19 = vector.load %arg3[%swap3A_17, %swap3A_18] : memref<1280x128xf32, #tpu.memory_space<vmem>>, vector<1280x128xf32>
    tpu.vector_store %arg3[%swap3A_17, %swap3A_18], %rsqrt3A {strides = array<i32>} : memref<1280x128xf32, #tpu.memory_space<vmem>>, vector<1280x128xf32>,
    return
  }
}

module attributes {stable_mosaic.version = 14 : i64} {
  func.func @_tc2_body(%arg0: memref<1280x128xf32, #tpu.memory_space<vmem>>, %arg1: memref<2x1280x128xf32, #tpu.memory_space<vmem>>, %arg2: memref<1280x128xf32, #tpu.memory_space<vmem>>, %arg3: memref<1x128xf32, #tpu.memory_space<vmem>>, %arg4: memref<1280x128xf32, #tpu.memory_space<vmem>>) attributes {dimension_semantics = [], scalar_prefetch = 0 : i64, scratch_operands = 0 : i64, tpu.core_type = #tpu.core_type<tc>} {
    %get3A = arith.constant 0 : index
    %get3A_0 = arith.constant 0 : index
    %get3A_1 = vector.load %arg0[%get3A, %get3A_0] : memref<1280x128xf32, #tpu.memory_space<vmem>>, vector<1280x128xf32>
    %get3A_2 = arith.constant 0 : index
    %get3A_3 = arith.constant 0 : index
    %get3A_4 = arith.constant 0 : index
    %get3A_5 = vector.load %arg1[%get3A_2, %get3A_3, %get3A_4] : memref<2x1280x128xf32, #tpu.memory_space<vmem>>, vector<1x1280x128xf32>
    %get3A_6 = vector.shape_cast %get3A_5 : vector<1x1280x128xf32> to vector<1280x128xf32>
    %add3A = arith.addf %get3A_1, %get3A_6 : vector<1280x128xf32>
    %get3A_7 = arith.constant 1 : index
    %get3A_8 = arith.constant 0 : index
    %get3A_9 = arith.constant 0 : index
    %get3A_10 = vector.load %arg1[%get3A_7, %get3A_8, %get3A_9] : memref<2x1280x128xf32, #tpu.memory_space<vmem>>, vector<1x1280x128xf32>
    %get3A_11 = vector.shape_cast %get3A_10 : vector<1x1280x128xf32> to vector<1280x128xf32>
    %add3A_12 = arith.addf %add3A, %get3A_11 : vector<1280x128xf32>
    %get3A_13 = arith.constant 0 : index
    %get3A_14 = arith.constant 0 : index
    %get3A_15 = vector.load %arg2[%get3A_13, %get3A_14] : memref<1280x128xf32, #tpu.memory_space<vmem>>, vector<1280x128xf32>
    %mul3A = arith.mulf %add3A_12, %get3A_15 : vector<1280x128xf32>
    %get3A_16 = arith.constant 0 : index
    %get3A_17 = arith.constant 0 : index
    %get3A_18 = vector.load %arg3[%get3A_16, %get3A_17] : memref<1x128xf32, #tpu.memory_space<vmem>>, vector<1x128xf32>
    %add3A_19 = vector.broadcast %get3A_18 : vector<1x128xf32> to vector<1280x128xf32>
    %add3A_20 = arith.addf %mul3A, %add3A_19 : vector<1280x128xf32>
    %max3A = arith.constant 0.000000e+00 : f32
    %max3A_21 = vector.broadcast %max3A : f32 to vector<1280x128xf32>
    %max3A_22 = arith.maximumf %add3A_20, %max3A_21 : vector<1280x128xf32>
    %get3A_23 = arith.constant 0 : index
    %get3A_24 = arith.constant 0 : index
    %get3A_25 = vector.load %arg2[%get3A_23, %get3A_24] : memref<1280x128xf32, #tpu.memory_space<vmem>>, vector<1280x128xf32>
    %mul3A_26 = arith.mulf %max3A_22, %get3A_25 : vector<1280x128xf32>
    %swap3A = arith.constant 0 : index
    %swap3A_27 = arith.constant 0 : index
    %swap3A_28 = vector.load %arg4[%swap3A, %swap3A_27] : memref<1280x128xf32, #tpu.memory_space<vmem>>, vector<1280x128xf32>
    tpu.vector_store %arg4[%swap3A, %swap3A_27], %mul3A_26 {strides = array<i32>} : memref<1280x128xf32, #tpu.memory_space<vmem>>, vector<1280x128xf32>,
    return
  }
}

module attributes {stable_mosaic.version = 14 : i64} {
  func.func @_tc3_body(%arg0: memref<1280x128xf32, #tpu.memory_space<vmem>>, %arg1: memref<2x1280x128xf32, #tpu.memory_space<vmem>>, %arg2: memref<1280x128xf32, #tpu.memory_space<vmem>>, %arg3: memref<8x128x128xf32, #tpu.memory_space<vmem>>, %arg4: memref<1x128xf32, #tpu.memory_space<vmem>>, %arg5: memref<1250x8x128xf32, #tpu.memory_space<vmem>>) attributes {dimension_semantics = [], scalar_prefetch = 0 : i64, scratch_operands = 0 : i64, tpu.core_type = #tpu.core_type<tc>} {
    %get3A = arith.constant 0 : index
    %get3A_0 = arith.constant 0 : index
    %get3A_1 = vector.load %arg0[%get3A, %get3A_0] : memref<1280x128xf32, #tpu.memory_space<vmem>>, vector<1280x128xf32>
    %get3A_2 = arith.constant 0 : index
    %get3A_3 = arith.constant 0 : index
    %get3A_4 = arith.constant 0 : index
    %get3A_5 = vector.load %arg1[%get3A_2, %get3A_3, %get3A_4] : memref<2x1280x128xf32, #tpu.memory_space<vmem>>, vector<1x1280x128xf32>
    %get3A_6 = vector.shape_cast %get3A_5 : vector<1x1280x128xf32> to vector<1280x128xf32>
    %add3A = arith.addf %get3A_1, %get3A_6 : vector<1280x128xf32>
    %get3A_7 = arith.constant 1 : index
    %get3A_8 = arith.constant 0 : index
    %get3A_9 = arith.constant 0 : index
    %get3A_10 = vector.load %arg1[%get3A_7, %get3A_8, %get3A_9] : memref<2x1280x128xf32, #tpu.memory_space<vmem>>, vector<1x1280x128xf32>
    %get3A_11 = vector.shape_cast %get3A_10 : vector<1x1280x128xf32> to vector<1280x128xf32>
    %add3A_12 = arith.addf %add3A, %get3A_11 : vector<1280x128xf32>
    %get3A_13 = arith.constant 0 : index
    %get3A_14 = arith.constant 0 : index
    %get3A_15 = vector.load %arg2[%get3A_13, %get3A_14] : memref<1280x128xf32, #tpu.memory_space<vmem>>, vector<1280x128xf32>
    %mul3A = arith.mulf %add3A_12, %get3A_15 : vector<1280x128xf32>
    %slice3A = vector.extract_strided_slice %mul3A {offsets = [0, 0], sizes = [1250, 128], strides = [1, 1]} : vector<1280x128xf32> to vector<1250x128xf32>
    %get3A_16 = arith.constant 0 : index
    %get3A_17 = arith.constant 0 : index
    %get3A_18 = arith.constant 0 : index
    %get3A_19 = vector.load %arg3[%get3A_16, %get3A_17, %get3A_18] : memref<8x128x128xf32, #tpu.memory_space<vmem>>, vector<1x128x128xf32>
    %get3A_20 = vector.shape_cast %get3A_19 : vector<1x128x128xf32> to vector<128x128xf32>
    %dot_general3A = arith.constant dense<0.000000e+00> : vector<1250x128xf32>
    %dot_general3A_21 = tpu.matmul %slice3A, %get3A_20, %dot_general3A {dimension_numbers = #tpu.dot_dimension_numbers<[1], [0], [0], [1], [0, 0, 1, 1], [], []>, transpose_lhs_hint = false} : vector<1250x128xf32>, vector<128x128xf32>, vector<1250x128xf32> -> vector<1250x128xf32>
    %get3A_22 = arith.constant 0 : index
    %get3A_23 = arith.constant 0 : index
    %get3A_24 = vector.load %arg4[%get3A_22, %get3A_23] : memref<1x128xf32, #tpu.memory_space<vmem>>, vector<1x128xf32>
    %add3A_25 = vector.broadcast %get3A_24 : vector<1x128xf32> to vector<1250x128xf32>
    %add3A_26 = arith.addf %dot_general3A_21, %add3A_25 : vector<1250x128xf32>
    %swap3A = arith.constant 0 : index
    %swap3A_27 = arith.constant 0 : index
    %swap3A_28 = arith.constant 0 : index
    %swap3A_29 = vector.load %arg5[%swap3A, %swap3A_27, %swap3A_28] : memref<1250x8x128xf32, #tpu.memory_space<vmem>>, vector<1250x1x128xf32>
    %swap3A_30 = vector.shape_cast %swap3A_29 : vector<1250x1x128xf32> to vector<1250x128xf32>
    %swap3A_31 = vector.shape_cast %add3A_26 : vector<1250x128xf32> to vector<1250x1x128xf32>
    tpu.vector_store %arg5[%swap3A, %swap3A_27, %swap3A_28], %swap3A_31 {strides = array<i32>} : memref<1250x8x128xf32, #tpu.memory_space<vmem>>, vector<1250x1x128xf32>,
    %get3A_32 = arith.constant 1 : index
    %get3A_33 = arith.constant 0 : index
    %get3A_34 = arith.constant 0 : index
    %get3A_35 = vector.load %arg3[%get3A_32, %get3A_33, %get3A_34] : memref<8x128x128xf32, #tpu.memory_space<vmem>>, vector<1x128x128xf32>
    %get3A_36 = vector.shape_cast %get3A_35 : vector<1x128x128xf32> to vector<128x128xf32>
    %dot_general3A_37 = arith.constant dense<0.000000e+00> : vector<1250x128xf32>
    %dot_general3A_38 = tpu.matmul %slice3A, %get3A_36, %dot_general3A_37 {dimension_numbers = #tpu.dot_dimension_numbers<[1], [0], [0], [1], [0, 0, 1, 1], [], []>, transpose_lhs_hint = false} : vector<1250x128xf32>, vector<128x128xf32>, vector<1250x128xf32> -> vector<1250x128xf32>
    %get3A_39 = arith.constant 0 : index
    %get3A_40 = arith.constant 0 : index
    %get3A_41 = vector.load %arg4[%get3A_39, %get3A_40] : memref<1x128xf32, #tpu.memory_space<vmem>>, vector<1x128xf32>
    %add3A_42 = vector.broadcast %get3A_41 : vector<1x128xf32> to vector<1250x128xf32>
    %add3A_43 = arith.addf %dot_general3A_38, %add3A_42 : vector<1250x128xf32>
    %swap3A_44 = arith.constant 0 : index
    %swap3A_45 = arith.constant 1 : index
    %swap3A_46 = arith.constant 0 : index
    %swap3A_47 = vector.load %arg5[%swap3A_44, %swap3A_45, %swap3A_46] : memref<1250x8x128xf32, #tpu.memory_space<vmem>>, vector<1250x1x128xf32>
    %swap3A_48 = vector.shape_cast %swap3A_47 : vector<1250x1x128xf32> to vector<1250x128xf32>
    %swap3A_49 = vector.shape_cast %add3A_43 : vector<1250x128xf32> to vector<1250x1x128xf32>
    tpu.vector_store %arg5[%swap3A_44, %swap3A_45, %swap3A_46], %swap3A_49 {strides = array<i32>} : memref<1250x8x128xf32, #tpu.memory_space<vmem>>, vector<1250x1x128xf32>,
    %get3A_50 = arith.constant 2 : index
    %get3A_51 = arith.constant 0 : index
    %get3A_52 = arith.constant 0 : index
    %get3A_53 = vector.load %arg3[%get3A_50, %get3A_51, %get3A_52] : memref<8x128x128xf32, #tpu.memory_space<vmem>>, vector<1x128x128xf32>
    %get3A_54 = vector.shape_cast %get3A_53 : vector<1x128x128xf32> to vector<128x128xf32>
    %dot_general3A_55 = arith.constant dense<0.000000e+00> : vector<1250x128xf32>
    %dot_general3A_56 = tpu.matmul %slice3A, %get3A_54, %dot_general3A_55 {dimension_numbers = #tpu.dot_dimension_numbers<[1], [0], [0], [1], [0, 0, 1, 1], [], []>, transpose_lhs_hint = false} : vector<1250x128xf32>, vector<128x128xf32>, vector<1250x128xf32> -> vector<1250x128xf32>
    %get3A_57 = arith.constant 0 : index
    %get3A_58 = arith.constant 0 : index
    %get3A_59 = vector.load %arg4[%get3A_57, %get3A_58] : memref<1x128xf32, #tpu.memory_space<vmem>>, vector<1x128xf32>
    %add3A_60 = vector.broadcast %get3A_59 : vector<1x128xf32> to vector<1250x128xf32>
    %add3A_61 = arith.addf %dot_general3A_56, %add3A_60 : vector<1250x128xf32>
    %swap3A_62 = arith.constant 0 : index
    %swap3A_63 = arith.constant 2 : index
    %swap3A_64 = arith.constant 0 : index
    %swap3A_65 = vector.load %arg5[%swap3A_62, %swap3A_63, %swap3A_64] : memref<1250x8x128xf32, #tpu.memory_space<vmem>>, vector<1250x1x128xf32>
    %swap3A_66 = vector.shape_cast %swap3A_65 : vector<1250x1x128xf32> to vector<1250x128xf32>
    %swap3A_67 = vector.shape_cast %add3A_61 : vector<1250x128xf32> to vector<1250x1x128xf32>
    tpu.vector_store %arg5[%swap3A_62, %swap3A_63, %swap3A_64], %swap3A_67 {strides = array<i32>} : memref<1250x8x128xf32, #tpu.memory_space<vmem>>, vector<1250x1x128xf32>,
    %get3A_68 = arith.constant 3 : index
    %get3A_69 = arith.constant 0 : index
    %get3A_70 = arith.constant 0 : index
    %get3A_71 = vector.load %arg3[%get3A_68, %get3A_69, %get3A_70] : memref<8x128x128xf32, #tpu.memory_space<vmem>>, vector<1x128x128xf32>
    %get3A_72 = vector.shape_cast %get3A_71 : vector<1x128x128xf32> to vector<128x128xf32>
    %dot_general3A_73 = arith.constant dense<0.000000e+00> : vector<1250x128xf32>
    %dot_general3A_74 = tpu.matmul %slice3A, %get3A_72, %dot_general3A_73 {dimension_numbers = #tpu.dot_dimension_numbers<[1], [0], [0], [1], [0, 0, 1, 1], [], []>, transpose_lhs_hint = false} : vector<1250x128xf32>, vector<128x128xf32>, vector<1250x128xf32> -> vector<1250x128xf32>
    %get3A_75 = arith.constant 0 : index
    %get3A_76 = arith.constant 0 : index
    %get3A_77 = vector.load %arg4[%get3A_75, %get3A_76] : memref<1x128xf32, #tpu.memory_space<vmem>>, vector<1x128xf32>
    %add3A_78 = vector.broadcast %get3A_77 : vector<1x128xf32> to vector<1250x128xf32>
    %add3A_79 = arith.addf %dot_general3A_74, %add3A_78 : vector<1250x128xf32>
    %swap3A_80 = arith.constant 0 : index
    %swap3A_81 = arith.constant 3 : index
    %swap3A_82 = arith.constant 0 : index
    %swap3A_83 = vector.load %arg5[%swap3A_80, %swap3A_81, %swap3A_82] : memref<1250x8x128xf32, #tpu.memory_space<vmem>>, vector<1250x1x128xf32>
    %swap3A_84 = vector.shape_cast %swap3A_83 : vector<1250x1x128xf32> to vector<1250x128xf32>
    %swap3A_85 = vector.shape_cast %add3A_79 : vector<1250x128xf32> to vector<1250x1x128xf32>
    tpu.vector_store %arg5[%swap3A_80, %swap3A_81, %swap3A_82], %swap3A_85 {strides = array<i32>} : memref<1250x8x128xf32, #tpu.memory_space<vmem>>, vector<1250x1x128xf32>,
    %get3A_86 = arith.constant 4 : index
    %get3A_87 = arith.constant 0 : index
    %get3A_88 = arith.constant 0 : index
    %get3A_89 = vector.load %arg3[%get3A_86, %get3A_87, %get3A_88] : memref<8x128x128xf32, #tpu.memory_space<vmem>>, vector<1x128x128xf32>
    %get3A_90 = vector.shape_cast %get3A_89 : vector<1x128x128xf32> to vector<128x128xf32>
    %dot_general3A_91 = arith.constant dense<0.000000e+00> : vector<1250x128xf32>
    %dot_general3A_92 = tpu.matmul %slice3A, %get3A_90, %dot_general3A_91 {dimension_numbers = #tpu.dot_dimension_numbers<[1], [0], [0], [1], [0, 0, 1, 1], [], []>, transpose_lhs_hint = false} : vector<1250x128xf32>, vector<128x128xf32>, vector<1250x128xf32> -> vector<1250x128xf32>
    %get3A_93 = arith.constant 0 : index
    %get3A_94 = arith.constant 0 : index
    %get3A_95 = vector.load %arg4[%get3A_93, %get3A_94] : memref<1x128xf32, #tpu.memory_space<vmem>>, vector<1x128xf32>
    %add3A_96 = vector.broadcast %get3A_95 : vector<1x128xf32> to vector<1250x128xf32>
    %add3A_97 = arith.addf %dot_general3A_92, %add3A_96 : vector<1250x128xf32>
    %swap3A_98 = arith.constant 0 : index
    %swap3A_99 = arith.constant 4 : index
    %swap3A_100 = arith.constant 0 : index
    %swap3A_101 = vector.load %arg5[%swap3A_98, %swap3A_99, %swap3A_100] : memref<1250x8x128xf32, #tpu.memory_space<vmem>>, vector<1250x1x128xf32>
    %swap3A_102 = vector.shape_cast %swap3A_101 : vector<1250x1x128xf32> to vector<1250x128xf32>
    %swap3A_103 = vector.shape_cast %add3A_97 : vector<1250x128xf32> to vector<1250x1x128xf32>
    tpu.vector_store %arg5[%swap3A_98, %swap3A_99, %swap3A_100], %swap3A_103 {strides = array<i32>} : memref<1250x8x128xf32, #tpu.memory_space<vmem>>, vector<1250x1x128xf32>,
    %get3A_104 = arith.constant 5 : index
    %get3A_105 = arith.constant 0 : index
    %get3A_106 = arith.constant 0 : index
    %get3A_107 = vector.load %arg3[%get3A_104, %get3A_105, %get3A_106] : memref<8x128x128xf32, #tpu.memory_space<vmem>>, vector<1x128x128xf32>
    %get3A_108 = vector.shape_cast %get3A_107 : vector<1x128x128xf32> to vector<128x128xf32>
    %dot_general3A_109 = arith.constant dense<0.000000e+00> : vector<1250x128xf32>
    %dot_general3A_110 = tpu.matmul %slice3A, %get3A_108, %dot_general3A_109 {dimension_numbers = #tpu.dot_dimension_numbers<[1], [0], [0], [1], [0, 0, 1, 1], [], []>, transpose_lhs_hint = false} : vector<1250x128xf32>, vector<128x128xf32>, vector<1250x128xf32> -> vector<1250x128xf32>
    %get3A_111 = arith.constant 0 : index
    %get3A_112 = arith.constant 0 : index
    %get3A_113 = vector.load %arg4[%get3A_111, %get3A_112] : memref<1x128xf32, #tpu.memory_space<vmem>>, vector<1x128xf32>
    %add3A_114 = vector.broadcast %get3A_113 : vector<1x128xf32> to vector<1250x128xf32>
    %add3A_115 = arith.addf %dot_general3A_110, %add3A_114 : vector<1250x128xf32>
    %swap3A_116 = arith.constant 0 : index
    %swap3A_117 = arith.constant 5 : index
    %swap3A_118 = arith.constant 0 : index
    %swap3A_119 = vector.load %arg5[%swap3A_116, %swap3A_117, %swap3A_118] : memref<1250x8x128xf32, #tpu.memory_space<vmem>>, vector<1250x1x128xf32>
    %swap3A_120 = vector.shape_cast %swap3A_119 : vector<1250x1x128xf32> to vector<1250x128xf32>
    %swap3A_121 = vector.shape_cast %add3A_115 : vector<1250x128xf32> to vector<1250x1x128xf32>
    tpu.vector_store %arg5[%swap3A_116, %swap3A_117, %swap3A_118], %swap3A_121 {strides = array<i32>} : memref<1250x8x128xf32, #tpu.memory_space<vmem>>, vector<1250x1x128xf32>,
    %get3A_122 = arith.constant 6 : index
    %get3A_123 = arith.constant 0 : index
    %get3A_124 = arith.constant 0 : index
    %get3A_125 = vector.load %arg3[%get3A_122, %get3A_123, %get3A_124] : memref<8x128x128xf32, #tpu.memory_space<vmem>>, vector<1x128x128xf32>
    %get3A_126 = vector.shape_cast %get3A_125 : vector<1x128x128xf32> to vector<128x128xf32>
    %dot_general3A_127 = arith.constant dense<0.000000e+00> : vector<1250x128xf32>
    %dot_general3A_128 = tpu.matmul %slice3A, %get3A_126, %dot_general3A_127 {dimension_numbers = #tpu.dot_dimension_numbers<[1], [0], [0], [1], [0, 0, 1, 1], [], []>, transpose_lhs_hint = false} : vector<1250x128xf32>, vector<128x128xf32>, vector<1250x128xf32> -> vector<1250x128xf32>
    %get3A_129 = arith.constant 0 : index
    %get3A_130 = arith.constant 0 : index
    %get3A_131 = vector.load %arg4[%get3A_129, %get3A_130] : memref<1x128xf32, #tpu.memory_space<vmem>>, vector<1x128xf32>
    %add3A_132 = vector.broadcast %get3A_131 : vector<1x128xf32> to vector<1250x128xf32>
    %add3A_133 = arith.addf %dot_general3A_128, %add3A_132 : vector<1250x128xf32>
    %swap3A_134 = arith.constant 0 : index
    %swap3A_135 = arith.constant 6 : index
    %swap3A_136 = arith.constant 0 : index
    %swap3A_137 = vector.load %arg5[%swap3A_134, %swap3A_135, %swap3A_136] : memref<1250x8x128xf32, #tpu.memory_space<vmem>>, vector<1250x1x128xf32>
    %swap3A_138 = vector.shape_cast %swap3A_137 : vector<1250x1x128xf32> to vector<1250x128xf32>
    %swap3A_139 = vector.shape_cast %add3A_133 : vector<1250x128xf32> to vector<1250x1x128xf32>
    tpu.vector_store %arg5[%swap3A_134, %swap3A_135, %swap3A_136], %swap3A_139 {strides = array<i32>} : memref<1250x8x128xf32, #tpu.memory_space<vmem>>, vector<1250x1x128xf32>,
    %get3A_140 = arith.constant 7 : index
    %get3A_141 = arith.constant 0 : index
    %get3A_142 = arith.constant 0 : index
    %get3A_143 = vector.load %arg3[%get3A_140, %get3A_141, %get3A_142] : memref<8x128x128xf32, #tpu.memory_space<vmem>>, vector<1x128x128xf32>
    %get3A_144 = vector.shape_cast %get3A_143 : vector<1x128x128xf32> to vector<128x128xf32>
    %dot_general3A_145 = arith.constant dense<0.000000e+00> : vector<1250x128xf32>
    %dot_general3A_146 = tpu.matmul %slice3A, %get3A_144, %dot_general3A_145 {dimension_numbers = #tpu.dot_dimension_numbers<[1], [0], [0], [1], [0, 0, 1, 1], [], []>, transpose_lhs_hint = false} : vector<1250x128xf32>, vector<128x128xf32>, vector<1250x128xf32> -> vector<1250x128xf32>
    %get3A_147 = arith.constant 0 : index
    %get3A_148 = arith.constant 0 : index
    %get3A_149 = vector.load %arg4[%get3A_147, %get3A_148] : memref<1x128xf32, #tpu.memory_space<vmem>>, vector<1x128xf32>
    %add3A_150 = vector.broadcast %get3A_149 : vector<1x128xf32> to vector<1250x128xf32>
    %add3A_151 = arith.addf %dot_general3A_146, %add3A_150 : vector<1250x128xf32>
    %swap3A_152 = arith.constant 0 : index
    %swap3A_153 = arith.constant 7 : index
    %swap3A_154 = arith.constant 0 : index
    %swap3A_155 = vector.load %arg5[%swap3A_152, %swap3A_153, %swap3A_154] : memref<1250x8x128xf32, #tpu.memory_space<vmem>>, vector<1250x1x128xf32>
    %swap3A_156 = vector.shape_cast %swap3A_155 : vector<1250x1x128xf32> to vector<1250x128xf32>
    %swap3A_157 = vector.shape_cast %add3A_151 : vector<1250x128xf32> to vector<1250x1x128xf32>
    tpu.vector_store %arg5[%swap3A_152, %swap3A_153, %swap3A_154], %swap3A_157 {strides = array<i32>} : memref<1250x8x128xf32, #tpu.memory_space<vmem>>, vector<1250x1x128xf32>,
    return
  }
}

</mosaic_0001>

<sc_bundles>
// kernel: kernel.12.cloned.1.call-start
scs
__scs_entry_jumppad:
0x0: {  	(pc) =	sbr.rel $0x88, $3  }
0x1: {  	(tag) =	ssettag $0x0;
	lr =	simm.s32 $0x1  }
0x2: {  	[smem:$0x3F9B] =	sst lr;
	_ =	strace $0xD0000000  }
0x3: {  	_ = 	snop  }
0x4: {  	_ = 	snop  }
0x5: {  	_ = 	snop  }
0x6: {  	_ = 	snop  }
0x7: {  	_ = 	snop  }
__scs_overlays_trampoline_lowered:
0x8: {  	[smem:$0x3FAA] =	sst s0  }
0x9: {  	[smem:$0x3FAB] =	sst s1  }
0xa: {  	[smem:$0x3FAC] =	sst s2  }
0xb: {  	[smem:$0x3FAD] =	sst s3  }
0xc: {  	[smem:$0x3FAE] =	sst s4  }
0xd: {  	[smem:$0x3FAF] =	sst s5  }
0xe: {  	[smem:$0x3FB0] =	sst s6  }
0xf: {  	[smem:$0x3FB1] =	sst s7  }
0x10: {  	[smem:$0x3FB2] =	sst s8  }
0x11: {  	[smem:$0x3FB3] =	sst s9;
	s0 =	simm.s32 @!p0 $0x0  }
0x12: {  	s1 =	sld [smem:$0x3F99];
	s0 =	simm.s32 @p0 $0x1  }
0x13: {  	[smem:$0x3FB4] =	sst s0;
	s0 =	simm.s32 @!p1 $0x0  }
0x14: {  	s2 =	sld [smem:$0x3F98];
	s0 =	simm.s32 @p1 $0x1  }
0x15: {  	[smem:$0x3FB5] =	sst s0;
	s0 =	simm.s32 @!p2 $0x0  }
0x16: {  	s3 =	sld [smem:$0x3FDB];
	s0 =	simm.s32 @p2 $0x1  }
0x17: {  	s4 =	simm.s32 $0x1BF5;
	[smem:$0x3FB7] =	sst s0  }
0x18: {  	s0 =	sld [smem:$0x3F9A];
	_ =	swait.ge [sflag:s4], $0x0  }
0x19: {  	s7 =	sld [smem:$0x3F9B]  }
0x1a: {  	s8 =	sadd.s32 $0xFFFFE003, lr  }
0x1b: {  	s9 =	sadd.s32 $0xFFFFFEF7, lr;
	s5 =	simm.s32 $0xFFFFFFFF;
	p2 =	slt.u32 s8, $0xFFFFF086  }
0x1c: {  	p1 =	slt.u32 s9, $0xF7A;
	s5 =	simm.s32 @!p2 $0x0  }
0x1d: {  	s5 =	simm.s32 @p1 $0x1;
	p0 =	seq.s32 s7, s2  }
0x1e: {  	s7 =	smul.u32 @!p0 $0xF7A, s2;
	p2 =	seq.s32 @!p0 s5, $0x0  }
0x1f: {  	s9 =	smul.u32 $0xF7A, s1;
	s8 =	simm.s32 @!p0 $0x1BF5;
	p2 =	por !p2, p0  }
0x20: {  	[sflag:s8] =	ssyncset.s32 @!p0 $0xFFFFF086;
	s6 =	sadd.s32 @!p0 s3, s7;
	s7 =	simm.s32 @!p0 $0x108  }
0x21: {  	s3 =	sadd.s32 s3, s9;
	s6 =	sadd.s32 @!p0 $0x88, s6;
	s7 =	simm.s32 @p2 $0x1082  }
0x22: {  	[simem:s7], [sflag:s8] =	dma.local @!p0 [hbm:s6], $0xF7A  }
0x23: {  	s9 =	sor.u32 $0xD0000000, s2;
	s6 =	simm.s32 $0x108;
	_ =	swait.ge @!p0 [sflag:s8], $0x0  }
0x24: {  	s3 =	sadd.s32 $0x88, s3;
	s6 =	simm.s32 @!p1 $0x1082;
	[sflag:s4] =	ssyncset.s32 $0xFFFFF086  }
0x25: {  	[simem:s6], [sflag:s4] =	dma.local [hbm:s3], $0xF7A  }
0x26: {  	[smem:$0x3F9B] =	sst s1;
	(tag) =	ssettag s2;
	_ =	strace s9  }
0x27: {  	s1 =	sld [smem:$0x3FAB]  }
0x28: {  	s2 =	sld [smem:$0x3FAC]  }
0x29: {  	s4 =	sld [smem:$0x3FAE]  }
0x2a: {  	p0 =	seq.s32 s5, $0x0;
	s5 =	sld [smem:$0x3FAF]  }
0x2b: {  	s6 =	sld [smem:$0x3FB0]  }
0x2c: {  	s7 =	sld [smem:$0x3FB1]  }
0x2d: {  	s3 =	simm.s32 $0x108;
	s8 =	sld [smem:$0x3FB2]  }
0x2e: {  	s3 =	simm.s32 @!p0 $0x1082;
	s9 =	sld [smem:$0x3FB3]  }
0x2f: {  	lr =	sadd.s32 s0, s3;
	s0 =	sld [smem:$0x3FAA]  }
0x30: {  	s3 =	sld [smem:$0x3FAD]  }
0x31: {  	[smem:$0x3FB6] =	sst s10  }
0x32: {  	s10 =	sld [smem:$0x3FB4];
	_ =	sdelay $0x3  }
0x33: {  	p0 =	seq.s32 s10, $0x1;
	s10 =	sld [smem:$0x3FB6];
	_ =	sdelay $0x3  }
0x34: {  	[smem:$0x3FB6] =	sst s10  }
0x35: {  	s10 =	sld [smem:$0x3FB5];
	_ =	sdelay $0x3  }
0x36: {  	p1 =	seq.s32 s10, $0x1;
	s10 =	sld [smem:$0x3FB6];
	_ =	sdelay $0x3  }
0x37: {  	[smem:$0x3FB6] =	sst s10  }
0x38: {  	s10 =	sld [smem:$0x3FB7]  }
0x39: {  	_ = 	snop;
	(pc) =	sbr.ind lr, $3  }
0x3a: {  	_ = 	snop  }
0x3b: {  	_ = 	snop  }
0x3c: {  	p2 =	seq.s32 s10, $0x1;
	s10 =	sld [smem:$0x3FB6]  }
0x3d: {  	_ =	shalt  }
0x3e: {  	_ =	shalt  }
0x3f: {  	_ =	shalt  }
0x40: {  	_ =	shalt  }
0x41: {  	_ =	shalt  }
0x42: {  	_ =	shalt  }
0x43: {  	_ =	shalt  }
0x44: {  	_ =	shalt  }
0x45: {  	_ =	shalt  }
0x46: {  	_ =	shalt  }
0x47: {  	_ =	shalt  }
0x48: {  	_ =	shalt  }
0x49: {  	_ =	shalt  }
0x4a: {  	_ =	shalt  }
0x4b: {  	_ =	shalt  }
0x4c: {  	_ =	shalt  }
0x4d: {  	_ =	shalt  }
0x4e: {  	_ =	shalt  }
0x4f: {  	_ =	shalt  }
0x50: {  	_ =	shalt  }
0x51: {  	_ =	shalt  }
0x52: {  	_ =	shalt  }
0x53: {  	_ =	shalt  }
0x54: {  	_ =	shalt  }
0x55: {  	_ =	shalt  }
0x56: {  	_ =	shalt  }
0x57: {  	_ =	shalt  }
0x58: {  	_ =	shalt  }
0x59: {  	_ =	shalt  }
0x5a: {  	_ =	shalt  }
0x5b: {  	_ =	shalt  }
0x5c: {  	_ =	shalt  }
0x5d: {  	_ =	shalt  }
0x5e: {  	_ =	shalt  }
0x5f: {  	_ =	shalt  }
0x60: {  	_ =	shalt  }
0x61: {  	_ =	shalt  }
0x62: {  	_ =	shalt  }
0x63: {  	_ =	shalt  }
0x64: {  	_ =	shalt  }
0x65: {  	_ =	shalt  }
0x66: {  	_ =	shalt  }
0x67: {  	_ =	shalt  }
0x68: {  	_ =	shalt  }
0x69: {  	_ =	shalt  }
0x6a: {  	_ =	shalt  }
0x6b: {  	_ =	shalt  }
0x6c: {  	_ =	shalt  }
0x6d: {  	_ =	shalt  }
0x6e: {  	_ =	shalt  }
0x6f: {  	_ =	shalt  }
0x70: {  	_ =	shalt  }
0x71: {  	_ =	shalt  }
0x72: {  	_ =	shalt  }
0x73: {  	_ =	shalt  }
0x74: {  	_ =	shalt  }
0x75: {  	_ =	shalt  }
0x76: {  	_ =	shalt  }
0x77: {  	_ =	shalt  }
0x78: {  	_ =	shalt  }
0x79: {  	_ =	shalt  }
0x7a: {  	_ =	shalt  }
0x7b: {  	_ =	shalt  }
0x7c: {  	_ =	shalt  }
0x7d: {  	_ =	shalt  }
0x7e: {  	_ =	shalt  }
0x7f: {  	_ =	shalt  }
0x80: {  	_ =	shalt  }
0x81: {  	_ =	shalt  }
0x82: {  	_ =	shalt  }
0x83: {  	_ =	shalt  }
0x84: {  	_ =	shalt  }
0x85: {  	_ =	shalt  }
0x86: {  	_ =	shalt  }
0x87: {  	_ =	shalt  }
.Lfunc_end0:
.L_simem_size_0:
called_computation.1_lowered:
.L_overlay_start_0:
0x88: {  	s2 =	sld [smem:$0x3FD9]  }
0x89: {  	s3 =	sld [smem:$0x3FFE];
	_ =	sdelay $0x1  }
0x8a: {  	s1 =	srdreg.scid  }
0x8b: {  	s0 =	sand.u32 $0x1, s1  }
0x8c: {  	s17 =	sshll.u32 s0, $0xA;
	s2 =	sadd.s32 s3, s2  }
0x8d: {  	s2 =	sadd.s32 s2, s17  }
0x8e: {  	[smem:$0x3FC2] =	sst s2  }
0x8f: {  	_ = 	snop  }
0x90: {  	s2 =	sld [smem:$0x3FD0];
	(tm) =	ssettm $0x1  }
0x91: {  	s18 =	sld [smem:$0x3FFB];
	_ =	sdelay $0x3  }
0x92: {  	_ =	strace s18  }
0x93: {  	s3 =	sld [smem:$0x3FFC];
	_ =	sdelay $0x3  }
0x94: {  	_ =	strace s3  }
0x95: {  	s3 =	sld [smem:$0x3FFD];
	_ =	sdelay $0x3  }
0x96: {  	_ =	strace s3  }
0x97: {  	_ =	strace $0x8FFFFFFF  }
0x98: {  	s19 =	sld [smem:$0x3FDB];
	_ =	sdelay $0x1  }
0x99: {  	s4 =	simm.s32 $_scs_section_size  }
0x9a: {  	s5 =	simm.s32 $_size__tile_overlayer_lowered;
	s6 =	simm.s32 $_tile_overlayer_lowered  }
0x9b: {  	s22 =	simm.s32 $0x1BFF;
	s21 =	sshll.u32 s6, $0x1;
	s3 =	sadd.s32 s4, s19  }
0x9c: {  	s7 =	simm.s32 $0x0;
	s20 =	sshll.u32 s5, $0x1;
	s5 =	sadd.s32 s21, s3  }
0x9d: {  	[timem:s7], [sflag:s22] =	dma.local [hbm:s5], s20  }
0x9e: {  	_ =	swait.ge [sflag:s22], s20  }
0x9f: {  	s4 =	ssub.s32 $0x0, s20;
	[sflag:s22] =	ssyncset.done $0x0  }
0xa0: {  	[sflag:s22] =	ssyncadd.s32 s4;
	_ =	sdelay $0x1  }
0xa1: {  	s23 =	simm.s32 $0x1B8B  }
0xa2: {  	_ =	swait.ge [sflag:s23], $0x1  }
0xa3: {  	[sflag:s23] =	ssyncset.done $0x0  }
0xa4: {  	s25 =	simm.s32 $0x1B8E;
	s24 =	sld [smem:$0x3FFE];
	[sflag:s23] =	ssyncadd.s32 $0xFFFFFFFF  }
0xa5: {  	s26 =	simm.s32 $execute0_lowered;
	[smem:$0x3FD2] =	sst s25  }
0xa6: {  	s5 =	sshll.u32 s26, $0x1;
	_ =	strace $0x80000049;
	[dreg:$0x1] =	wrdreg $0xFFFFFFFF  }
0xa7: {  	s28 =	simm.s32 $_size_execute0_lowered;
	s3 =	sadd.s32 s3, s5;
	[dreg:$0x0] =	wrdreg $0x0  }
0xa8: {  	s5 =	sshll.u32 s28, $0x1;
	[dreg:$0x2] =	wrdreg s3  }
0xa9: {  	[dreg:$0x3] =	wrdreg s5  }
0xaa: {  	[dreg:$0x4] =	wrdreg $0xC0  }
0xab: {  	_ =	task [dreg:s7], $0x5FFFF  }
0xac: {  	[dreg:$0x1] =	wrdreg $0xFFFFFFFF  }
0xad: {  	[dreg:$0x0] =	wrdreg $0x60  }
0xae: {  	[dreg:$0x2] =	wrdreg s24  }
0xaf: {  	[dreg:$0x3] =	wrdreg s2  }
0xb0: {  	[dreg:$0x4] =	wrdreg $0xAF000  }
0xb1: {  	[dreg:$0x5] =	wrdreg $0x9  }
0xb2: {  	_ =	task.clear_ibuf [dreg:s7], $0x6FFFF;
	_ =	strace $0x90000049  }
0xb3: {  	s29 =	simm.s32 $0x9;
	_ =	strace $0x8000004B  }
0xb4: {  	_ =	swait.ge [sflag:s29], $0x1  }
0xb5: {  	[sflag:s29] =	ssyncadd.s32 $0xFFFFFFFF  }
0xb6: {  	_ =	strace $0x9000004B  }
0xb7: {  	_ =	sfence  }
0xb8: {  	s30 =	sld [smem:$0x0];
	_ =	sdelay $0x2  }
0xb9: {  	s31 =	sshll.u32 s1, $0xD;
	s1 =	sshrl.u32 s1, $0x2  }
0xba: {  	s3 =	sand.u32 $0x4000, s31;
	s1 =	sadd.s32 s1, s30  }
0xbb: {  	s0 =	sor.u32 s3, s0;
	s1 =	sshll.u32 s1, $0x11  }
0xbc: {  	s0 =	sor.u32 s1, s0  }
0xbd: {  	s0 =	sadd.s32 $0x8F2B, s0  }
0xbe: {  	[sflag:s0] =	ssyncadd.remote.s32 $0x1  }
0xbf: {  	_ =	sfence.sel $0xFFFF  }
0xc0: {  	[dreg:$0x0] =	wrdreg $0xFFFFFFFF;
	(pc) =	sbr.abs _section_cstart, $3  }
0xc1: {  	[dreg:$0x1] =	wrdreg $0xFFFFFFFF  }
0xc2: {  	_ =	task.clear_ibuf [dreg:s7], $0x2FFFF;
	_ =	strace $0x9FFFFFFF  }
0xc3: {  	(tm) =	ssettm $0x7FFFFFFF  }
tec
execute0_lowered:
.L_overlay_start_1:
0x0: {  	(tag) =	ssettag $0x1  }
0x1: {  	s1 =	rddreg [dreg:$0x0]  }
0x2: {  	s0 =	srdreg.scid;
	s8 =	rddreg [dreg:$0x1]  }
0x3: {  	s6 =	stileid.u32;
	s2 =	rddreg [dreg:$0x2];
	s11 =	simm.s32 $0xE  }
0x4: {  	s12 =	simm.s32 $0x1;
	s13 =	simm.s32 $0x80;
	s14 =	simm.s32 $0x4F00  }
0x5: {  	s15 =	simm.s32 $0x2;
	s16 =	simm.s32 $0x5700;
	s17 =	simm.s32 $0x3  }
0x6: {  	s18 =	simm.s32 $0x5F00;
	s19 =	simm.s32 $0x4;
	s20 =	simm.s32 $0x6700  }
0x7: {  	s21 =	simm.s32 $0x5;
	s22 =	simm.s32 $0x6F00;
	s23 =	simm.s32 $0x6  }
0x8: {  	s24 =	simm.s32 $0x7700;
	s28 =	simm.s32 $0x9;
	s29 =	simm.s32 $0xA  }
0x9: {  	s30 =	simm.s32 $0xB;
	s31 =	simm.s32 $0xC;
	s0 =	sand.u32 $0x1, s0  }
0xa: {  	s7 =	smul.u32 $0x2800, s6;
	s3 =	sshll.u32 s0, $0x4;
	s25 =	ssub.s32 $0x2, s0  }
0xb: {  	s0 =	smul.u32 $0x28000, s0;
	s10 =	sor.u32 s6, s3;
	s3 =	simm.s32 $0x0  }
0xc: {  	s26 =	sshrl.u32 s25, $0x1;
	s4 =	smul.u32 $0x4E, s10;
	[smem:$0x7FF] =	sst s3  }
0xd: {  	s5 =	smin.u32 s10, $0x4;
	s9 =	ssub.s32 s25, s26;
	s0 =	sadd.s32 s7, s0  }
0xe: {  	s7 =	sadd.s32 s7, s2;
	p0 =	sgt.u32 s10, $0x3;
	s25 =	simm.s32 $0x7  }
0xf: {  	s26 =	simm.s32 $0x8;
	_ =	strace $0x8000004A;
	s4 =	sadd.s32 s5, s4  }
0x10: {  	s0 =	sshrl.u32 s0, $0x3;
	s9 =	smax.u32 s9, $0x1;
	s5 =	sshll.u32 s4, $0x4  }
0x11: {  	s0 =	sadd.s32 s8, s0;
	s4 =	sadd.s32 $0x16200, s1;
	s1 =	sadd.s32 s5, s1  }
0x12: {  	v0 =	vimm.f32 $0.0e+00;
	[dreg:$0x4] =	wrdreg s0;
	s5 =	sadd.s32 $0x2600, s1;
	s6 =	sadd.s32 $0xC400, s1  }
.LBB2_1:
0x13: {  	s1 =	simm.s32 @p0 $0x0;
	s10 =	simm.s32 @p0 $0xE  }
0x14: {  	[tilespmem:s1], [sflag:$0xE] =	stream.linear.gather @p0 [hbm4b:s5+s1], $0x2700, $0x38;
	[tilespmem:$0xD700] =	vst v63  }
0x15: {  	_ =	swait.ge @p0 [sflag:s10], $0x2700  }
0x16: {  	[sflag:s10] =	ssyncset.done @p0 $0x0  }
0x17: {  	s0 =	simm.s32 @p0 $0x2780;
	[sflag:s10] =	ssyncadd.s32 @p0 $0xFFFFD900  }
0x18: {  	[tilespmem:s0], [sflag:$0xE] =	stream.linear.gather @p0 [hbm4b:s6+s1], $0x2700, $0x38;
	[tilespmem:$0xD700] =	vst v63  }
0x19: {  	_ =	swait.ge @p0 [sflag:s10], $0x2700  }
0x1a: {  	[sflag:s10] =	ssyncset.done @p0 $0x0  }
0x1b: {  	s0 =	simm.s32 @!p0 $0x0;
	s1 =	simm.s32 @!p0 $0xE;
	[sflag:s10] =	ssyncadd.s32 @p0 $0xFFFFD900  }
0x1c: {  	[tilespmem:s0], [sflag:$0xE] =	stream.linear.gather @!p0 [hbm4b:s5+s0], $0x2780, $0x38;
	[tilespmem:$0xD700] =	vst v63  }
0x1d: {  	_ =	swait.ge @!p0 [sflag:s1], $0x2780  }
0x1e: {  	[sflag:s1] =	ssyncset.done @!p0 $0x0  }
0x1f: {  	s10 =	simm.s32 @!p0 $0x2780;
	[sflag:s1] =	ssyncadd.s32 @!p0 $0xFFFFD880  }
0x20: {  	[tilespmem:s10], [sflag:$0xE] =	stream.linear.gather @!p0 [hbm4b:s6+s0], $0x2780, $0x38;
	[tilespmem:$0xD700] =	vst v63  }
0x21: {  	_ =	swait.ge @!p0 [sflag:s1], $0x2780  }
0x22: {  	[sflag:s1] =	ssyncset.done @!p0 $0x0  }
0x23: {  	s10 =	simm.s32 $0x0;
	[sflag:s1] =	ssyncadd.s32 @!p0 $0xFFFFD880;
	s1 =	simm.s32 $0x40  }
.LBB2_2:
0x24: {  	p1 =	sne.s32 s1, $0x9FC0;
	[tilespmem:s10+$0x8700] =	vst v0;
	s0 =	smov.u32 s1;
	s1 =	sadd.s32 $0x40, s1  }
.Ltmp0:
0x25: {  	(pc) =	sbr.rel @p1 .LBB2_2-.Ltmp0, $2  }
0x26: {  	_ =	sdelay $0x2  }
0x27: {  	s10 =	sshra.s32 s0, $0x2  }
0x28: {  	[tilespmem:s10+$0x8700] =	vst v0;
	s0 =	simm.s32 $0x8700  }
0x29: {  	[spmem:s7] =	stream.linear.scatter [tilespmem:s0], [sflag:$0xE], $0x2800, $0x38;
	[tilespmem:$0xD700] =	vst v63  }
0x2a: {  	_ =	swait.ge [sflag:s11], $0x2800  }
0x2b: {  	[sflag:s11] =	ssyncset.done $0x0  }
0x2c: {  	s1 =	simm.s32 @p0 $0x0;
	[sflag:s11] =	ssyncadd.s32 $0xFFFFD800  }
0x2d: {  	s10 =	simm.s32 @p0 $0x4F00;
	s0 =	simm.s32 @p0 $0x80;
	[bflag:$0x0] =	sbarrier.arrive $0xFFFF  }
0x2e: {  	[tilespmem:s10], [sflag:$0x1] =	stream.indirect.gather @p0 [hbm4b:s4+s0], $0x10, s1, s0, $0xb8;
	[tilespmem:$0xD700] =	vst v63  }
0x2f: {  	s1 =	simm.s32 @p0 $0x5700  }
0x30: {  	[tilespmem:s1], [sflag:$0x2] =	stream.indirect.gather @p0 [hbm4b:s4+s0], $0x10, s0, s0, $0xb8;
	[tilespmem:$0xD700] =	vst v63  }
0x31: {  	s10 =	simm.s32 @p0 $0x5F00;
	s1 =	simm.s32 @p0 $0x100  }
0x32: {  	[tilespmem:s10], [sflag:$0x3] =	stream.indirect.gather @p0 [hbm4b:s4+s0], $0x10, s1, s0, $0xb8;
	[tilespmem:$0xD700] =	vst v63  }
0x33: {  	s1 =	simm.s32 @p0 $0x180;
	s10 =	simm.s32 @p0 $0x6700  }
0x34: {  	[tilespmem:s10], [sflag:$0x4] =	stream.indirect.gather @p0 [hbm4b:s4+s0], $0x10, s1, s0, $0xb8;
	[tilespmem:$0xD700] =	vst v63  }
0x35: {  	s1 =	simm.s32 @p0 $0x200;
	s10 =	simm.s32 @p0 $0x6F00  }
0x36: {  	[tilespmem:s10], [sflag:$0x5] =	stream.indirect.gather @p0 [hbm4b:s4+s0], $0x10, s1, s0, $0xb8;
	[tilespmem:$0xD700] =	vst v63  }
0x37: {  	s1 =	simm.s32 @p0 $0x280;
	s10 =	simm.s32 @p0 $0x7700  }
0x38: {  	[tilespmem:s10], [sflag:$0x6] =	stream.indirect.gather @p0 [hbm4b:s4+s0], $0x10, s1, s0, $0xb8;
	[tilespmem:$0xD700] =	vst v63  }
0x39: {  	s0 =	simm.s32 @!p0 $0x80;
	s1 =	simm.s32 @!p0 $0x2700;
	s10 =	simm.s32 @!p0 $0x7F00  }
0x3a: {  	[tilespmem:s10], [sflag:$0xD] =	stream.indirect.gather @!p0 [hbm4b:s4+s0], $0x10, s1, s0, $0xb8;
	[tilespmem:$0xD700] =	vst v63  }
0x3b: {  	s8 =	simm.s32 @!p0 $0x4F00;
	s1 =	simm.s32 @!p0 $0x0  }
0x3c: {  	[tilespmem:s8], [sflag:$0x1] =	stream.indirect.gather @!p0 [hbm4b:s4+s0], $0x10, s1, s0, $0xb8;
	[tilespmem:$0xD700] =	vst v63  }
0x3d: {  	s1 =	simm.s32 @!p0 $0x5700  }
0x3e: {  	[tilespmem:s1], [sflag:$0x2] =	stream.indirect.gather @!p0 [hbm4b:s4+s0], $0x10, s0, s0, $0xb8;
	[tilespmem:$0xD700] =	vst v63  }
0x3f: {  	s8 =	simm.s32 @!p0 $0x5F00;
	s1 =	simm.s32 @!p0 $0x100  }
0x40: {  	[tilespmem:s8], [sflag:$0x3] =	stream.indirect.gather @!p0 [hbm4b:s4+s0], $0x10, s1, s0, $0xb8;
	[tilespmem:$0xD700] =	vst v63  }
0x41: {  	s1 =	simm.s32 @!p0 $0x180;
	s8 =	simm.s32 @!p0 $0x6700  }
0x42: {  	[tilespmem:s8], [sflag:$0x4] =	stream.indirect.gather @!p0 [hbm4b:s4+s0], $0x10, s1, s0, $0xb8;
	[tilespmem:$0xD700] =	vst v63  }
0x43: {  	s1 =	simm.s32 @!p0 $0x200;
	s8 =	simm.s32 @!p0 $0x6F00  }
0x44: {  	[tilespmem:s8], [sflag:$0x5] =	stream.indirect.gather @!p0 [hbm4b:s4+s0], $0x10, s1, s0, $0xb8;
	[tilespmem:$0xD700] =	vst v63  }
0x45: {  	s1 =	simm.s32 @!p0 $0x280;
	s8 =	simm.s32 @!p0 $0x7700  }
0x46: {  	[tilespmem:s8], [sflag:$0x6] =	stream.indirect.gather @!p0 [hbm4b:s4+s0], $0x10, s1, s0, $0xb8;
	[tilespmem:$0xD700] =	vst v63  }
0x47: {  	s1 =	simm.s32 @!p0 $0xD  }
0x48: {  	_ =	swait.ge @!p0 [sflag:s1], $0x800  }
0x49: {  	[sflag:s1] =	ssyncset.done @!p0 $0x0  }
0x4a: {  	[sflag:s1] =	ssyncadd.s32 @!p0 $0xFFFFF800;
	s1 =	simm.s32 @!p0 $0x4E80  }
0x4b: {  	[spmem:s2] =	stream.indirect.scatter.add.f32 @!p0 [tilespmem:s10], [sflag:$0xD], $0x10, s1, s0, $0xb8;
	[tilespmem:$0xD700] =	vst v63  }
0x4c: {  	_ =	swait.ge [sflag:s12], $0x800  }
0x4d: {  	[sflag:s12] =	ssyncset.done $0x0  }
0x4e: {  	s8 =	simm.s32 $0x2780;
	[sflag:s12] =	ssyncadd.s32 $0xFFFFF800  }
0x4f: {  	[spmem:s2] =	stream.indirect.scatter.add.f32 [tilespmem:s14], [sflag:$0x7], $0x10, s8, s13, $0xb8;
	[tilespmem:$0xD700] =	vst v63  }
0x50: {  	_ =	swait.ge [sflag:s15], $0x800  }
0x51: {  	[sflag:s15] =	ssyncset.done $0x0  }
0x52: {  	s10 =	simm.s32 $0x2800;
	[sflag:s15] =	ssyncadd.s32 $0xFFFFF800  }
0x53: {  	[spmem:s2] =	stream.indirect.scatter.add.f32 [tilespmem:s16], [sflag:$0x8], $0x10, s10, s13, $0xb8;
	[tilespmem:$0xD700] =	vst v63  }
0x54: {  	_ =	swait.ge [sflag:s17], $0x800  }
0x55: {  	[sflag:s17] =	ssyncset.done $0x0  }
0x56: {  	s1 =	simm.s32 $0x2880;
	[sflag:s17] =	ssyncadd.s32 $0xFFFFF800  }
0x57: {  	[spmem:s2] =	stream.indirect.scatter.add.f32 [tilespmem:s18], [sflag:$0x9], $0x10, s1, s13, $0xb8;
	[tilespmem:$0xD700] =	vst v63  }
0x58: {  	_ =	swait.ge [sflag:s19], $0x800  }
0x59: {  	[sflag:s19] =	ssyncset.done $0x0  }
0x5a: {  	s8 =	simm.s32 $0x2900;
	[sflag:s19] =	ssyncadd.s32 $0xFFFFF800  }
0x5b: {  	[spmem:s2] =	stream.indirect.scatter.add.f32 [tilespmem:s20], [sflag:$0xA], $0x10, s8, s13, $0xb8;
	[tilespmem:$0xD700] =	vst v63  }
0x5c: {  	_ =	swait.ge [sflag:s21], $0x800  }
0x5d: {  	[sflag:s21] =	ssyncset.done $0x0  }
0x5e: {  	s10 =	simm.s32 $0x2980;
	[sflag:s21] =	ssyncadd.s32 $0xFFFFF800  }
0x5f: {  	[spmem:s2] =	stream.indirect.scatter.add.f32 [tilespmem:s22], [sflag:$0xB], $0x10, s10, s13, $0xb8;
	[tilespmem:$0xD700] =	vst v63  }
0x60: {  	_ =	swait.ge [sflag:s23], $0x800  }
0x61: {  	[sflag:s23] =	ssyncset.done $0x0  }
0x62: {  	s1 =	simm.s32 $0x2A00;
	[sflag:s23] =	ssyncadd.s32 $0xFFFFF800  }
0x63: {  	[spmem:s2] =	stream.indirect.scatter.add.f32 [tilespmem:s24], [sflag:$0xC], $0x10, s1, s13, $0xb8;
	[tilespmem:$0xD700] =	vst v63  }
0x64: {  	_ =	swait.ge [sflag:s25], $0x800  }
0x65: {  	[sflag:s25] =	ssyncset.done $0x0  }
0x66: {  	s8 =	simm.s32 $0x300;
	[sflag:s25] =	ssyncadd.s32 $0xFFFFF800  }
0x67: {  	[tilespmem:s14], [sflag:$0x1] =	stream.indirect.gather [hbm4b:s4+s13], $0x10, s8, s13, $0xb8;
	[tilespmem:$0xD700] =	vst v63  }
0x68: {  	_ =	swait.ge [sflag:s26], $0x800  }
0x69: {  	[sflag:s26] =	ssyncset.done $0x0  }
0x6a: {  	s10 =	simm.s32 $0x380;
	[sflag:s26] =	ssyncadd.s32 $0xFFFFF800  }
0x6b: {  	[tilespmem:s16], [sflag:$0x2] =	stream.indirect.gather [hbm4b:s4+s13], $0x10, s10, s13, $0xb8;
	[tilespmem:$0xD700] =	vst v63  }
0x6c: {  	_ =	swait.ge [sflag:s28], $0x800  }
0x6d: {  	[sflag:s28] =	ssyncset.done $0x0  }
0x6e: {  	s1 =	simm.s32 $0x400;
	[sflag:s28] =	ssyncadd.s32 $0xFFFFF800  }
0x6f: {  	[tilespmem:s18], [sflag:$0x3] =	stream.indirect.gather [hbm4b:s4+s13], $0x10, s1, s13, $0xb8;
	[tilespmem:$0xD700] =	vst v63  }
0x70: {  	_ =	swait.ge [sflag:s29], $0x800  }
0x71: {  	[sflag:s29] =	ssyncset.done $0x0  }
0x72: {  	s8 =	simm.s32 $0x480;
	[sflag:s29] =	ssyncadd.s32 $0xFFFFF800  }
0x73: {  	[tilespmem:s20], [sflag:$0x4] =	stream.indirect.gather [hbm4b:s4+s13], $0x10, s8, s13, $0xb8;
	[tilespmem:$0xD700] =	vst v63  }
0x74: {  	_ =	swait.ge [sflag:s30], $0x800  }
0x75: {  	[sflag:s30] =	ssyncset.done $0x0  }
0x76: {  	s10 =	simm.s32 $0x500;
	[sflag:s30] =	ssyncadd.s32 $0xFFFFF800  }
0x77: {  	[tilespmem:s22], [sflag:$0x5] =	stream.indirect.gather [hbm4b:s4+s13], $0x10, s10, s13, $0xb8;
	[tilespmem:$0xD700] =	vst v63  }
0x78: {  	_ =	swait.ge [sflag:s31], $0x800  }
0x79: {  	[sflag:s31] =	ssyncset.done $0x0  }
0x7a: {  	s1 =	simm.s32 $0xC00;
	s10 =	simm.s32 $0x580;
	[sflag:s31] =	ssyncadd.s32 $0xFFFFF800  }
.LBB2_4:
0x7b: {  	[tilespmem:s24], [sflag:$0x6] =	stream.indirect.gather [hbm4b:s4+s13], $0x10, s10, s13, $0xb8;
	[tilespmem:$0xD700] =	vst v63  }
0x7c: {  	s0 =	smov.u32 s1  }
0x7d: {  	p1 =	sne.s32 s1, $0x8400;
	s1 =	sadd.s32 $0xC00, s1;
	_ =	swait.ge [sflag:s12], $0x800  }
0x7e: {  	s10 =	sshra.s32 s0, $0x2;
	[sflag:s12] =	ssyncset.done $0x0  }
0x7f: {  	s0 =	sadd.s32 $0x2780, s10;
	[sflag:s12] =	ssyncadd.s32 $0xFFFFF800  }
0x80: {  	[spmem:s2] =	stream.indirect.scatter.add.f32 [tilespmem:s14], [sflag:$0x7], $0x10, s0, s13, $0xb8;
	[tilespmem:$0xD700] =	vst v63  }
0x81: {  	_ =	swait.ge [sflag:s15], $0x800  }
0x82: {  	[sflag:s15] =	ssyncset.done $0x0  }
0x83: {  	s0 =	sadd.s32 $0x2800, s10;
	[sflag:s15] =	ssyncadd.s32 $0xFFFFF800  }
0x84: {  	[spmem:s2] =	stream.indirect.scatter.add.f32 [tilespmem:s16], [sflag:$0x8], $0x10, s0, s13, $0xb8;
	[tilespmem:$0xD700] =	vst v63  }
0x85: {  	_ =	swait.ge [sflag:s17], $0x800  }
0x86: {  	[sflag:s17] =	ssyncset.done $0x0  }
0x87: {  	s0 =	sadd.s32 $0x2880, s10;
	[sflag:s17] =	ssyncadd.s32 $0xFFFFF800  }
0x88: {  	[spmem:s2] =	stream.indirect.scatter.add.f32 [tilespmem:s18], [sflag:$0x9], $0x10, s0, s13, $0xb8;
	[tilespmem:$0xD700] =	vst v63  }
0x89: {  	_ =	swait.ge [sflag:s19], $0x800  }
0x8a: {  	[sflag:s19] =	ssyncset.done $0x0  }
0x8b: {  	s0 =	sadd.s32 $0x2900, s10;
	[sflag:s19] =	ssyncadd.s32 $0xFFFFF800  }
0x8c: {  	[spmem:s2] =	stream.indirect.scatter.add.f32 [tilespmem:s20], [sflag:$0xA], $0x10, s0, s13, $0xb8;
	[tilespmem:$0xD700] =	vst v63  }
0x8d: {  	_ =	swait.ge [sflag:s21], $0x800  }
0x8e: {  	[sflag:s21] =	ssyncset.done $0x0  }
0x8f: {  	s0 =	sadd.s32 $0x2980, s10;
	[sflag:s21] =	ssyncadd.s32 $0xFFFFF800  }
0x90: {  	[spmem:s2] =	stream.indirect.scatter.add.f32 [tilespmem:s22], [sflag:$0xB], $0x10, s0, s13, $0xb8;
	[tilespmem:$0xD700] =	vst v63  }
0x91: {  	_ =	swait.ge [sflag:s23], $0x800  }
0x92: {  	[sflag:s23] =	ssyncset.done $0x0  }
0x93: {  	s0 =	sadd.s32 $0x2A00, s10;
	[sflag:s23] =	ssyncadd.s32 $0xFFFFF800  }
0x94: {  	[spmem:s2] =	stream.indirect.scatter.add.f32 [tilespmem:s24], [sflag:$0xC], $0x10, s0, s13, $0xb8;
	[tilespmem:$0xD700] =	vst v63  }
0x95: {  	_ =	swait.ge [sflag:s25], $0x800  }
0x96: {  	[sflag:s25] =	ssyncset.done $0x0  }
0x97: {  	s0 =	sadd.s32 $0x300, s10;
	[sflag:s25] =	ssyncadd.s32 $0xFFFFF800  }
0x98: {  	[tilespmem:s14], [sflag:$0x1] =	stream.indirect.gather [hbm4b:s4+s13], $0x10, s0, s13, $0xb8;
	[tilespmem:$0xD700] =	vst v63  }
0x99: {  	_ =	swait.ge [sflag:s26], $0x800  }
0x9a: {  	[sflag:s26] =	ssyncset.done $0x0  }
0x9b: {  	s0 =	sadd.s32 $0x380, s10;
	[sflag:s26] =	ssyncadd.s32 $0xFFFFF800  }
0x9c: {  	[tilespmem:s16], [sflag:$0x2] =	stream.indirect.gather [hbm4b:s4+s13], $0x10, s0, s13, $0xb8;
	[tilespmem:$0xD700] =	vst v63  }
0x9d: {  	_ =	swait.ge [sflag:s28], $0x800  }
0x9e: {  	[sflag:s28] =	ssyncset.done $0x0  }
0x9f: {  	s0 =	sadd.s32 $0x400, s10;
	[sflag:s28] =	ssyncadd.s32 $0xFFFFF800  }
0xa0: {  	[tilespmem:s18], [sflag:$0x3] =	stream.indirect.gather [hbm4b:s4+s13], $0x10, s0, s13, $0xb8;
	[tilespmem:$0xD700] =	vst v63  }
0xa1: {  	_ =	swait.ge [sflag:s29], $0x800  }
0xa2: {  	[sflag:s29] =	ssyncset.done $0x0  }
0xa3: {  	s0 =	sadd.s32 $0x480, s10;
	[sflag:s29] =	ssyncadd.s32 $0xFFFFF800  }
0xa4: {  	[tilespmem:s20], [sflag:$0x4] =	stream.indirect.gather [hbm4b:s4+s13], $0x10, s0, s13, $0xb8;
	[tilespmem:$0xD700] =	vst v63  }
0xa5: {  	_ =	swait.ge [sflag:s30], $0x800  }
0xa6: {  	[sflag:s30] =	ssyncset.done $0x0  }
.Ltmp1:
0xa7: {  	s0 =	sadd.s32 $0x500, s10;
	[sflag:s30] =	ssyncadd.s32 $0xFFFFF800;
	(pc) =	sbr.rel @p1 .LBB2_4-.Ltmp1, $4  }
0xa8: {  	[tilespmem:s22], [sflag:$0x5] =	stream.indirect.gather [hbm4b:s4+s13], $0x10, s0, s13, $0xb8;
	[tilespmem:$0xD700] =	vst v63  }
0xa9: {  	_ =	swait.ge [sflag:s31], $0x800  }
0xaa: {  	[sflag:s31] =	ssyncset.done $0x0  }
0xab: {  	s10 =	sadd.s32 $0x580, s10;
	[sflag:s31] =	ssyncadd.s32 $0xFFFFF800  }
0xac: {  	[tilespmem:s24], [sflag:$0x6] =	stream.indirect.gather [hbm4b:s4+s13], $0x10, s10, s13, $0xb8;
	[tilespmem:$0xD700] =	vst v63  }
0xad: {  	_ =	swait.ge [sflag:s12], $0x800  }
0xae: {  	[sflag:s12] =	ssyncset.done $0x0  }
0xaf: {  	s0 =	simm.s32 $0x4B80;
	[sflag:s12] =	ssyncadd.s32 $0xFFFFF800  }
0xb0: {  	[spmem:s2] =	stream.indirect.scatter.add.f32 [tilespmem:s14], [sflag:$0x7], $0x10, s0, s13, $0xb8;
	[tilespmem:$0xD700] =	vst v63  }
0xb1: {  	_ =	swait.ge [sflag:s15], $0x800  }
0xb2: {  	[sflag:s15] =	ssyncset.done $0x0  }
0xb3: {  	s1 =	simm.s32 $0x4C00;
	[sflag:s15] =	ssyncadd.s32 $0xFFFFF800  }
0xb4: {  	[spmem:s2] =	stream.indirect.scatter.add.f32 [tilespmem:s16], [sflag:$0x8], $0x10, s1, s13, $0xb8;
	[tilespmem:$0xD700] =	vst v63  }
0xb5: {  	_ =	swait.ge [sflag:s17], $0x800  }
0xb6: {  	[sflag:s17] =	ssyncset.done $0x0  }
0xb7: {  	s8 =	simm.s32 $0x4C80;
	[sflag:s17] =	ssyncadd.s32 $0xFFFFF800  }
0xb8: {  	[spmem:s2] =	stream.indirect.scatter.add.f32 [tilespmem:s18], [sflag:$0x9], $0x10, s8, s13, $0xb8;
	[tilespmem:$0xD700] =	vst v63  }
0xb9: {  	_ =	swait.ge [sflag:s19], $0x800  }
0xba: {  	[sflag:s19] =	ssyncset.done $0x0  }
0xbb: {  	s10 =	simm.s32 $0x4D00;
	[sflag:s19] =	ssyncadd.s32 $0xFFFFF800  }
0xbc: {  	[spmem:s2] =	stream.indirect.scatter.add.f32 [tilespmem:s20], [sflag:$0xA], $0x10, s10, s13, $0xb8;
	[tilespmem:$0xD700] =	vst v63  }
0xbd: {  	_ =	swait.ge [sflag:s21], $0x800  }
0xbe: {  	[sflag:s21] =	ssyncset.done $0x0  }
0xbf: {  	s1 =	simm.s32 $0x4D80;
	[sflag:s21] =	ssyncadd.s32 $0xFFFFF800  }
0xc0: {  	[spmem:s2] =	stream.indirect.scatter.add.f32 [tilespmem:s22], [sflag:$0xB], $0x10, s1, s13, $0xb8;
	[tilespmem:$0xD700] =	vst v63  }
0xc1: {  	_ =	swait.ge [sflag:s23], $0x800  }
0xc2: {  	[sflag:s23] =	ssyncset.done $0x0  }
0xc3: {  	s8 =	simm.s32 $0x4E00;
	[sflag:s23] =	ssyncadd.s32 $0xFFFFF800  }
0xc4: {  	[spmem:s2] =	stream.indirect.scatter.add.f32 [tilespmem:s24], [sflag:$0xC], $0x10, s8, s13, $0xb8;
	[tilespmem:$0xD700] =	vst v63  }
0xc5: {  	_ =	swait.ge [sflag:s25], $0x800  }
0xc6: {  	[sflag:s25] =	ssyncset.done $0x0  }
0xc7: {  	[sflag:s25] =	ssyncadd.s32 $0xFFFFF800  }
0xc8: {  	_ =	swait.ge [sflag:s26], $0x800  }
0xc9: {  	[sflag:s26] =	ssyncset.done $0x0  }
0xca: {  	[sflag:s26] =	ssyncadd.s32 $0xFFFFF800  }
0xcb: {  	_ =	swait.ge [sflag:s28], $0x800  }
0xcc: {  	[sflag:s28] =	ssyncset.done $0x0  }
0xcd: {  	[sflag:s28] =	ssyncadd.s32 $0xFFFFF800  }
0xce: {  	_ =	swait.ge [sflag:s29], $0x800  }
0xcf: {  	[sflag:s29] =	ssyncset.done $0x0  }
0xd0: {  	[sflag:s29] =	ssyncadd.s32 $0xFFFFF800  }
0xd1: {  	_ =	swait.ge [sflag:s30], $0x800  }
0xd2: {  	[sflag:s30] =	ssyncset.done $0x0  }
0xd3: {  	[sflag:s30] =	ssyncadd.s32 $0xFFFFF800  }
0xd4: {  	_ =	swait.ge [sflag:s31], $0x800  }
0xd5: {  	[sflag:s31] =	ssyncset.done $0x0  }
0xd6: {  	s0 =	simm.s32 @!p0 $0xD;
	[sflag:s31] =	ssyncadd.s32 $0xFFFFF800  }
0xd7: {  	_ =	swait.ge @!p0 [sflag:s0], $0x800  }
0xd8: {  	s3 =	sadd.s32 $0x1, s3;
	[sflag:s0] =	ssyncset.done @!p0 $0x0  }
0xd9: {  	p1 =	sne.s32 s3, s9;
	s10 =	stileid.u32;
	[sflag:s0] =	ssyncadd.s32 @!p0 $0xFFFFF800  }
0xda: {  	s1 =	sshrl.u32 s7, $0x3;
	s0 =	sshll.u32 s10, $0x6;
	[bflag:$0x0] =	sbarrier.arrive $0xFFFF  }
.Ltmp2:
0xdb: {  	s0 =	sor.u32 $0x1C0E, s0;
	s8 =	rddreg [dreg:$0x4];
	(pc) =	sbr.rel @p1 .LBB2_1-.Ltmp2, $4  }
0xdc: {  	[hbm:s8], [sflag:s0] =	dma.local [spmem:s1], $0x500  }
0xdd: {  	_ =	swait.ge [sflag:s11], $0x500  }
0xde: {  	[sflag:s11] =	ssyncset.done $0x0  }
0xdf: {  	[sflag:s11] =	ssyncadd.s32 $0xFFFFFB00  }
0xe0: {  	_ =	sfence.sel $0x180000  }
0xe1: {  	[bflag:$0x0] =	sbarrier.arrive $0xFFFF  }
0xe2: {  	_ =	strace $0x9000004A  }
0xe3: {  	s0 =	stileid.u32;
	[bflag:$0x2] =	sbarrier.arrive $0xFFFF  }
0xe4: {  	p0 =	sne.s32 s0, $0x0;
	s0 =	rddreg [dreg:$0x3]  }
0xe5: {  	s0 =	sadd.s32 @!p0 $0x100000, s0  }
0xe6: {  	[sflag:s0] =	ssyncadd.tile.s32 @!p0 $0x1;
	_ =	shalt  }
.Lfunc_end2:
_tile_overlayer_lowered:
.L_overlay_start_2:
0xe7: {  	(tag) =	ssettag $0x2  }
0xe8: {  	s0 =	rddreg [dreg:$0x0];
	s2 =	stileid.u32  }
0xe9: {  	s1 =	rddreg [dreg:$0x1];
	p0 =	sne.s32 s2, $0x0  }
0xea: {  	s3 =	rddreg [dreg:$0x2];
	[bflag:$0x3] =	sbarrier.arrive $0xFFFF;
	s2 =	simm.s32 @!p0 $0x1C0E  }
0xeb: {  	[timem:s3], [sflag:s2] =	dma.local @!p0 [hbm:s0], s1  }
0xec: {  	s0 =	simm.s32 @!p0 $0xE  }
0xed: {  	_ =	swait.ge @!p0 [sflag:s0], s1  }
0xee: {  	s1 =	ssub.s32 @!p0 $0x0, s1;
	[sflag:s0] =	ssyncset.done @!p0 $0x0  }
0xef: {  	[sflag:s0] =	ssyncadd.s32 @!p0 s1  }
0xf0: {  	[bflag:$0x3] =	sbarrier.arrive $0xFFFF  }
0xf1: {  	_ =	shalt  }

// kernel: kernel.15.cloned.1.call-start
scs
__scs_entry_jumppad:
0x0: {  	(pc) =	sbr.rel $0x88, $3  }
0x1: {  	(tag) =	ssettag $0x0;
	lr =	simm.s32 $0x1  }
0x2: {  	[smem:$0x3F9B] =	sst lr;
	_ =	strace $0xD0000000  }
0x3: {  	_ = 	snop  }
0x4: {  	_ = 	snop  }
0x5: {  	_ = 	snop  }
0x6: {  	_ = 	snop  }
0x7: {  	_ = 	snop  }
__scs_overlays_trampoline_lowered:
0x8: {  	[smem:$0x3FAA] =	sst s0  }
0x9: {  	[smem:$0x3FAB] =	sst s1  }
0xa: {  	[smem:$0x3FAC] =	sst s2  }
0xb: {  	[smem:$0x3FAD] =	sst s3  }
0xc: {  	[smem:$0x3FAE] =	sst s4  }
0xd: {  	[smem:$0x3FAF] =	sst s5  }
0xe: {  	[smem:$0x3FB0] =	sst s6  }
0xf: {  	[smem:$0x3FB1] =	sst s7  }
0x10: {  	[smem:$0x3FB2] =	sst s8  }
0x11: {  	[smem:$0x3FB3] =	sst s9;
	s0 =	simm.s32 @!p0 $0x0  }
0x12: {  	s1 =	sld [smem:$0x3F99];
	s0 =	simm.s32 @p0 $0x1  }
0x13: {  	[smem:$0x3FB4] =	sst s0;
	s0 =	simm.s32 @!p1 $0x0  }
0x14: {  	s2 =	sld [smem:$0x3F98];
	s0 =	simm.s32 @p1 $0x1  }
0x15: {  	[smem:$0x3FB5] =	sst s0;
	s0 =	simm.s32 @!p2 $0x0  }
0x16: {  	s3 =	sld [smem:$0x3FDB];
	s0 =	simm.s32 @p2 $0x1  }
0x17: {  	s4 =	simm.s32 $0x1BF5;
	[smem:$0x3FB7] =	sst s0  }
0x18: {  	s0 =	sld [smem:$0x3F9A];
	_ =	swait.ge [sflag:s4], $0x0  }
0x19: {  	s7 =	sld [smem:$0x3F9B]  }
0x1a: {  	s8 =	sadd.s32 $0xFFFFE003, lr  }
0x1b: {  	s9 =	sadd.s32 $0xFFFFFEF7, lr;
	s5 =	simm.s32 $0xFFFFFFFF;
	p2 =	slt.u32 s8, $0xFFFFF086  }
0x1c: {  	p1 =	slt.u32 s9, $0xF7A;
	s5 =	simm.s32 @!p2 $0x0  }
0x1d: {  	s5 =	simm.s32 @p1 $0x1;
	p0 =	seq.s32 s7, s2  }
0x1e: {  	s7 =	smul.u32 @!p0 $0xF7A, s2;
	p2 =	seq.s32 @!p0 s5, $0x0  }
0x1f: {  	s9 =	smul.u32 $0xF7A, s1;
	s8 =	simm.s32 @!p0 $0x1BF5;
	p2 =	por !p2, p0  }
0x20: {  	[sflag:s8] =	ssyncset.s32 @!p0 $0xFFFFF086;
	s6 =	sadd.s32 @!p0 s3, s7;
	s7 =	simm.s32 @!p0 $0x108  }
0x21: {  	s3 =	sadd.s32 s3, s9;
	s6 =	sadd.s32 @!p0 $0x88, s6;
	s7 =	simm.s32 @p2 $0x1082  }
0x22: {  	[simem:s7], [sflag:s8] =	dma.local @!p0 [hbm:s6], $0xF7A  }
0x23: {  	s9 =	sor.u32 $0xD0000000, s2;
	s6 =	simm.s32 $0x108;
	_ =	swait.ge @!p0 [sflag:s8], $0x0  }
0x24: {  	s3 =	sadd.s32 $0x88, s3;
	s6 =	simm.s32 @!p1 $0x1082;
	[sflag:s4] =	ssyncset.s32 $0xFFFFF086  }
0x25: {  	[simem:s6], [sflag:s4] =	dma.local [hbm:s3], $0xF7A  }
0x26: {  	[smem:$0x3F9B] =	sst s1;
	(tag) =	ssettag s2;
	_ =	strace s9  }
0x27: {  	s1 =	sld [smem:$0x3FAB]  }
0x28: {  	s2 =	sld [smem:$0x3FAC]  }
0x29: {  	s4 =	sld [smem:$0x3FAE]  }
0x2a: {  	p0 =	seq.s32 s5, $0x0;
	s5 =	sld [smem:$0x3FAF]  }
0x2b: {  	s6 =	sld [smem:$0x3FB0]  }
0x2c: {  	s7 =	sld [smem:$0x3FB1]  }
0x2d: {  	s3 =	simm.s32 $0x108;
	s8 =	sld [smem:$0x3FB2]  }
0x2e: {  	s3 =	simm.s32 @!p0 $0x1082;
	s9 =	sld [smem:$0x3FB3]  }
0x2f: {  	lr =	sadd.s32 s0, s3;
	s0 =	sld [smem:$0x3FAA]  }
0x30: {  	s3 =	sld [smem:$0x3FAD]  }
0x31: {  	[smem:$0x3FB6] =	sst s10  }
0x32: {  	s10 =	sld [smem:$0x3FB4];
	_ =	sdelay $0x3  }
0x33: {  	p0 =	seq.s32 s10, $0x1;
	s10 =	sld [smem:$0x3FB6];
	_ =	sdelay $0x3  }
0x34: {  	[smem:$0x3FB6] =	sst s10  }
0x35: {  	s10 =	sld [smem:$0x3FB5];
	_ =	sdelay $0x3  }
0x36: {  	p1 =	seq.s32 s10, $0x1;
	s10 =	sld [smem:$0x3FB6];
	_ =	sdelay $0x3  }
0x37: {  	[smem:$0x3FB6] =	sst s10  }
0x38: {  	s10 =	sld [smem:$0x3FB7]  }
0x39: {  	_ = 	snop;
	(pc) =	sbr.ind lr, $3  }
0x3a: {  	_ = 	snop  }
0x3b: {  	_ = 	snop  }
0x3c: {  	p2 =	seq.s32 s10, $0x1;
	s10 =	sld [smem:$0x3FB6]  }
0x3d: {  	_ =	shalt  }
0x3e: {  	_ =	shalt  }
0x3f: {  	_ =	shalt  }
0x40: {  	_ =	shalt  }
0x41: {  	_ =	shalt  }
0x42: {  	_ =	shalt  }
0x43: {  	_ =	shalt  }
0x44: {  	_ =	shalt  }
0x45: {  	_ =	shalt  }
0x46: {  	_ =	shalt  }
0x47: {  	_ =	shalt  }
0x48: {  	_ =	shalt  }
0x49: {  	_ =	shalt  }
0x4a: {  	_ =	shalt  }
0x4b: {  	_ =	shalt  }
0x4c: {  	_ =	shalt  }
0x4d: {  	_ =	shalt  }
0x4e: {  	_ =	shalt  }
0x4f: {  	_ =	shalt  }
0x50: {  	_ =	shalt  }
0x51: {  	_ =	shalt  }
0x52: {  	_ =	shalt  }
0x53: {  	_ =	shalt  }
0x54: {  	_ =	shalt  }
0x55: {  	_ =	shalt  }
0x56: {  	_ =	shalt  }
0x57: {  	_ =	shalt  }
0x58: {  	_ =	shalt  }
0x59: {  	_ =	shalt  }
0x5a: {  	_ =	shalt  }
0x5b: {  	_ =	shalt  }
0x5c: {  	_ =	shalt  }
0x5d: {  	_ =	shalt  }
0x5e: {  	_ =	shalt  }
0x5f: {  	_ =	shalt  }
0x60: {  	_ =	shalt  }
0x61: {  	_ =	shalt  }
0x62: {  	_ =	shalt  }
0x63: {  	_ =	shalt  }
0x64: {  	_ =	shalt  }
0x65: {  	_ =	shalt  }
0x66: {  	_ =	shalt  }
0x67: {  	_ =	shalt  }
0x68: {  	_ =	shalt  }
0x69: {  	_ =	shalt  }
0x6a: {  	_ =	shalt  }
0x6b: {  	_ =	shalt  }
0x6c: {  	_ =	shalt  }
0x6d: {  	_ =	shalt  }
0x6e: {  	_ =	shalt  }
0x6f: {  	_ =	shalt  }
0x70: {  	_ =	shalt  }
0x71: {  	_ =	shalt  }
0x72: {  	_ =	shalt  }
0x73: {  	_ =	shalt  }
0x74: {  	_ =	shalt  }
0x75: {  	_ =	shalt  }
0x76: {  	_ =	shalt  }
0x77: {  	_ =	shalt  }
0x78: {  	_ =	shalt  }
0x79: {  	_ =	shalt  }
0x7a: {  	_ =	shalt  }
0x7b: {  	_ =	shalt  }
0x7c: {  	_ =	shalt  }
0x7d: {  	_ =	shalt  }
0x7e: {  	_ =	shalt  }
0x7f: {  	_ =	shalt  }
0x80: {  	_ =	shalt  }
0x81: {  	_ =	shalt  }
0x82: {  	_ =	shalt  }
0x83: {  	_ =	shalt  }
0x84: {  	_ =	shalt  }
0x85: {  	_ =	shalt  }
0x86: {  	_ =	shalt  }
0x87: {  	_ =	shalt  }
.Lfunc_end0:
.L_simem_size_0:
called_computation.2_lowered:
.L_overlay_start_0:
0x88: {  	s2 =	sld [smem:$0x3FD9]  }
0x89: {  	s3 =	sld [smem:$0x3FFE];
	_ =	sdelay $0x1  }
0x8a: {  	s1 =	srdreg.scid  }
0x8b: {  	s0 =	sand.u32 $0x1, s1  }
0x8c: {  	s17 =	sshll.u32 s0, $0xA;
	s2 =	sadd.s32 s3, s2  }
0x8d: {  	s2 =	sadd.s32 s2, s17  }
0x8e: {  	[smem:$0x3FC2] =	sst s2  }
0x8f: {  	_ = 	snop  }
0x90: {  	s2 =	sld [smem:$0x3FD0];
	(tm) =	ssettm $0x1  }
0x91: {  	s18 =	sld [smem:$0x3FFB];
	_ =	sdelay $0x3  }
0x92: {  	_ =	strace s18  }
0x93: {  	s3 =	sld [smem:$0x3FFC];
	_ =	sdelay $0x3  }
0x94: {  	_ =	strace s3  }
0x95: {  	s3 =	sld [smem:$0x3FFD];
	_ =	sdelay $0x3  }
0x96: {  	_ =	strace s3  }
0x97: {  	_ =	strace $0x8FFFFFFF  }
0x98: {  	s19 =	sld [smem:$0x3FDB];
	_ =	sdelay $0x1  }
0x99: {  	s4 =	simm.s32 $_scs_section_size  }
0x9a: {  	s5 =	simm.s32 $_size__tile_overlayer_lowered;
	s6 =	simm.s32 $_tile_overlayer_lowered  }
0x9b: {  	s22 =	simm.s32 $0x1BFF;
	s21 =	sshll.u32 s6, $0x1;
	s3 =	sadd.s32 s4, s19  }
0x9c: {  	s7 =	simm.s32 $0x0;
	s20 =	sshll.u32 s5, $0x1;
	s5 =	sadd.s32 s21, s3  }
0x9d: {  	[timem:s7], [sflag:s22] =	dma.local [hbm:s5], s20  }
0x9e: {  	_ =	swait.ge [sflag:s22], s20  }
0x9f: {  	s4 =	ssub.s32 $0x0, s20;
	[sflag:s22] =	ssyncset.done $0x0  }
0xa0: {  	[sflag:s22] =	ssyncadd.s32 s4;
	_ =	sdelay $0x1  }
0xa1: {  	s23 =	simm.s32 $0x1B8B  }
0xa2: {  	_ =	swait.ge [sflag:s23], $0x1  }
0xa3: {  	[sflag:s23] =	ssyncset.done $0x0  }
0xa4: {  	s25 =	simm.s32 $0x1B8E;
	s24 =	sld [smem:$0x3FFE];
	[sflag:s23] =	ssyncadd.s32 $0xFFFFFFFF  }
0xa5: {  	s26 =	simm.s32 $execute0_lowered;
	[smem:$0x3FD2] =	sst s25  }
0xa6: {  	s5 =	sshll.u32 s26, $0x1;
	_ =	strace $0x8000004C;
	[dreg:$0x1] =	wrdreg $0xFFFFFFFF  }
0xa7: {  	s28 =	simm.s32 $_size_execute0_lowered;
	s3 =	sadd.s32 s3, s5;
	[dreg:$0x0] =	wrdreg $0x0  }
0xa8: {  	s5 =	sshll.u32 s28, $0x1;
	[dreg:$0x2] =	wrdreg s3  }
0xa9: {  	[dreg:$0x3] =	wrdreg s5  }
0xaa: {  	[dreg:$0x4] =	wrdreg $0xC0  }
0xab: {  	_ =	task [dreg:s7], $0x5FFFF  }
0xac: {  	[dreg:$0x1] =	wrdreg $0xFFFFFFFF  }
0xad: {  	[dreg:$0x0] =	wrdreg $0x60  }
0xae: {  	[dreg:$0x2] =	wrdreg s24  }
0xaf: {  	[dreg:$0x3] =	wrdreg s2  }
0xb0: {  	[dreg:$0x4] =	wrdreg $0xAF000  }
0xb1: {  	[dreg:$0x5] =	wrdreg $0x9  }
0xb2: {  	_ =	task.clear_ibuf [dreg:s7], $0x6FFFF;
	_ =	strace $0x9000004C  }
0xb3: {  	s29 =	simm.s32 $0x9;
	_ =	strace $0x8000004E  }
0xb4: {  	_ =	swait.ge [sflag:s29], $0x1  }
0xb5: {  	[sflag:s29] =	ssyncadd.s32 $0xFFFFFFFF  }
0xb6: {  	_ =	strace $0x9000004E  }
0xb7: {  	_ =	sfence  }
0xb8: {  	s30 =	sld [smem:$0x0];
	_ =	sdelay $0x2  }
0xb9: {  	s31 =	sshll.u32 s1, $0xD;
	s1 =	sshrl.u32 s1, $0x2  }
0xba: {  	s3 =	sand.u32 $0x4000, s31;
	s1 =	sadd.s32 s1, s30  }
0xbb: {  	s0 =	sor.u32 s3, s0;
	s1 =	sshll.u32 s1, $0x11  }
0xbc: {  	s0 =	sor.u32 s1, s0  }
0xbd: {  	s0 =	sadd.s32 $0x8F2B, s0  }
0xbe: {  	[sflag:s0] =	ssyncadd.remote.s32 $0x1  }
0xbf: {  	_ =	sfence.sel $0xFFFF  }
0xc0: {  	[dreg:$0x0] =	wrdreg $0xFFFFFFFF;
	(pc) =	sbr.abs _section_cstart, $3  }
0xc1: {  	[dreg:$0x1] =	wrdreg $0xFFFFFFFF  }
0xc2: {  	_ =	task.clear_ibuf [dreg:s7], $0x2FFFF;
	_ =	strace $0x9FFFFFFF  }
0xc3: {  	(tm) =	ssettm $0x7FFFFFFF  }
tec
execute0_lowered:
.L_overlay_start_1:
0x0: {  	(tag) =	ssettag $0x1  }
0x1: {  	s1 =	rddreg [dreg:$0x0]  }
0x2: {  	s0 =	srdreg.scid;
	s8 =	rddreg [dreg:$0x1]  }
0x3: {  	s6 =	stileid.u32;
	s2 =	rddreg [dreg:$0x2];
	s11 =	simm.s32 $0xE  }
0x4: {  	s12 =	simm.s32 $0x1;
	s13 =	simm.s32 $0x80;
	s14 =	simm.s32 $0x4F00  }
0x5: {  	s15 =	simm.s32 $0x2;
	s16 =	simm.s32 $0x5700;
	s17 =	simm.s32 $0x3  }
0x6: {  	s18 =	simm.s32 $0x5F00;
	s19 =	simm.s32 $0x4;
	s20 =	simm.s32 $0x6700  }
0x7: {  	s21 =	simm.s32 $0x5;
	s22 =	simm.s32 $0x6F00;
	s23 =	simm.s32 $0x6  }
0x8: {  	s24 =	simm.s32 $0x7700;
	s28 =	simm.s32 $0x9;
	s29 =	simm.s32 $0xA  }
0x9: {  	s30 =	simm.s32 $0xB;
	s31 =	simm.s32 $0xC;
	s0 =	sand.u32 $0x1, s0  }
0xa: {  	s7 =	smul.u32 $0x2800, s6;
	s3 =	sshll.u32 s0, $0x4;
	s25 =	ssub.s32 $0x2, s0  }
0xb: {  	s0 =	smul.u32 $0x28000, s0;
	s10 =	sor.u32 s6, s3;
	s3 =	simm.s32 $0x0  }
0xc: {  	s26 =	sshrl.u32 s25, $0x1;
	s4 =	smul.u32 $0x4E, s10;
	[smem:$0x7FF] =	sst s3  }
0xd: {  	s5 =	smin.u32 s10, $0x4;
	s9 =	ssub.s32 s25, s26;
	s0 =	sadd.s32 s7, s0  }
0xe: {  	s7 =	sadd.s32 s7, s2;
	p0 =	sgt.u32 s10, $0x3;
	s25 =	simm.s32 $0x7  }
0xf: {  	s26 =	simm.s32 $0x8;
	_ =	strace $0x8000004D;
	s4 =	sadd.s32 s5, s4  }
0x10: {  	s0 =	sshrl.u32 s0, $0x3;
	s9 =	smax.u32 s9, $0x1;
	s5 =	sshll.u32 s4, $0x4  }
0x11: {  	s0 =	sadd.s32 s8, s0;
	s4 =	sadd.s32 $0x16200, s1;
	s1 =	sadd.s32 s5, s1  }
0x12: {  	v0 =	vimm.f32 $0.0e+00;
	[dreg:$0x4] =	wrdreg s0;
	s5 =	sadd.s32 $0x2600, s1;
	s6 =	sadd.s32 $0xC400, s1  }
.LBB2_1:
0x13: {  	s1 =	simm.s32 @p0 $0x0;
	s10 =	simm.s32 @p0 $0xE  }
0x14: {  	[tilespmem:s1], [sflag:$0xE] =	stream.linear.gather @p0 [hbm4b:s5+s1], $0x2700, $0x38;
	[tilespmem:$0xD700] =	vst v63  }
0x15: {  	_ =	swait.ge @p0 [sflag:s10], $0x2700  }
0x16: {  	[sflag:s10] =	ssyncset.done @p0 $0x0  }
0x17: {  	s0 =	simm.s32 @p0 $0x2780;
	[sflag:s10] =	ssyncadd.s32 @p0 $0xFFFFD900  }
0x18: {  	[tilespmem:s0], [sflag:$0xE] =	stream.linear.gather @p0 [hbm4b:s6+s1], $0x2700, $0x38;
	[tilespmem:$0xD700] =	vst v63  }
0x19: {  	_ =	swait.ge @p0 [sflag:s10], $0x2700  }
0x1a: {  	[sflag:s10] =	ssyncset.done @p0 $0x0  }
0x1b: {  	s0 =	simm.s32 @!p0 $0x0;
	s1 =	simm.s32 @!p0 $0xE;
	[sflag:s10] =	ssyncadd.s32 @p0 $0xFFFFD900  }
0x1c: {  	[tilespmem:s0], [sflag:$0xE] =	stream.linear.gather @!p0 [hbm4b:s5+s0], $0x2780, $0x38;
	[tilespmem:$0xD700] =	vst v63  }
0x1d: {  	_ =	swait.ge @!p0 [sflag:s1], $0x2780  }
0x1e: {  	[sflag:s1] =	ssyncset.done @!p0 $0x0  }
0x1f: {  	s10 =	simm.s32 @!p0 $0x2780;
	[sflag:s1] =	ssyncadd.s32 @!p0 $0xFFFFD880  }
0x20: {  	[tilespmem:s10], [sflag:$0xE] =	stream.linear.gather @!p0 [hbm4b:s6+s0], $0x2780, $0x38;
	[tilespmem:$0xD700] =	vst v63  }
0x21: {  	_ =	swait.ge @!p0 [sflag:s1], $0x2780  }
0x22: {  	[sflag:s1] =	ssyncset.done @!p0 $0x0  }
0x23: {  	s10 =	simm.s32 $0x0;
	[sflag:s1] =	ssyncadd.s32 @!p0 $0xFFFFD880;
	s1 =	simm.s32 $0x40  }
.LBB2_2:
0x24: {  	p1 =	sne.s32 s1, $0x9FC0;
	[tilespmem:s10+$0x8700] =	vst v0;
	s0 =	smov.u32 s1;
	s1 =	sadd.s32 $0x40, s1  }
.Ltmp0:
0x25: {  	(pc) =	sbr.rel @p1 .LBB2_2-.Ltmp0, $2  }
0x26: {  	_ =	sdelay $0x2  }
0x27: {  	s10 =	sshra.s32 s0, $0x2  }
0x28: {  	[tilespmem:s10+$0x8700] =	vst v0;
	s0 =	simm.s32 $0x8700  }
0x29: {  	[spmem:s7] =	stream.linear.scatter [tilespmem:s0], [sflag:$0xE], $0x2800, $0x38;
	[tilespmem:$0xD700] =	vst v63  }
0x2a: {  	_ =	swait.ge [sflag:s11], $0x2800  }
0x2b: {  	[sflag:s11] =	ssyncset.done $0x0  }
0x2c: {  	s1 =	simm.s32 @p0 $0x0;
	[sflag:s11] =	ssyncadd.s32 $0xFFFFD800  }
0x2d: {  	s10 =	simm.s32 @p0 $0x4F00;
	s0 =	simm.s32 @p0 $0x80;
	[bflag:$0x0] =	sbarrier.arrive $0xFFFF  }
0x2e: {  	[tilespmem:s10], [sflag:$0x1] =	stream.indirect.gather @p0 [hbm4b:s4+s0], $0x10, s1, s0, $0xb8;
	[tilespmem:$0xD700] =	vst v63  }
0x2f: {  	s1 =	simm.s32 @p0 $0x5700  }
0x30: {  	[tilespmem:s1], [sflag:$0x2] =	stream.indirect.gather @p0 [hbm4b:s4+s0], $0x10, s0, s0, $0xb8;
	[tilespmem:$0xD700] =	vst v63  }
0x31: {  	s10 =	simm.s32 @p0 $0x5F00;
	s1 =	simm.s32 @p0 $0x100  }
0x32: {  	[tilespmem:s10], [sflag:$0x3] =	stream.indirect.gather @p0 [hbm4b:s4+s0], $0x10, s1, s0, $0xb8;
	[tilespmem:$0xD700] =	vst v63  }
0x33: {  	s1 =	simm.s32 @p0 $0x180;
	s10 =	simm.s32 @p0 $0x6700  }
0x34: {  	[tilespmem:s10], [sflag:$0x4] =	stream.indirect.gather @p0 [hbm4b:s4+s0], $0x10, s1, s0, $0xb8;
	[tilespmem:$0xD700] =	vst v63  }
0x35: {  	s1 =	simm.s32 @p0 $0x200;
	s10 =	simm.s32 @p0 $0x6F00  }
0x36: {  	[tilespmem:s10], [sflag:$0x5] =	stream.indirect.gather @p0 [hbm4b:s4+s0], $0x10, s1, s0, $0xb8;
	[tilespmem:$0xD700] =	vst v63  }
0x37: {  	s1 =	simm.s32 @p0 $0x280;
	s10 =	simm.s32 @p0 $0x7700  }
0x38: {  	[tilespmem:s10], [sflag:$0x6] =	stream.indirect.gather @p0 [hbm4b:s4+s0], $0x10, s1, s0, $0xb8;
	[tilespmem:$0xD700] =	vst v63  }
0x39: {  	s0 =	simm.s32 @!p0 $0x80;
	s1 =	simm.s32 @!p0 $0x2700;
	s10 =	simm.s32 @!p0 $0x7F00  }
0x3a: {  	[tilespmem:s10], [sflag:$0xD] =	stream.indirect.gather @!p0 [hbm4b:s4+s0], $0x10, s1, s0, $0xb8;
	[tilespmem:$0xD700] =	vst v63  }
0x3b: {  	s8 =	simm.s32 @!p0 $0x4F00;
	s1 =	simm.s32 @!p0 $0x0  }
0x3c: {  	[tilespmem:s8], [sflag:$0x1] =	stream.indirect.gather @!p0 [hbm4b:s4+s0], $0x10, s1, s0, $0xb8;
	[tilespmem:$0xD700] =	vst v63  }
0x3d: {  	s1 =	simm.s32 @!p0 $0x5700  }
0x3e: {  	[tilespmem:s1], [sflag:$0x2] =	stream.indirect.gather @!p0 [hbm4b:s4+s0], $0x10, s0, s0, $0xb8;
	[tilespmem:$0xD700] =	vst v63  }
0x3f: {  	s8 =	simm.s32 @!p0 $0x5F00;
	s1 =	simm.s32 @!p0 $0x100  }
0x40: {  	[tilespmem:s8], [sflag:$0x3] =	stream.indirect.gather @!p0 [hbm4b:s4+s0], $0x10, s1, s0, $0xb8;
	[tilespmem:$0xD700] =	vst v63  }
0x41: {  	s1 =	simm.s32 @!p0 $0x180;
	s8 =	simm.s32 @!p0 $0x6700  }
0x42: {  	[tilespmem:s8], [sflag:$0x4] =	stream.indirect.gather @!p0 [hbm4b:s4+s0], $0x10, s1, s0, $0xb8;
	[tilespmem:$0xD700] =	vst v63  }
0x43: {  	s1 =	simm.s32 @!p0 $0x200;
	s8 =	simm.s32 @!p0 $0x6F00  }
0x44: {  	[tilespmem:s8], [sflag:$0x5] =	stream.indirect.gather @!p0 [hbm4b:s4+s0], $0x10, s1, s0, $0xb8;
	[tilespmem:$0xD700] =	vst v63  }
0x45: {  	s1 =	simm.s32 @!p0 $0x280;
	s8 =	simm.s32 @!p0 $0x7700  }
0x46: {  	[tilespmem:s8], [sflag:$0x6] =	stream.indirect.gather @!p0 [hbm4b:s4+s0], $0x10, s1, s0, $0xb8;
	[tilespmem:$0xD700] =	vst v63  }
0x47: {  	s1 =	simm.s32 @!p0 $0xD  }
0x48: {  	_ =	swait.ge @!p0 [sflag:s1], $0x800  }
0x49: {  	[sflag:s1] =	ssyncset.done @!p0 $0x0  }
0x4a: {  	[sflag:s1] =	ssyncadd.s32 @!p0 $0xFFFFF800;
	s1 =	simm.s32 @!p0 $0x4E80  }
0x4b: {  	[spmem:s2] =	stream.indirect.scatter.add.f32 @!p0 [tilespmem:s10], [sflag:$0xD], $0x10, s1, s0, $0xb8;
	[tilespmem:$0xD700] =	vst v63  }
0x4c: {  	_ =	swait.ge [sflag:s12], $0x800  }
0x4d: {  	[sflag:s12] =	ssyncset.done $0x0  }
0x4e: {  	s8 =	simm.s32 $0x2780;
	[sflag:s12] =	ssyncadd.s32 $0xFFFFF800  }
0x4f: {  	[spmem:s2] =	stream.indirect.scatter.add.f32 [tilespmem:s14], [sflag:$0x7], $0x10, s8, s13, $0xb8;
	[tilespmem:$0xD700] =	vst v63  }
0x50: {  	_ =	swait.ge [sflag:s15], $0x800  }
0x51: {  	[sflag:s15] =	ssyncset.done $0x0  }
0x52: {  	s10 =	simm.s32 $0x2800;
	[sflag:s15] =	ssyncadd.s32 $0xFFFFF800  }
0x53: {  	[spmem:s2] =	stream.indirect.scatter.add.f32 [tilespmem:s16], [sflag:$0x8], $0x10, s10, s13, $0xb8;
	[tilespmem:$0xD700] =	vst v63  }
0x54: {  	_ =	swait.ge [sflag:s17], $0x800  }
0x55: {  	[sflag:s17] =	ssyncset.done $0x0  }
0x56: {  	s1 =	simm.s32 $0x2880;
	[sflag:s17] =	ssyncadd.s32 $0xFFFFF800  }
0x57: {  	[spmem:s2] =	stream.indirect.scatter.add.f32 [tilespmem:s18], [sflag:$0x9], $0x10, s1, s13, $0xb8;
	[tilespmem:$0xD700] =	vst v63  }
0x58: {  	_ =	swait.ge [sflag:s19], $0x800  }
0x59: {  	[sflag:s19] =	ssyncset.done $0x0  }
0x5a: {  	s8 =	simm.s32 $0x2900;
	[sflag:s19] =	ssyncadd.s32 $0xFFFFF800  }
0x5b: {  	[spmem:s2] =	stream.indirect.scatter.add.f32 [tilespmem:s20], [sflag:$0xA], $0x10, s8, s13, $0xb8;
	[tilespmem:$0xD700] =	vst v63  }
0x5c: {  	_ =	swait.ge [sflag:s21], $0x800  }
0x5d: {  	[sflag:s21] =	ssyncset.done $0x0  }
0x5e: {  	s10 =	simm.s32 $0x2980;
	[sflag:s21] =	ssyncadd.s32 $0xFFFFF800  }
0x5f: {  	[spmem:s2] =	stream.indirect.scatter.add.f32 [tilespmem:s22], [sflag:$0xB], $0x10, s10, s13, $0xb8;
	[tilespmem:$0xD700] =	vst v63  }
0x60: {  	_ =	swait.ge [sflag:s23], $0x800  }
0x61: {  	[sflag:s23] =	ssyncset.done $0x0  }
0x62: {  	s1 =	simm.s32 $0x2A00;
	[sflag:s23] =	ssyncadd.s32 $0xFFFFF800  }
0x63: {  	[spmem:s2] =	stream.indirect.scatter.add.f32 [tilespmem:s24], [sflag:$0xC], $0x10, s1, s13, $0xb8;
	[tilespmem:$0xD700] =	vst v63  }
0x64: {  	_ =	swait.ge [sflag:s25], $0x800  }
0x65: {  	[sflag:s25] =	ssyncset.done $0x0  }
0x66: {  	s8 =	simm.s32 $0x300;
	[sflag:s25] =	ssyncadd.s32 $0xFFFFF800  }
0x67: {  	[tilespmem:s14], [sflag:$0x1] =	stream.indirect.gather [hbm4b:s4+s13], $0x10, s8, s13, $0xb8;
	[tilespmem:$0xD700] =	vst v63  }
0x68: {  	_ =	swait.ge [sflag:s26], $0x800  }
0x69: {  	[sflag:s26] =	ssyncset.done $0x0  }
0x6a: {  	s10 =	simm.s32 $0x380;
	[sflag:s26] =	ssyncadd.s32 $0xFFFFF800  }
0x6b: {  	[tilespmem:s16], [sflag:$0x2] =	stream.indirect.gather [hbm4b:s4+s13], $0x10, s10, s13, $0xb8;
	[tilespmem:$0xD700] =	vst v63  }
0x6c: {  	_ =	swait.ge [sflag:s28], $0x800  }
0x6d: {  	[sflag:s28] =	ssyncset.done $0x0  }
0x6e: {  	s1 =	simm.s32 $0x400;
	[sflag:s28] =	ssyncadd.s32 $0xFFFFF800  }
0x6f: {  	[tilespmem:s18], [sflag:$0x3] =	stream.indirect.gather [hbm4b:s4+s13], $0x10, s1, s13, $0xb8;
	[tilespmem:$0xD700] =	vst v63  }
0x70: {  	_ =	swait.ge [sflag:s29], $0x800  }
0x71: {  	[sflag:s29] =	ssyncset.done $0x0  }
0x72: {  	s8 =	simm.s32 $0x480;
	[sflag:s29] =	ssyncadd.s32 $0xFFFFF800  }
0x73: {  	[tilespmem:s20], [sflag:$0x4] =	stream.indirect.gather [hbm4b:s4+s13], $0x10, s8, s13, $0xb8;
	[tilespmem:$0xD700] =	vst v63  }
0x74: {  	_ =	swait.ge [sflag:s30], $0x800  }
0x75: {  	[sflag:s30] =	ssyncset.done $0x0  }
0x76: {  	s10 =	simm.s32 $0x500;
	[sflag:s30] =	ssyncadd.s32 $0xFFFFF800  }
0x77: {  	[tilespmem:s22], [sflag:$0x5] =	stream.indirect.gather [hbm4b:s4+s13], $0x10, s10, s13, $0xb8;
	[tilespmem:$0xD700] =	vst v63  }
0x78: {  	_ =	swait.ge [sflag:s31], $0x800  }
0x79: {  	[sflag:s31] =	ssyncset.done $0x0  }
0x7a: {  	s1 =	simm.s32 $0xC00;
	s10 =	simm.s32 $0x580;
	[sflag:s31] =	ssyncadd.s32 $0xFFFFF800  }
.LBB2_4:
0x7b: {  	[tilespmem:s24], [sflag:$0x6] =	stream.indirect.gather [hbm4b:s4+s13], $0x10, s10, s13, $0xb8;
	[tilespmem:$0xD700] =	vst v63  }
0x7c: {  	s0 =	smov.u32 s1  }
0x7d: {  	p1 =	sne.s32 s1, $0x8400;
	s1 =	sadd.s32 $0xC00, s1;
	_ =	swait.ge [sflag:s12], $0x800  }
0x7e: {  	s10 =	sshra.s32 s0, $0x2;
	[sflag:s12] =	ssyncset.done $0x0  }
0x7f: {  	s0 =	sadd.s32 $0x2780, s10;
	[sflag:s12] =	ssyncadd.s32 $0xFFFFF800  }
0x80: {  	[spmem:s2] =	stream.indirect.scatter.add.f32 [tilespmem:s14], [sflag:$0x7], $0x10, s0, s13, $0xb8;
	[tilespmem:$0xD700] =	vst v63  }
0x81: {  	_ =	swait.ge [sflag:s15], $0x800  }
0x82: {  	[sflag:s15] =	ssyncset.done $0x0  }
0x83: {  	s0 =	sadd.s32 $0x2800, s10;
	[sflag:s15] =	ssyncadd.s32 $0xFFFFF800  }
0x84: {  	[spmem:s2] =	stream.indirect.scatter.add.f32 [tilespmem:s16], [sflag:$0x8], $0x10, s0, s13, $0xb8;
	[tilespmem:$0xD700] =	vst v63  }
0x85: {  	_ =	swait.ge [sflag:s17], $0x800  }
0x86: {  	[sflag:s17] =	ssyncset.done $0x0  }
0x87: {  	s0 =	sadd.s32 $0x2880, s10;
	[sflag:s17] =	ssyncadd.s32 $0xFFFFF800  }
0x88: {  	[spmem:s2] =	stream.indirect.scatter.add.f32 [tilespmem:s18], [sflag:$0x9], $0x10, s0, s13, $0xb8;
	[tilespmem:$0xD700] =	vst v63  }
0x89: {  	_ =	swait.ge [sflag:s19], $0x800  }
0x8a: {  	[sflag:s19] =	ssyncset.done $0x0  }
0x8b: {  	s0 =	sadd.s32 $0x2900, s10;
	[sflag:s19] =	ssyncadd.s32 $0xFFFFF800  }
0x8c: {  	[spmem:s2] =	stream.indirect.scatter.add.f32 [tilespmem:s20], [sflag:$0xA], $0x10, s0, s13, $0xb8;
	[tilespmem:$0xD700] =	vst v63  }
0x8d: {  	_ =	swait.ge [sflag:s21], $0x800  }
0x8e: {  	[sflag:s21] =	ssyncset.done $0x0  }
0x8f: {  	s0 =	sadd.s32 $0x2980, s10;
	[sflag:s21] =	ssyncadd.s32 $0xFFFFF800  }
0x90: {  	[spmem:s2] =	stream.indirect.scatter.add.f32 [tilespmem:s22], [sflag:$0xB], $0x10, s0, s13, $0xb8;
	[tilespmem:$0xD700] =	vst v63  }
0x91: {  	_ =	swait.ge [sflag:s23], $0x800  }
0x92: {  	[sflag:s23] =	ssyncset.done $0x0  }
0x93: {  	s0 =	sadd.s32 $0x2A00, s10;
	[sflag:s23] =	ssyncadd.s32 $0xFFFFF800  }
0x94: {  	[spmem:s2] =	stream.indirect.scatter.add.f32 [tilespmem:s24], [sflag:$0xC], $0x10, s0, s13, $0xb8;
	[tilespmem:$0xD700] =	vst v63  }
0x95: {  	_ =	swait.ge [sflag:s25], $0x800  }
0x96: {  	[sflag:s25] =	ssyncset.done $0x0  }
0x97: {  	s0 =	sadd.s32 $0x300, s10;
	[sflag:s25] =	ssyncadd.s32 $0xFFFFF800  }
0x98: {  	[tilespmem:s14], [sflag:$0x1] =	stream.indirect.gather [hbm4b:s4+s13], $0x10, s0, s13, $0xb8;
	[tilespmem:$0xD700] =	vst v63  }
0x99: {  	_ =	swait.ge [sflag:s26], $0x800  }
0x9a: {  	[sflag:s26] =	ssyncset.done $0x0  }
0x9b: {  	s0 =	sadd.s32 $0x380, s10;
	[sflag:s26] =	ssyncadd.s32 $0xFFFFF800  }
0x9c: {  	[tilespmem:s16], [sflag:$0x2] =	stream.indirect.gather [hbm4b:s4+s13], $0x10, s0, s13, $0xb8;
	[tilespmem:$0xD700] =	vst v63  }
0x9d: {  	_ =	swait.ge [sflag:s28], $0x800  }
0x9e: {  	[sflag:s28] =	ssyncset.done $0x0  }
0x9f: {  	s0 =	sadd.s32 $0x400, s10;
	[sflag:s28] =	ssyncadd.s32 $0xFFFFF800  }
0xa0: {  	[tilespmem:s18], [sflag:$0x3] =	stream.indirect.gather [hbm4b:s4+s13], $0x10, s0, s13, $0xb8;
	[tilespmem:$0xD700] =	vst v63  }
0xa1: {  	_ =	swait.ge [sflag:s29], $0x800  }
0xa2: {  	[sflag:s29] =	ssyncset.done $0x0  }
0xa3: {  	s0 =	sadd.s32 $0x480, s10;
	[sflag:s29] =	ssyncadd.s32 $0xFFFFF800  }
0xa4: {  	[tilespmem:s20], [sflag:$0x4] =	stream.indirect.gather [hbm4b:s4+s13], $0x10, s0, s13, $0xb8;
	[tilespmem:$0xD700] =	vst v63  }
0xa5: {  	_ =	swait.ge [sflag:s30], $0x800  }
0xa6: {  	[sflag:s30] =	ssyncset.done $0x0  }
.Ltmp1:
0xa7: {  	s0 =	sadd.s32 $0x500, s10;
	[sflag:s30] =	ssyncadd.s32 $0xFFFFF800;
	(pc) =	sbr.rel @p1 .LBB2_4-.Ltmp1, $4  }
0xa8: {  	[tilespmem:s22], [sflag:$0x5] =	stream.indirect.gather [hbm4b:s4+s13], $0x10, s0, s13, $0xb8;
	[tilespmem:$0xD700] =	vst v63  }
0xa9: {  	_ =	swait.ge [sflag:s31], $0x800  }
0xaa: {  	[sflag:s31] =	ssyncset.done $0x0  }
0xab: {  	s10 =	sadd.s32 $0x580, s10;
	[sflag:s31] =	ssyncadd.s32 $0xFFFFF800  }
0xac: {  	[tilespmem:s24], [sflag:$0x6] =	stream.indirect.gather [hbm4b:s4+s13], $0x10, s10, s13, $0xb8;
	[tilespmem:$0xD700] =	vst v63  }
0xad: {  	_ =	swait.ge [sflag:s12], $0x800  }
0xae: {  	[sflag:s12] =	ssyncset.done $0x0  }
0xaf: {  	s0 =	simm.s32 $0x4B80;
	[sflag:s12] =	ssyncadd.s32 $0xFFFFF800  }
0xb0: {  	[spmem:s2] =	stream.indirect.scatter.add.f32 [tilespmem:s14], [sflag:$0x7], $0x10, s0, s13, $0xb8;
	[tilespmem:$0xD700] =	vst v63  }
0xb1: {  	_ =	swait.ge [sflag:s15], $0x800  }
0xb2: {  	[sflag:s15] =	ssyncset.done $0x0  }
0xb3: {  	s1 =	simm.s32 $0x4C00;
	[sflag:s15] =	ssyncadd.s32 $0xFFFFF800  }
0xb4: {  	[spmem:s2] =	stream.indirect.scatter.add.f32 [tilespmem:s16], [sflag:$0x8], $0x10, s1, s13, $0xb8;
	[tilespmem:$0xD700] =	vst v63  }
0xb5: {  	_ =	swait.ge [sflag:s17], $0x800  }
0xb6: {  	[sflag:s17] =	ssyncset.done $0x0  }
0xb7: {  	s8 =	simm.s32 $0x4C80;
	[sflag:s17] =	ssyncadd.s32 $0xFFFFF800  }
0xb8: {  	[spmem:s2] =	stream.indirect.scatter.add.f32 [tilespmem:s18], [sflag:$0x9], $0x10, s8, s13, $0xb8;
	[tilespmem:$0xD700] =	vst v63  }
0xb9: {  	_ =	swait.ge [sflag:s19], $0x800  }
0xba: {  	[sflag:s19] =	ssyncset.done $0x0  }
0xbb: {  	s10 =	simm.s32 $0x4D00;
	[sflag:s19] =	ssyncadd.s32 $0xFFFFF800  }
0xbc: {  	[spmem:s2] =	stream.indirect.scatter.add.f32 [tilespmem:s20], [sflag:$0xA], $0x10, s10, s13, $0xb8;
	[tilespmem:$0xD700] =	vst v63  }
0xbd: {  	_ =	swait.ge [sflag:s21], $0x800  }
0xbe: {  	[sflag:s21] =	ssyncset.done $0x0  }
0xbf: {  	s1 =	simm.s32 $0x4D80;
	[sflag:s21] =	ssyncadd.s32 $0xFFFFF800  }
0xc0: {  	[spmem:s2] =	stream.indirect.scatter.add.f32 [tilespmem:s22], [sflag:$0xB], $0x10, s1, s13, $0xb8;
	[tilespmem:$0xD700] =	vst v63  }
0xc1: {  	_ =	swait.ge [sflag:s23], $0x800  }
0xc2: {  	[sflag:s23] =	ssyncset.done $0x0  }
0xc3: {  	s8 =	simm.s32 $0x4E00;
	[sflag:s23] =	ssyncadd.s32 $0xFFFFF800  }
0xc4: {  	[spmem:s2] =	stream.indirect.scatter.add.f32 [tilespmem:s24], [sflag:$0xC], $0x10, s8, s13, $0xb8;
	[tilespmem:$0xD700] =	vst v63  }
0xc5: {  	_ =	swait.ge [sflag:s25], $0x800  }
0xc6: {  	[sflag:s25] =	ssyncset.done $0x0  }
0xc7: {  	[sflag:s25] =	ssyncadd.s32 $0xFFFFF800  }
0xc8: {  	_ =	swait.ge [sflag:s26], $0x800  }
0xc9: {  	[sflag:s26] =	ssyncset.done $0x0  }
0xca: {  	[sflag:s26] =	ssyncadd.s32 $0xFFFFF800  }
0xcb: {  	_ =	swait.ge [sflag:s28], $0x800  }
0xcc: {  	[sflag:s28] =	ssyncset.done $0x0  }
0xcd: {  	[sflag:s28] =	ssyncadd.s32 $0xFFFFF800  }
0xce: {  	_ =	swait.ge [sflag:s29], $0x800  }
0xcf: {  	[sflag:s29] =	ssyncset.done $0x0  }
0xd0: {  	[sflag:s29] =	ssyncadd.s32 $0xFFFFF800  }
0xd1: {  	_ =	swait.ge [sflag:s30], $0x800  }
0xd2: {  	[sflag:s30] =	ssyncset.done $0x0  }
0xd3: {  	[sflag:s30] =	ssyncadd.s32 $0xFFFFF800  }
0xd4: {  	_ =	swait.ge [sflag:s31], $0x800  }
0xd5: {  	[sflag:s31] =	ssyncset.done $0x0  }
0xd6: {  	s0 =	simm.s32 @!p0 $0xD;
	[sflag:s31] =	ssyncadd.s32 $0xFFFFF800  }
0xd7: {  	_ =	swait.ge @!p0 [sflag:s0], $0x800  }
0xd8: {  	s3 =	sadd.s32 $0x1, s3;
	[sflag:s0] =	ssyncset.done @!p0 $0x0  }
0xd9: {  	p1 =	sne.s32 s3, s9;
	s10 =	stileid.u32;
	[sflag:s0] =	ssyncadd.s32 @!p0 $0xFFFFF800  }
0xda: {  	s1 =	sshrl.u32 s7, $0x3;
	s0 =	sshll.u32 s10, $0x6;
	[bflag:$0x0] =	sbarrier.arrive $0xFFFF  }
.Ltmp2:
0xdb: {  	s0 =	sor.u32 $0x1C0E, s0;
	s8 =	rddreg [dreg:$0x4];
	(pc) =	sbr.rel @p1 .LBB2_1-.Ltmp2, $4  }
0xdc: {  	[hbm:s8], [sflag:s0] =	dma.local [spmem:s1], $0x500  }
0xdd: {  	_ =	swait.ge [sflag:s11], $0x500  }
0xde: {  	[sflag:s11] =	ssyncset.done $0x0  }
0xdf: {  	[sflag:s11] =	ssyncadd.s32 $0xFFFFFB00  }
0xe0: {  	_ =	sfence.sel $0x180000  }
0xe1: {  	[bflag:$0x0] =	sbarrier.arrive $0xFFFF  }
0xe2: {  	_ =	strace $0x9000004D  }
0xe3: {  	s0 =	stileid.u32;
	[bflag:$0x2] =	sbarrier.arrive $0xFFFF  }
0xe4: {  	p0 =	sne.s32 s0, $0x0;
	s0 =	rddreg [dreg:$0x3]  }
0xe5: {  	s0 =	sadd.s32 @!p0 $0x100000, s0  }
0xe6: {  	[sflag:s0] =	ssyncadd.tile.s32 @!p0 $0x1;
	_ =	shalt  }
.Lfunc_end2:
_tile_overlayer_lowered:
.L_overlay_start_2:
0xe7: {  	(tag) =	ssettag $0x2  }
0xe8: {  	s0 =	rddreg [dreg:$0x0];
	s2 =	stileid.u32  }
0xe9: {  	s1 =	rddreg [dreg:$0x1];
	p0 =	sne.s32 s2, $0x0  }
0xea: {  	s3 =	rddreg [dreg:$0x2];
	[bflag:$0x3] =	sbarrier.arrive $0xFFFF;
	s2 =	simm.s32 @!p0 $0x1C0E  }
0xeb: {  	[timem:s3], [sflag:s2] =	dma.local @!p0 [hbm:s0], s1  }
0xec: {  	s0 =	simm.s32 @!p0 $0xE  }
0xed: {  	_ =	swait.ge @!p0 [sflag:s0], s1  }
0xee: {  	s1 =	ssub.s32 @!p0 $0x0, s1;
	[sflag:s0] =	ssyncset.done @!p0 $0x0  }
0xef: {  	[sflag:s0] =	ssyncadd.s32 @!p0 s1  }
0xf0: {  	[bflag:$0x3] =	sbarrier.arrive $0xFFFF  }
0xf1: {  	_ =	shalt  }

// kernel: kernel.9.cloned.1.call-start
scs
__scs_entry_jumppad:
0x0: {  	(pc) =	sbr.rel $0x88, $3  }
0x1: {  	(tag) =	ssettag $0x0;
	lr =	simm.s32 $0x1  }
0x2: {  	[smem:$0x3F9B] =	sst lr;
	_ =	strace $0xD0000000  }
0x3: {  	_ = 	snop  }
0x4: {  	_ = 	snop  }
0x5: {  	_ = 	snop  }
0x6: {  	_ = 	snop  }
0x7: {  	_ = 	snop  }
__scs_overlays_trampoline_lowered:
0x8: {  	[smem:$0x3FAA] =	sst s0  }
0x9: {  	[smem:$0x3FAB] =	sst s1  }
0xa: {  	[smem:$0x3FAC] =	sst s2  }
0xb: {  	[smem:$0x3FAD] =	sst s3  }
0xc: {  	[smem:$0x3FAE] =	sst s4  }
0xd: {  	[smem:$0x3FAF] =	sst s5  }
0xe: {  	[smem:$0x3FB0] =	sst s6  }
0xf: {  	[smem:$0x3FB1] =	sst s7  }
0x10: {  	[smem:$0x3FB2] =	sst s8  }
0x11: {  	[smem:$0x3FB3] =	sst s9;
	s0 =	simm.s32 @!p0 $0x0  }
0x12: {  	s1 =	sld [smem:$0x3F99];
	s0 =	simm.s32 @p0 $0x1  }
0x13: {  	[smem:$0x3FB4] =	sst s0;
	s0 =	simm.s32 @!p1 $0x0  }
0x14: {  	s2 =	sld [smem:$0x3F98];
	s0 =	simm.s32 @p1 $0x1  }
0x15: {  	[smem:$0x3FB5] =	sst s0;
	s0 =	simm.s32 @!p2 $0x0  }
0x16: {  	s3 =	sld [smem:$0x3FDB];
	s0 =	simm.s32 @p2 $0x1  }
0x17: {  	s4 =	simm.s32 $0x1BF5;
	[smem:$0x3FB7] =	sst s0  }
0x18: {  	s0 =	sld [smem:$0x3F9A];
	_ =	swait.ge [sflag:s4], $0x0  }
0x19: {  	s7 =	sld [smem:$0x3F9B]  }
0x1a: {  	s8 =	sadd.s32 $0xFFFFE003, lr  }
0x1b: {  	s9 =	sadd.s32 $0xFFFFFEF7, lr;
	s5 =	simm.s32 $0xFFFFFFFF;
	p2 =	slt.u32 s8, $0xFFFFF086  }
0x1c: {  	p1 =	slt.u32 s9, $0xF7A;
	s5 =	simm.s32 @!p2 $0x0  }
0x1d: {  	s5 =	simm.s32 @p1 $0x1;
	p0 =	seq.s32 s7, s2  }
0x1e: {  	s7 =	smul.u32 @!p0 $0xF7A, s2;
	p2 =	seq.s32 @!p0 s5, $0x0  }
0x1f: {  	s9 =	smul.u32 $0xF7A, s1;
	s8 =	simm.s32 @!p0 $0x1BF5;
	p2 =	por !p2, p0  }
0x20: {  	[sflag:s8] =	ssyncset.s32 @!p0 $0xFFFFF086;
	s6 =	sadd.s32 @!p0 s3, s7;
	s7 =	simm.s32 @!p0 $0x108  }
0x21: {  	s3 =	sadd.s32 s3, s9;
	s6 =	sadd.s32 @!p0 $0x88, s6;
	s7 =	simm.s32 @p2 $0x1082  }
0x22: {  	[simem:s7], [sflag:s8] =	dma.local @!p0 [hbm:s6], $0xF7A  }
0x23: {  	s9 =	sor.u32 $0xD0000000, s2;
	s6 =	simm.s32 $0x108;
	_ =	swait.ge @!p0 [sflag:s8], $0x0  }
0x24: {  	s3 =	sadd.s32 $0x88, s3;
	s6 =	simm.s32 @!p1 $0x1082;
	[sflag:s4] =	ssyncset.s32 $0xFFFFF086  }
0x25: {  	[simem:s6], [sflag:s4] =	dma.local [hbm:s3], $0xF7A  }
0x26: {  	[smem:$0x3F9B] =	sst s1;
	(tag) =	ssettag s2;
	_ =	strace s9  }
0x27: {  	s1 =	sld [smem:$0x3FAB]  }
0x28: {  	s2 =	sld [smem:$0x3FAC]  }
0x29: {  	s4 =	sld [smem:$0x3FAE]  }
0x2a: {  	p0 =	seq.s32 s5, $0x0;
	s5 =	sld [smem:$0x3FAF]  }
0x2b: {  	s6 =	sld [smem:$0x3FB0]  }
0x2c: {  	s7 =	sld [smem:$0x3FB1]  }
0x2d: {  	s3 =	simm.s32 $0x108;
	s8 =	sld [smem:$0x3FB2]  }
0x2e: {  	s3 =	simm.s32 @!p0 $0x1082;
	s9 =	sld [smem:$0x3FB3]  }
0x2f: {  	lr =	sadd.s32 s0, s3;
	s0 =	sld [smem:$0x3FAA]  }
0x30: {  	s3 =	sld [smem:$0x3FAD]  }
0x31: {  	[smem:$0x3FB6] =	sst s10  }
0x32: {  	s10 =	sld [smem:$0x3FB4];
	_ =	sdelay $0x3  }
0x33: {  	p0 =	seq.s32 s10, $0x1;
	s10 =	sld [smem:$0x3FB6];
	_ =	sdelay $0x3  }
0x34: {  	[smem:$0x3FB6] =	sst s10  }
0x35: {  	s10 =	sld [smem:$0x3FB5];
	_ =	sdelay $0x3  }
0x36: {  	p1 =	seq.s32 s10, $0x1;
	s10 =	sld [smem:$0x3FB6];
	_ =	sdelay $0x3  }
0x37: {  	[smem:$0x3FB6] =	sst s10  }
0x38: {  	s10 =	sld [smem:$0x3FB7]  }
0x39: {  	_ = 	snop;
	(pc) =	sbr.ind lr, $3  }
0x3a: {  	_ = 	snop  }
0x3b: {  	_ = 	snop  }
0x3c: {  	p2 =	seq.s32 s10, $0x1;
	s10 =	sld [smem:$0x3FB6]  }
0x3d: {  	_ =	shalt  }
0x3e: {  	_ =	shalt  }
0x3f: {  	_ =	shalt  }
0x40: {  	_ =	shalt  }
0x41: {  	_ =	shalt  }
0x42: {  	_ =	shalt  }
0x43: {  	_ =	shalt  }
0x44: {  	_ =	shalt  }
0x45: {  	_ =	shalt  }
0x46: {  	_ =	shalt  }
0x47: {  	_ =	shalt  }
0x48: {  	_ =	shalt  }
0x49: {  	_ =	shalt  }
0x4a: {  	_ =	shalt  }
0x4b: {  	_ =	shalt  }
0x4c: {  	_ =	shalt  }
0x4d: {  	_ =	shalt  }
0x4e: {  	_ =	shalt  }
0x4f: {  	_ =	shalt  }
0x50: {  	_ =	shalt  }
0x51: {  	_ =	shalt  }
0x52: {  	_ =	shalt  }
0x53: {  	_ =	shalt  }
0x54: {  	_ =	shalt  }
0x55: {  	_ =	shalt  }
0x56: {  	_ =	shalt  }
0x57: {  	_ =	shalt  }
0x58: {  	_ =	shalt  }
0x59: {  	_ =	shalt  }
0x5a: {  	_ =	shalt  }
0x5b: {  	_ =	shalt  }
0x5c: {  	_ =	shalt  }
0x5d: {  	_ =	shalt  }
0x5e: {  	_ =	shalt  }
0x5f: {  	_ =	shalt  }
0x60: {  	_ =	shalt  }
0x61: {  	_ =	shalt  }
0x62: {  	_ =	shalt  }
0x63: {  	_ =	shalt  }
0x64: {  	_ =	shalt  }
0x65: {  	_ =	shalt  }
0x66: {  	_ =	shalt  }
0x67: {  	_ =	shalt  }
0x68: {  	_ =	shalt  }
0x69: {  	_ =	shalt  }
0x6a: {  	_ =	shalt  }
0x6b: {  	_ =	shalt  }
0x6c: {  	_ =	shalt  }
0x6d: {  	_ =	shalt  }
0x6e: {  	_ =	shalt  }
0x6f: {  	_ =	shalt  }
0x70: {  	_ =	shalt  }
0x71: {  	_ =	shalt  }
0x72: {  	_ =	shalt  }
0x73: {  	_ =	shalt  }
0x74: {  	_ =	shalt  }
0x75: {  	_ =	shalt  }
0x76: {  	_ =	shalt  }
0x77: {  	_ =	shalt  }
0x78: {  	_ =	shalt  }
0x79: {  	_ =	shalt  }
0x7a: {  	_ =	shalt  }
0x7b: {  	_ =	shalt  }
0x7c: {  	_ =	shalt  }
0x7d: {  	_ =	shalt  }
0x7e: {  	_ =	shalt  }
0x7f: {  	_ =	shalt  }
0x80: {  	_ =	shalt  }
0x81: {  	_ =	shalt  }
0x82: {  	_ =	shalt  }
0x83: {  	_ =	shalt  }
0x84: {  	_ =	shalt  }
0x85: {  	_ =	shalt  }
0x86: {  	_ =	shalt  }
0x87: {  	_ =	shalt  }
.Lfunc_end0:
.L_simem_size_0:
called_computation_lowered:
.L_overlay_start_0:
0x88: {  	s2 =	sld [smem:$0x3FD9]  }
0x89: {  	s3 =	sld [smem:$0x3FFE];
	_ =	sdelay $0x1  }
0x8a: {  	s1 =	srdreg.scid  }
0x8b: {  	s0 =	sand.u32 $0x1, s1  }
0x8c: {  	s17 =	sshll.u32 s0, $0xA;
	s2 =	sadd.s32 s3, s2  }
0x8d: {  	s2 =	sadd.s32 s2, s17  }
0x8e: {  	[smem:$0x3FC2] =	sst s2  }
0x8f: {  	_ = 	snop  }
0x90: {  	s2 =	sld [smem:$0x3FD0];
	(tm) =	ssettm $0x1  }
0x91: {  	s18 =	sld [smem:$0x3FFB];
	_ =	sdelay $0x3  }
0x92: {  	_ =	strace s18  }
0x93: {  	s3 =	sld [smem:$0x3FFC];
	_ =	sdelay $0x3  }
0x94: {  	_ =	strace s3  }
0x95: {  	s3 =	sld [smem:$0x3FFD];
	_ =	sdelay $0x3  }
0x96: {  	_ =	strace s3  }
0x97: {  	_ =	strace $0x8FFFFFFF  }
0x98: {  	s19 =	sld [smem:$0x3FDB];
	_ =	sdelay $0x1  }
0x99: {  	s4 =	simm.s32 $_scs_section_size  }
0x9a: {  	s5 =	simm.s32 $_size__tile_overlayer_lowered;
	s6 =	simm.s32 $_tile_overlayer_lowered  }
0x9b: {  	s22 =	simm.s32 $0x1BFF;
	s21 =	sshll.u32 s6, $0x1;
	s3 =	sadd.s32 s4, s19  }
0x9c: {  	s7 =	simm.s32 $0x0;
	s20 =	sshll.u32 s5, $0x1;
	s5 =	sadd.s32 s21, s3  }
0x9d: {  	[timem:s7], [sflag:s22] =	dma.local [hbm:s5], s20  }
0x9e: {  	_ =	swait.ge [sflag:s22], s20  }
0x9f: {  	s4 =	ssub.s32 $0x0, s20;
	[sflag:s22] =	ssyncset.done $0x0  }
0xa0: {  	[sflag:s22] =	ssyncadd.s32 s4;
	_ =	sdelay $0x1  }
0xa1: {  	s23 =	simm.s32 $0x1B8B  }
0xa2: {  	_ =	swait.ge [sflag:s23], $0x1  }
0xa3: {  	[sflag:s23] =	ssyncset.done $0x0  }
0xa4: {  	s25 =	simm.s32 $0x1B8E;
	s24 =	sld [smem:$0x3FFE];
	[sflag:s23] =	ssyncadd.s32 $0xFFFFFFFF  }
0xa5: {  	s26 =	simm.s32 $execute0_lowered;
	[smem:$0x3FD2] =	sst s25  }
0xa6: {  	s5 =	sshll.u32 s26, $0x1;
	_ =	strace $0x80000046;
	[dreg:$0x1] =	wrdreg $0xFFFFFFFF  }
0xa7: {  	s28 =	simm.s32 $_size_execute0_lowered;
	s3 =	sadd.s32 s3, s5;
	[dreg:$0x0] =	wrdreg $0x0  }
0xa8: {  	s5 =	sshll.u32 s28, $0x1;
	[dreg:$0x2] =	wrdreg s3  }
0xa9: {  	[dreg:$0x3] =	wrdreg s5  }
0xaa: {  	[dreg:$0x4] =	wrdreg $0xC0  }
0xab: {  	_ =	task [dreg:s7], $0x5FFFF  }
0xac: {  	[dreg:$0x1] =	wrdreg $0xFFFFFFFF  }
0xad: {  	[dreg:$0x0] =	wrdreg $0x60  }
0xae: {  	[dreg:$0x2] =	wrdreg s24  }
0xaf: {  	[dreg:$0x3] =	wrdreg s2  }
0xb0: {  	[dreg:$0x4] =	wrdreg $0x57800  }
0xb1: {  	[dreg:$0x5] =	wrdreg $0x9  }
0xb2: {  	_ =	task.clear_ibuf [dreg:s7], $0x6FFFF;
	_ =	strace $0x90000046  }
0xb3: {  	s29 =	simm.s32 $0x9;
	_ =	strace $0x80000048  }
0xb4: {  	_ =	swait.ge [sflag:s29], $0x1  }
0xb5: {  	[sflag:s29] =	ssyncadd.s32 $0xFFFFFFFF  }
0xb6: {  	_ =	strace $0x90000048  }
0xb7: {  	_ =	sfence  }
0xb8: {  	s30 =	sld [smem:$0x0];
	_ =	sdelay $0x2  }
0xb9: {  	s31 =	sshll.u32 s1, $0xD;
	s1 =	sshrl.u32 s1, $0x2  }
0xba: {  	s3 =	sand.u32 $0x4000, s31;
	s1 =	sadd.s32 s1, s30  }
0xbb: {  	s0 =	sor.u32 s3, s0;
	s1 =	sshll.u32 s1, $0x11  }
0xbc: {  	s0 =	sor.u32 s1, s0  }
0xbd: {  	s0 =	sadd.s32 $0x8F2B, s0  }
0xbe: {  	[sflag:s0] =	ssyncadd.remote.s32 $0x1  }
0xbf: {  	_ =	sfence.sel $0xFFFF  }
0xc0: {  	[dreg:$0x0] =	wrdreg $0xFFFFFFFF;
	(pc) =	sbr.abs _section_cstart, $3  }
0xc1: {  	[dreg:$0x1] =	wrdreg $0xFFFFFFFF  }
0xc2: {  	_ =	task.clear_ibuf [dreg:s7], $0x2FFFF;
	_ =	strace $0x9FFFFFFF  }
0xc3: {  	(tm) =	ssettm $0x7FFFFFFF  }
tec
execute0_lowered:
.L_overlay_start_1:
0x0: {  	(tag) =	ssettag $0x1  }
0x1: {  	s5 =	rddreg [dreg:$0x0]  }
0x2: {  	s0 =	srdreg.scid;
	s7 =	rddreg [dreg:$0x1]  }
0x3: {  	s2 =	rddreg [dreg:$0x2];
	s3 =	simm.s32 $0x0;
	s13 =	simm.s32 $0x1  }
0x4: {  	s16 =	simm.s32 $0x0;
	s4 =	sand.u32 $0x1, s0;
	s0 =	stileid.u32  }
0x5: {  	[smem:$0x7FF] =	sst s3;
	s1 =	sshll.u32 s4, $0x4;
	s30 =	smul.u32 $0x2800, s0  }
0x6: {  	s10 =	ssub.s32 $0x2, s4;
	s11 =	smul.u32 $0x28000, s4;
	s4 =	sadd.s32 $0x16200, s5  }
0x7: {  	s14 =	sshll.u32 s0, $0x6;
	s9 =	sor.u32 s0, s1;
	s1 =	rddreg [dreg:$0x3]  }
0x8: {  	_ =	strace $0x80000047;
	s12 =	sshrl.u32 s10, $0x1;
	s6 =	smul.u32 $0x4E, s9  }
0x9: {  	s14 =	sor.u32 $0x1C02, s14;
	s8 =	smin.u32 s9, $0x4;
	s10 =	ssub.s32 s10, s12  }
0xa: {  	s11 =	sadd.s32 s30, s11;
	p0 =	sgt.u32 s9, $0x3;
	s6 =	sadd.s32 s8, s6  }
0xb: {  	s9 =	simm.s32 $0x2780;
	s12 =	simm.s32 $0x80;
	s6 =	sshll.u32 s6, $0x4  }
0xc: {  	s31 =	sshrl.u32 s11, $0x3;
	s11 =	simm.s32 $0x2F80;
	s6 =	sadd.s32 s6, s5  }
0xd: {  	s7 =	sadd.s32 s7, s31;
	s5 =	sadd.s32 $0xC400, s6;
	s6 =	sadd.s32 s30, s2  }
0xe: {  	v0 =	vimm.f32 $0.0e+00;
	s8 =	smax.u32 s10, $0x1;
	s10 =	simm.s32 $0x2;
	s15 =	sshrl.u32 s6, $0x3  }
.LBB2_1:
0xf: {  	s17 =	simm.s32 @p0 $0x0  }
0x10: {  	[tilespmem:s17], [sflag:$0x2] =	stream.linear.gather @p0 [hbm4b:s5+s17], $0x2700, $0x38;
	[tilespmem:$0x7F80] =	vst v63  }
0x11: {  	s17 =	simm.s32 @p0 $0x2  }
0x12: {  	_ =	swait.ge @p0 [sflag:s17], $0x2700  }
0x13: {  	[sflag:s17] =	ssyncset.done @p0 $0x0  }
0x14: {  	[sflag:s17] =	ssyncadd.s32 @p0 $0xFFFFD900;
	s17 =	simm.s32 @!p0 $0x0  }
0x15: {  	[tilespmem:s17], [sflag:$0x2] =	stream.linear.gather @!p0 [hbm4b:s5+s17], $0x2780, $0x38;
	[tilespmem:$0x7F80] =	vst v63  }
0x16: {  	s17 =	simm.s32 @!p0 $0x2  }
0x17: {  	_ =	swait.ge @!p0 [sflag:s17], $0x2780  }
0x18: {  	[sflag:s17] =	ssyncset.done @!p0 $0x0  }
0x19: {  	[sflag:s17] =	ssyncadd.s32 @!p0 $0xFFFFD880  }
0x1a: {  	[tilespmem:s9], [sflag:$0x2] =	stream.linear.gather [hbm4b:s4+s3], $0x800, $0x38;
	[tilespmem:$0x7F80] =	vst v63  }
0x1b: {  	_ =	swait.ge [sflag:s10], $0x800  }
0x1c: {  	[sflag:s10] =	ssyncset.done $0x0  }
0x1d: {  	s18 =	simm.s32 $0x0;
	s17 =	simm.s32 $0x40;
	[sflag:s10] =	ssyncadd.s32 $0xFFFFF800  }
.LBB2_2:
0x1e: {  	p1 =	sne.s32 s17, $0x9FC0;
	[tilespmem:s18+$0x2F80] =	vst v0;
	s18 =	smov.u32 s17;
	s17 =	sadd.s32 $0x40, s17  }
.Ltmp0:
0x1f: {  	(pc) =	sbr.rel @p1 .LBB2_2-.Ltmp0, $2  }
0x20: {  	_ =	sdelay $0x2  }
0x21: {  	s18 =	sshra.s32 s18, $0x2  }
0x22: {  	[tilespmem:s18+$0x2F80] =	vst v0  }
0x23: {  	[spmem:s6] =	stream.linear.scatter [tilespmem:s11], [sflag:$0x2], $0x2800, $0x38;
	[tilespmem:$0x7F80] =	vst v63  }
0x24: {  	_ =	swait.ge [sflag:s10], $0x2800  }
0x25: {  	[sflag:s10] =	ssyncset.done $0x0  }
0x26: {  	[sflag:s10] =	ssyncadd.s32 $0xFFFFD800  }
0x27: {  	s17 =	simm.s32 $0x0;
	[bflag:$0x0] =	sbarrier.arrive $0xFFFF  }
0x28: {  	[spmem:s2] =	stream.indirect.scatter.add.f32 [tilespmem:s9], [sflag:$0x1], $0x10, s17, s12, $0xb8;
	[tilespmem:$0x7F80] =	vst v63  }
0x29: {  	s26 =	simm.s32 $0x80  }
0x2a: {  	[spmem:s2] =	stream.indirect.scatter.add.f32 [tilespmem:s9], [sflag:$0x1], $0x10, s26, s12, $0xb8;
	[tilespmem:$0x7F80] =	vst v63  }
0x2b: {  	s28 =	simm.s32 $0x100  }
0x2c: {  	[spmem:s2] =	stream.indirect.scatter.add.f32 [tilespmem:s9], [sflag:$0x1], $0x10, s28, s12, $0xb8;
	[tilespmem:$0x7F80] =	vst v63  }
0x2d: {  	s29 =	simm.s32 $0x180  }
0x2e: {  	[spmem:s2] =	stream.indirect.scatter.add.f32 [tilespmem:s9], [sflag:$0x1], $0x10, s29, s12, $0xb8;
	[tilespmem:$0x7F80] =	vst v63  }
0x2f: {  	s30 =	simm.s32 $0x200  }
0x30: {  	[spmem:s2] =	stream.indirect.scatter.add.f32 [tilespmem:s9], [sflag:$0x1], $0x10, s30, s12, $0xb8;
	[tilespmem:$0x7F80] =	vst v63  }
0x31: {  	s31 =	simm.s32 $0x280  }
0x32: {  	[spmem:s2] =	stream.indirect.scatter.add.f32 [tilespmem:s9], [sflag:$0x1], $0x10, s31, s12, $0xb8;
	[tilespmem:$0x7F80] =	vst v63  }
0x33: {  	_ =	swait.ge [sflag:s13], $0x800  }
0x34: {  	[sflag:s13] =	ssyncset.done $0x0  }
0x35: {  	[sflag:s13] =	ssyncadd.s32 $0xFFFFF800  }
0x36: {  	_ =	swait.ge [sflag:s13], $0x800  }
0x37: {  	[sflag:s13] =	ssyncset.done $0x0  }
0x38: {  	[sflag:s13] =	ssyncadd.s32 $0xFFFFF800  }
0x39: {  	_ =	swait.ge [sflag:s13], $0x800  }
0x3a: {  	[sflag:s13] =	ssyncset.done $0x0  }
0x3b: {  	[sflag:s13] =	ssyncadd.s32 $0xFFFFF800  }
0x3c: {  	_ =	swait.ge [sflag:s13], $0x800  }
0x3d: {  	[sflag:s13] =	ssyncset.done $0x0  }
0x3e: {  	[sflag:s13] =	ssyncadd.s32 $0xFFFFF800  }
0x3f: {  	_ =	swait.ge [sflag:s13], $0x800  }
0x40: {  	[sflag:s13] =	ssyncset.done $0x0  }
0x41: {  	[sflag:s13] =	ssyncadd.s32 $0xFFFFF800  }
0x42: {  	_ =	swait.ge [sflag:s13], $0x800  }
0x43: {  	s18 =	simm.s32 $0x1800;
	s17 =	simm.s32 $0xC00;
	[sflag:s13] =	ssyncset.done $0x0  }
.LBB2_4:
0x44: {  	s19 =	sshra.s32 s17, $0x2  }
0x45: {  	[sflag:s13] =	ssyncadd.s32 $0xFFFFF800;
	s17 =	smov.u32 s18;
	s20 =	sadd.s32 $0xC00, s18  }
0x46: {  	[spmem:s2] =	stream.indirect.scatter.add.f32 [tilespmem:s9], [sflag:$0x1], $0x10, s19, s12, $0xb8;
	[tilespmem:$0x7F80] =	vst v63  }
0x47: {  	p1 =	sne.s32 s18, $0x9000;
	s18 =	sadd.s32 $0x80, s19  }
0x48: {  	[spmem:s2] =	stream.indirect.scatter.add.f32 [tilespmem:s9], [sflag:$0x1], $0x10, s18, s12, $0xb8;
	[tilespmem:$0x7F80] =	vst v63  }
0x49: {  	s18 =	sadd.s32 $0x100, s19  }
0x4a: {  	[spmem:s2] =	stream.indirect.scatter.add.f32 [tilespmem:s9], [sflag:$0x1], $0x10, s18, s12, $0xb8;
	[tilespmem:$0x7F80] =	vst v63  }
0x4b: {  	s18 =	sadd.s32 $0x180, s19  }
0x4c: {  	[spmem:s2] =	stream.indirect.scatter.add.f32 [tilespmem:s9], [sflag:$0x1], $0x10, s18, s12, $0xb8;
	[tilespmem:$0x7F80] =	vst v63  }
0x4d: {  	s18 =	sadd.s32 $0x200, s19  }
0x4e: {  	[spmem:s2] =	stream.indirect.scatter.add.f32 [tilespmem:s9], [sflag:$0x1], $0x10, s18, s12, $0xb8;
	[tilespmem:$0x7F80] =	vst v63  }
0x4f: {  	s18 =	sadd.s32 $0x280, s19  }
0x50: {  	[spmem:s2] =	stream.indirect.scatter.add.f32 [tilespmem:s9], [sflag:$0x1], $0x10, s18, s12, $0xb8;
	[tilespmem:$0x7F80] =	vst v63  }
0x51: {  	_ =	swait.ge [sflag:s13], $0x800  }
0x52: {  	[sflag:s13] =	ssyncset.done $0x0  }
0x53: {  	[sflag:s13] =	ssyncadd.s32 $0xFFFFF800  }
0x54: {  	_ =	swait.ge [sflag:s13], $0x800  }
0x55: {  	[sflag:s13] =	ssyncset.done $0x0  }
0x56: {  	[sflag:s13] =	ssyncadd.s32 $0xFFFFF800  }
0x57: {  	_ =	swait.ge [sflag:s13], $0x800  }
0x58: {  	[sflag:s13] =	ssyncset.done $0x0  }
0x59: {  	[sflag:s13] =	ssyncadd.s32 $0xFFFFF800  }
0x5a: {  	_ =	swait.ge [sflag:s13], $0x800  }
0x5b: {  	[sflag:s13] =	ssyncset.done $0x0  }
0x5c: {  	[sflag:s13] =	ssyncadd.s32 $0xFFFFF800  }
.Ltmp1:
0x5d: {  	_ =	swait.ge [sflag:s13], $0x800;
	(pc) =	sbr.rel @p1 .LBB2_4-.Ltmp1, $4  }
0x5e: {  	[sflag:s13] =	ssyncset.done $0x0  }
0x5f: {  	[sflag:s13] =	ssyncadd.s32 $0xFFFFF800  }
0x60: {  	_ =	swait.ge [sflag:s13], $0x800  }
0x61: {  	s18 =	smov.u32 s20;
	[sflag:s13] =	ssyncset.done $0x0  }
0x62: {  	s17 =	sshra.s32 s17, $0x2;
	[sflag:s13] =	ssyncadd.s32 $0xFFFFF800  }
0x63: {  	[spmem:s2] =	stream.indirect.scatter.add.f32 [tilespmem:s9], [sflag:$0x1], $0x10, s17, s12, $0xb8;
	[tilespmem:$0x7F80] =	vst v63  }
0x64: {  	s18 =	sadd.s32 $0x80, s17  }
0x65: {  	[spmem:s2] =	stream.indirect.scatter.add.f32 [tilespmem:s9], [sflag:$0x1], $0x10, s18, s12, $0xb8;
	[tilespmem:$0x7F80] =	vst v63  }
0x66: {  	s29 =	sadd.s32 $0x100, s17  }
0x67: {  	[spmem:s2] =	stream.indirect.scatter.add.f32 [tilespmem:s9], [sflag:$0x1], $0x10, s29, s12, $0xb8;
	[tilespmem:$0x7F80] =	vst v63  }
0x68: {  	s30 =	sadd.s32 $0x180, s17  }
0x69: {  	[spmem:s2] =	stream.indirect.scatter.add.f32 [tilespmem:s9], [sflag:$0x1], $0x10, s30, s12, $0xb8;
	[tilespmem:$0x7F80] =	vst v63  }
0x6a: {  	s31 =	sadd.s32 $0x200, s17  }
0x6b: {  	[spmem:s2] =	stream.indirect.scatter.add.f32 [tilespmem:s9], [sflag:$0x1], $0x10, s31, s12, $0xb8;
	[tilespmem:$0x7F80] =	vst v63  }
0x6c: {  	s17 =	sadd.s32 $0x280, s17  }
0x6d: {  	[spmem:s2] =	stream.indirect.scatter.add.f32 [tilespmem:s9], [sflag:$0x1], $0x10, s17, s12, $0xb8;
	[tilespmem:$0x7F80] =	vst v63  }
0x6e: {  	_ =	swait.ge [sflag:s13], $0x800  }
0x6f: {  	[sflag:s13] =	ssyncset.done $0x0  }
0x70: {  	[sflag:s13] =	ssyncadd.s32 $0xFFFFF800  }
0x71: {  	_ =	swait.ge [sflag:s13], $0x800  }
0x72: {  	[sflag:s13] =	ssyncset.done $0x0  }
0x73: {  	[sflag:s13] =	ssyncadd.s32 $0xFFFFF800  }
0x74: {  	_ =	swait.ge [sflag:s13], $0x800  }
0x75: {  	[sflag:s13] =	ssyncset.done $0x0  }
0x76: {  	[sflag:s13] =	ssyncadd.s32 $0xFFFFF800  }
0x77: {  	_ =	swait.ge [sflag:s13], $0x800  }
0x78: {  	[sflag:s13] =	ssyncset.done $0x0  }
0x79: {  	[sflag:s13] =	ssyncadd.s32 $0xFFFFF800  }
0x7a: {  	_ =	swait.ge [sflag:s13], $0x800  }
0x7b: {  	[sflag:s13] =	ssyncset.done $0x0  }
0x7c: {  	[sflag:s13] =	ssyncadd.s32 $0xFFFFF800  }
0x7d: {  	_ =	swait.ge [sflag:s13], $0x800  }
0x7e: {  	s19 =	simm.s32 @!p0 $0x2780;
	[sflag:s13] =	ssyncset.done $0x0  }
0x7f: {  	s18 =	simm.s32 @!p0 $0x2700;
	s17 =	simm.s32 @!p0 $0x80;
	[sflag:s13] =	ssyncadd.s32 $0xFFFFF800  }
0x80: {  	[spmem:s2] =	stream.indirect.scatter.add.f32 @!p0 [tilespmem:s19], [sflag:$0x2], $0x10, s18, s17, $0xb8;
	[tilespmem:$0x7F80] =	vst v63  }
0x81: {  	s17 =	simm.s32 @!p0 $0x2  }
0x82: {  	_ =	swait.ge @!p0 [sflag:s17], $0x800  }
0x83: {  	s16 =	sadd.s32 $0x1, s16;
	[sflag:s17] =	ssyncset.done @!p0 $0x0  }
0x84: {  	p1 =	sne.s32 s16, s8;
	[sflag:s17] =	ssyncadd.s32 @!p0 $0xFFFFF800  }
.Ltmp2:
0x85: {  	[bflag:$0x0] =	sbarrier.arrive $0xFFFF;
	(pc) =	sbr.rel @p1 .LBB2_1-.Ltmp2, $4  }
0x86: {  	[hbm:s7], [sflag:s14] =	dma.local [spmem:s15], $0x500  }
0x87: {  	_ =	swait.ge [sflag:s10], $0x500  }
0x88: {  	[sflag:s10] =	ssyncset.done $0x0  }
0x89: {  	[sflag:s10] =	ssyncadd.s32 $0xFFFFFB00  }
0x8a: {  	_ =	sfence.sel $0x180000  }
0x8b: {  	[bflag:$0x0] =	sbarrier.arrive $0xFFFF  }
0x8c: {  	p0 =	sne.s32 s0, $0x0;
	_ =	strace $0x90000047  }
0x8d: {  	s0 =	sadd.s32 @!p0 $0x100000, s1;
	[bflag:$0x2] =	sbarrier.arrive $0xFFFF  }
0x8e: {  	[sflag:s0] =	ssyncadd.tile.s32 @!p0 $0x1;
	_ =	shalt  }
.Lfunc_end2:
_tile_overlayer_lowered:
.L_overlay_start_2:
0x8f: {  	(tag) =	ssettag $0x2  }
0x90: {  	s0 =	rddreg [dreg:$0x0];
	s2 =	stileid.u32  }
0x91: {  	s1 =	rddreg [dreg:$0x1];
	p0 =	sne.s32 s2, $0x0  }
0x92: {  	s3 =	rddreg [dreg:$0x2];
	[bflag:$0x3] =	sbarrier.arrive $0xFFFF;
	s2 =	simm.s32 @!p0 $0x1C02  }
0x93: {  	[timem:s3], [sflag:s2] =	dma.local @!p0 [hbm:s0], s1  }
0x94: {  	s0 =	simm.s32 @!p0 $0x2  }
0x95: {  	_ =	swait.ge @!p0 [sflag:s0], s1  }
0x96: {  	s1 =	ssub.s32 @!p0 $0x0, s1;
	[sflag:s0] =	ssyncset.done @!p0 $0x0  }
0x97: {  	[sflag:s0] =	ssyncadd.s32 @!p0 s1  }
0x98: {  	[bflag:$0x3] =	sbarrier.arrive $0xFFFF  }
0x99: {  	_ =	shalt  }

</sc_bundles>
